<compile_context>
chip_gen: v7x
topology: tpu7x:2x2x1
jax: 0.10.2.dev20260603
libtpu: 0.0.44.dev20260713+nightly
codegen_flags: <defaults>
</compile_context>

<pallas_src>
import functools

import jax
import jax.numpy as jnp
from jax import lax
from jax.experimental import pallas as pl
from jax.experimental.pallas import tpu as pltpu, tpu_sc as plsc

_N = 20000
_P = 20480
_NCH = _N // 16
_B = 16
_K = 200
_KPAD = 208
_THR = 0.7
_OVR = 0.5
_NB = 32


def _dense_body(cls_ref, loc_ref, dft_ref, sc_ref, st_ref, en_ref):
    x0 = cls_ref[0, 0:1, :]
    x1 = cls_ref[0, 1:2, :]
    x2 = cls_ref[0, 2:3, :]
    m = jnp.maximum(x0, jnp.maximum(x1, x2))
    e0 = jnp.exp(x0 - m)
    e1 = jnp.exp(x1 - m)
    e2 = jnp.exp(x2 - m)
    s = e0 + e1 + e2
    sc_ref[0, 0:1, :] = e1 / s
    sc_ref[0, 1:2, :] = e2 / s
    l0 = loc_ref[0, 0:1, :]
    l1 = loc_ref[0, 1:2, :]
    d0 = dft_ref[0:1, :]
    d1 = dft_ref[1:2, :]
    centers = d0 + 0.1 * l0 * d1
    widths = d1 * jnp.exp(0.2 * l1)
    st = centers - widths / 2.0
    st_ref[0] = st
    en_ref[0] = st + widths


_dense = pl.pallas_call(
    _dense_body,
    grid=(_B,),
    in_specs=[
        pl.BlockSpec((1, 3, _N), lambda b: (b, 0, 0)),
        pl.BlockSpec((1, 2, _N), lambda b: (b, 0, 0)),
        pl.BlockSpec((2, _N), lambda b: (0, 0)),
    ],
    out_specs=[
        pl.BlockSpec((1, 2, _N), lambda b: (b, 0, 0)),
        pl.BlockSpec((1, 1, _N), lambda b: (b, 0, 0)),
        pl.BlockSpec((1, 1, _N), lambda b: (b, 0, 0)),
    ],
    out_shape=[
        jax.ShapeDtypeStruct((_B, 2, _N), jnp.float32),
        jax.ShapeDtypeStruct((_B, 1, _N), jnp.float32),
        jax.ShapeDtypeStruct((_B, 1, _N), jnp.float32),
    ],
)


@functools.partial(
    pl.kernel,
    out_type=jax.ShapeDtypeStruct((32, 3 * _KPAD), jnp.float32),
    mesh=plsc.VectorSubcoreMesh(
        core_axis_name="c", subcore_axis_name="s", num_cores=2, num_subcores=16
    ),
    compiler_params=pltpu.CompilerParams(needs_layout_passes=False),
    scratch_types=[
        pltpu.VMEM((_N,), jnp.float32),
        pltpu.VMEM((_N,), jnp.float32),
        pltpu.VMEM((_N,), jnp.float32),
        pltpu.VMEM((_P,), jnp.float32),
        pltpu.VMEM((_P,), jnp.int32),
        pltpu.VMEM((_NB * 16,), jnp.int32),
        pltpu.VMEM((_KPAD,), jnp.float32),
        pltpu.VMEM((_KPAD,), jnp.int32),
        pltpu.VMEM((_KPAD,), jnp.float32),
        pltpu.VMEM((_KPAD,), jnp.float32),
        pltpu.VMEM((_KPAD,), jnp.float32),
        pltpu.VMEM((_KPAD,), jnp.float32),
        pltpu.VMEM((_KPAD,), jnp.float32),
        pltpu.VMEM((3 * _KPAD,), jnp.float32),
    ],
)
def _select_nms(scores_hbm, starts_hbm, ends_hbm, out_hbm,
                sc_v, st_v, en_v, cv, ci, hist,
                tval, tpos, tst, ten, areas, supp, keep, ob):
    w = lax.axis_index("s") * 2 + lax.axis_index("c")
    b = w // 2
    pltpu.sync_copy(scores_hbm.at[w], sc_v)
    pltpu.sync_copy(starts_hbm.at[b], st_v)
    pltpu.sync_copy(ends_hbm.at[b], en_v)

    iota16 = lax.iota(jnp.int32, 16)
    lane0 = iota16 == 0
    zf = jnp.zeros((16,), jnp.float32)
    negf = jnp.full((16,), -1.0, jnp.float32)
    zi = jnp.zeros((16,), jnp.int32)
    onei = jnp.full((16,), 1, jnp.int32)

    def comp_one(base, cnt):
        v = sc_v[pl.ds(base, 16)]
        msk = v > _THR
        plsc.store_compressed(cv.at[pl.ds(cnt, 16)], v, mask=msk)
        plsc.store_compressed(ci.at[pl.ds(cnt, 16)], iota16 + base, mask=msk)
        return plsc.all_reduce_population_count(msk)

    def comp_quad(q, cnt):
        base = q * 64
        pc0 = comp_one(base, cnt)
        c1 = cnt + pc0[0]
        pc1 = comp_one(base + 16, c1)
        c2 = c1 + pc1[0]
        pc2 = comp_one(base + 32, c2)
        c3 = c2 + pc2[0]
        pc3 = comp_one(base + 48, c3)
        return c3 + pc3[0]

    m_count = lax.fori_loop(0, _NCH // 4, comp_quad, jnp.int32(0))
    for t in range(_NCH - _NCH % 4, _NCH):
        m_count = m_count + comp_one(t * 16, m_count)[0]

    cv[pl.ds(m_count, 16)] = negf
    ci[pl.ds(m_count, 16)] = zi

    for j in range(_NB):
        hist[pl.ds(j * 16, 16)] = zi
    nch = (m_count + 15) // 16
    binv = jnp.float32(_NB / 0.3)

    def hist_body(j, _):
        v = cv[pl.ds(j * 16, 16)]
        bk = jnp.clip((v - _THR) * binv, 0.0, _NB - 1.0).astype(jnp.int32)
        plsc.addupdate_scatter(hist, [iota16 * _NB + bk], onei, mask=v > _THR)
        return 0

    lax.fori_loop(0, nch, hist_body, 0)

    c0 = jnp.zeros((16,), jnp.int32)
    c1 = jnp.zeros((16,), jnp.int32)
    for s in range(16):
        c0 = c0 + hist[pl.ds(s * _NB, 16)]
        c1 = c1 + hist[pl.ds(s * _NB + 16, 16)]
    cum0 = plsc.cumsum(c0)
    cum1 = plsc.cumsum(c1)
    e0 = cum0 - c0
    e1 = cum1 - c1 + cum0[15]
    lim = m_count - _K
    negi = jnp.full((16,), -1, jnp.int32)
    k0 = jnp.max(jnp.where(e0 <= lim, iota16, negi))
    k1 = jnp.max(jnp.where(e1 <= lim, iota16 + 16, negi))
    selb = jnp.maximum(k0, k1)
    thr2 = jnp.where(
        selb >= 0,
        _THR + (selb.astype(jnp.float32) - 0.5) * jnp.float32(0.3 / _NB),
        0.0,
    )

    def rc_body(j, cnt):
        v = cv[pl.ds(j * 16, 16)]
        ii = ci[pl.ds(j * 16, 16)]
        msk = v > thr2
        plsc.store_compressed(cv.at[pl.ds(cnt, 16)], v, mask=msk)
        plsc.store_compressed(ci.at[pl.ds(cnt, 16)], ii, mask=msk)
        return cnt + plsc.all_reduce_population_count(msk)[0]

    m2 = lax.fori_loop(0, nch, rc_body, jnp.int32(0))
    for t in range(4):
        cv[pl.ds(m2 + t * 16, 16)] = negf
    ci[pl.ds(m2, 16)] = zi

    for j in range(_KPAD // 16):
        sl = pl.ds(j * 16, 16)
        tval[sl] = negf
        tpos[sl] = zi
        keep[sl] = zf

    t_count = jnp.minimum(m_count, _K)
    nq2 = (m2 + 63) // 64
    big = jnp.int32(2 ** 30)

    def ext_body(k, _):
        def scan_body(q, carry):
            bv, bp = carry
            base = q * 64
            v0 = cv[pl.ds(base, 16)]
            v1 = cv[pl.ds(base + 16, 16)]
            v2 = cv[pl.ds(base + 32, 16)]
            v3 = cv[pl.ds(base + 48, 16)]
            p0 = iota16 + base
            t01 = v1 > v0
            va = jnp.where(t01, v1, v0)
            pa = jnp.where(t01, p0 + 16, p0)
            t23 = v3 > v2
            vb = jnp.where(t23, v3, v2)
            pb = jnp.where(t23, p0 + 48, p0 + 32)
            tab = vb > va
            vq = jnp.where(tab, vb, va)
            pq = jnp.where(tab, pb, pa)
            tq = vq > bv
            return (jnp.where(tq, vq, bv), jnp.where(tq, pq, bp))

        bv, bp = lax.fori_loop(
            0, nq2, scan_body,
            (jnp.full((16,), -2.0, jnp.float32), jnp.full((16,), big)),
        )
        m = jnp.max(bv)
        pos = jnp.min(jnp.where(bv == m, bp, big))
        ksplat = jnp.full((16,), k)
        plsc.store_scatter(tval, [ksplat], jnp.full((16,), m), mask=lane0)
        plsc.store_scatter(tpos, [ksplat], jnp.full((16,), pos), mask=lane0)
        plsc.store_scatter(cv, [jnp.full((16,), pos)], negf, mask=lane0)
        return 0

    lax.fori_loop(0, t_count, ext_body, 0)

    for j in range(_KPAD // 16):
        sl = pl.ds(j * 16, 16)
        aidx = plsc.load_gather(ci, [tpos[sl]])
        x = plsc.load_gather(st_v, [aidx])
        y = plsc.load_gather(en_v, [aidx])
        tst[sl] = x
        ten[sl] = y
        areas[sl] = y - x
        supp[sl] = jnp.where(tval[sl] > _THR, 0.0, 1.0)

    def nms_body(i, _):
        isp = jnp.full((16,), i)
        sup_i = plsc.load_gather(supp, [isp])[0]

        @pl.when(sup_i == 0.0)
        def _():
            x_i = plsc.load_gather(tst, [isp])
            y_i = plsc.load_gather(ten, [isp])
            a_i = y_i - x_i
            plsc.store_scatter(keep, [isp], jnp.full((16,), 1.0), mask=lane0)
            for j in range(_KPAD // 16):
                sl = pl.ds(j * 16, 16)
                x = tst[sl]
                y = ten[sl]
                xx = jnp.maximum(x, x_i)
                yy = jnp.minimum(y, y_i)
                inter = jnp.maximum(yy - xx, 0.0)
                union = jnp.maximum(areas[sl] + a_i - inter, 1e-12)
                iou = inter / union
                gidx = iota16 + j * 16
                newly = jnp.logical_and(iou > _OVR, gidx != i)
                supp[sl] = jnp.where(newly, 1.0, supp[sl])

        return 0

    lax.fori_loop(0, _K, nms_body, 0)

    for j in range(_KPAD // 16):
        sl = pl.ds(j * 16, 16)
        kf = keep[sl] > 0.0
        ob[pl.ds(j * 16, 16)] = jnp.where(kf, tst[sl], 0.0)
        ob[pl.ds(_KPAD + j * 16, 16)] = jnp.where(kf, ten[sl], 0.0)
        ob[pl.ds(2 * _KPAD + j * 16, 16)] = jnp.where(kf, tval[sl], 0.0)
    pltpu.sync_copy(ob, out_hbm.at[w])


def kernel(localizations, classifications, localizations_default):
    cls_t = jnp.transpose(classifications, (0, 2, 1))
    loc_t = jnp.transpose(localizations, (0, 2, 1))
    dft_t = localizations_default.T

    scores, starts, ends = _dense(cls_t, loc_t, dft_t)
    out = _select_nms(
        scores.reshape(2 * _B, _N),
        starts.reshape(_B, _N),
        ends.reshape(_B, _N),
    )
    out = out.reshape(32, 3, _KPAD)[:, :, :_K]
    return out.reshape(_B, 2, 3, _K).transpose(0, 1, 3, 2)

# --- scband reference (transcript-rebuilt; emitter-appended) ---
"""Pipeline reference for scband-detection-44848048505355 (READ-ONLY COPY).

The authoritative reference and input builder live on the scoring server;
editing this copy changes nothing except your own understanding.
"""

import jax, jax.numpy as jnp
import numpy as np

N_CLASSES = 3
OVERLAP = 0.5
THRESHOLD = 0.7
TOP_K = 200

def decode(loc, default):
    # DOSED-style decode: center/width offsets relative to default anchors
    centers = default[:, 0] + 0.1 * loc[:, 0] * default[:, 1]
    widths = default[:, 1] * jnp.exp(0.2 * loc[:, 1])
    starts = centers - widths / 2.0
    ends = starts + widths
    return jnp.stack([starts, ends], axis=1)

def nms_fixed(locs, scr):
    # fixed-shape faithful 1D NMS: threshold, take top-200 by score, greedy IoU suppression
    valid = scr > THRESHOLD
    scr_m = jnp.where(valid, scr, -jnp.inf)
    vals, order = jax.lax.top_k(scr_m, TOP_K)
    x = locs[order, 0]
    y = locs[order, 1]
    areas = y - x
    suppressed0 = jnp.logical_not(jnp.isfinite(vals))
    keep0 = jnp.zeros((TOP_K,), dtype=bool)
    def body(i, state):
        keep, suppressed = state
        is_keep = jnp.logical_not(suppressed[i])
        keep = keep.at[i].set(is_keep)
        xx = jnp.maximum(x, x[i])
        yy = jnp.minimum(y, y[i])
        inter = jnp.clip(yy - xx, 0.0, None)
        union = areas + areas[i] - inter
        iou = inter / jnp.maximum(union, 1e-12)
        newly = jnp.logical_and(is_keep, iou > OVERLAP)
        newly = newly.at[i].set(False)
        suppressed = jnp.logical_or(suppressed, newly)
        return (keep, suppressed)
    keep, _ = jax.lax.fori_loop(0, TOP_K, body, (keep0, suppressed0))
    start = jnp.where(keep, x, 0.0)
    end = jnp.where(keep, y, 0.0)
    sc = jnp.where(keep, vals, 0.0)
    return jnp.stack([start, end, sc], axis=1)

def setup_inputs(seed: int = 0):
    key = jax.random.key(seed)
    k1, k2, k3 = jax.random.split(key, 3)
    localizations = jax.random.normal(k1, (16, 20000, 2), dtype=jnp.float32)
    classifications = jax.random.normal(k2, (16, 20000, 3), dtype=jnp.float32)
    localizations_default = jax.random.uniform(k3, (20000, 2), dtype=jnp.float32, minval=0.05, maxval=1.0)
    return {"localizations": localizations, "classifications": classifications, "localizations_default": localizations_default}

def reference(localizations, classifications, localizations_default):
    scores = jax.nn.softmax(classifications, axis=-1)
    batch = localizations.shape[0]
    outs = []
    for b in range(batch):
        decoded = decode(localizations[b], localizations_default)
        per_class = []
        for c in range(1, N_CLASSES):
            per_class.append(nms_fixed(decoded, scores[b, :, c]))
        outs.append(jnp.stack(per_class, axis=0))
    # [batch, n_classes-1, TOP_K, 3] with (start, end, score); zero rows = suppressed/empty
    return jnp.stack(outs, axis=0)

if __name__ == "__main__":
    import jax
    _d = setup_inputs()
    print(jax.jit(kernel)(*tuple(_d.values())))

</pallas_src>

<mosaic_0001>
#map = affine_map<(d0, d1) -> (0, 0)>
module attributes {stable_mosaic.version = 14 : i64} {
  func.func @_select_nms(%arg0: i32, %arg1: i32, %arg2: memref<32x20000xf32, #tpu.memory_space<hbm>>, %arg3: memref<16x20000xf32, #tpu.memory_space<hbm>>, %arg4: memref<16x20000xf32, #tpu.memory_space<hbm>>, %arg5: memref<32x624xf32, #tpu.memory_space<hbm>>, %arg6: memref<20000xf32, #tpu.memory_space<vmem>>, %arg7: memref<20000xf32, #tpu.memory_space<vmem>>, %arg8: memref<20000xf32, #tpu.memory_space<vmem>>, %arg9: memref<20480xf32, #tpu.memory_space<vmem>>, %arg10: memref<20480xi32, #tpu.memory_space<vmem>>, %arg11: memref<512xi32, #tpu.memory_space<vmem>>, %arg12: memref<208xf32, #tpu.memory_space<vmem>>, %arg13: memref<208xi32, #tpu.memory_space<vmem>>, %arg14: memref<208xf32, #tpu.memory_space<vmem>>, %arg15: memref<208xf32, #tpu.memory_space<vmem>>, %arg16: memref<208xf32, #tpu.memory_space<vmem>>, %arg17: memref<208xf32, #tpu.memory_space<vmem>>, %arg18: memref<208xf32, #tpu.memory_space<vmem>>, %arg19: memref<624xf32, #tpu.memory_space<vmem>>) attributes {dimension_semantics = [#tpu.dimension_semantics<core_parallel>, #tpu.dimension_semantics<subcore_parallel>], iteration_bounds = array<i64: 2, 16>, scalar_prefetch = 0 : i64, scratch_operands = 14 : i64, tpu.core_type = #tpu.core_type<sc_vector_subcore>, window_params = [{transform_indices = #map}, {transform_indices = #map}, {transform_indices = #map}, {transform_indices = #map}]} {
    %mul3A = arith.constant 2 : i32
    %mul3A_0 = arith.muli %arg1, %mul3A : i32
    %add3A = arith.addi %mul3A_0, %arg0 : i32
    %jit3A = arith.constant 2 : i32
    %div3A = arith.divsi %add3A, %jit3A : i32
    %sign3A = arith.constant 0 : i32
    %sign3A_1 = arith.cmpi sgt, %add3A, %sign3A : i32
    %sign3A_2 = arith.extui %sign3A_1 : i1 to i32
    %sign3A_3 = arith.constant 0 : i32
    %sign3A_4 = arith.cmpi slt, %add3A, %sign3A_3 : i32
    %sign3A_5 = arith.extui %sign3A_4 : i1 to i32
    %sign3A_6 = arith.subi %sign3A_2, %sign3A_5 : i32
    %sign3A_7 = arith.constant 0 : i32
    %sign3A_8 = arith.cmpi sgt, %jit3A, %sign3A_7 : i32
    %sign3A_9 = arith.extui %sign3A_8 : i1 to i32
    %sign3A_10 = arith.constant 0 : i32
    %sign3A_11 = arith.cmpi slt, %jit3A, %sign3A_10 : i32
    %sign3A_12 = arith.extui %sign3A_11 : i1 to i32
    %sign3A_13 = arith.subi %sign3A_9, %sign3A_12 : i32
    %ne3A = arith.cmpi ne, %sign3A_6, %sign3A_13 : i32
    %rem3A = arith.remsi %add3A, %jit3A : i32
    %ne3A_14 = arith.constant 0 : i32
    %ne3A_15 = arith.cmpi ne, %rem3A, %ne3A_14 : i32
    %and3A = arith.andi %ne3A, %ne3A_15 : i1
    %sub3A = arith.constant 1 : i32
    %sub3A_16 = arith.subi %div3A, %sub3A : i32
    %select_n3A = arith.select %and3A, %sub3A_16, %div3A : i32
    "tpu.region"() ({
      %run_scoped3A = tpu.sem_alloc : memref<!tpu.dma_semaphore, #tpu.memory_space<semaphore_mem>>
      %dma_start3A = arith.constant 0 : i32
      %dma_start3A_1115 = tpu.memref_slice %arg2[%add3A, %dma_start3A] : memref<32x20000xf32, #tpu.memory_space<hbm>> -> memref<1x20000xf32, #tpu.memory_space<hbm>>
      %dma_start3A_1116 = tpu.memref_squeeze %dma_start3A_1115 : memref<1x20000xf32, #tpu.memory_space<hbm>> -> memref<20000xf32, #tpu.memory_space<hbm>>
      %dma_start3A_1117 = arith.constant 0 : i32
      %dma_start3A_1118 = tpu.memref_slice %arg2[%add3A, %dma_start3A_1117] : memref<32x20000xf32, #tpu.memory_space<hbm>> -> memref<1x20000xf32, #tpu.memory_space<hbm>>
      %dma_start3A_1119 = tpu.memref_squeeze %dma_start3A_1118 : memref<1x20000xf32, #tpu.memory_space<hbm>> -> memref<20000xf32, #tpu.memory_space<hbm>>
      tpu.enqueue_dma source(%dma_start3A_1119 : memref<20000xf32, #tpu.memory_space<hbm>>) target(%arg6 : memref<20000xf32, #tpu.memory_space<vmem>>) target_semaphore(%run_scoped3A : memref<!tpu.dma_semaphore, #tpu.memory_space<semaphore_mem>>)
      %dma_wait3A = arith.constant 0 : i32
      %dma_wait3A_1120 = tpu.memref_slice %arg2[%add3A, %dma_wait3A] : memref<32x20000xf32, #tpu.memory_space<hbm>> -> memref<1x20000xf32, #tpu.memory_space<hbm>>
      %dma_wait3A_1121 = tpu.memref_squeeze %dma_wait3A_1120 : memref<1x20000xf32, #tpu.memory_space<hbm>> -> memref<20000xf32, #tpu.memory_space<hbm>>
      %dma_wait3A_1122 = arith.constant 0 : i32
      %dma_wait3A_1123 = tpu.memref_slice %arg2[%add3A, %dma_wait3A_1122] : memref<32x20000xf32, #tpu.memory_space<hbm>> -> memref<1x20000xf32, #tpu.memory_space<hbm>>
      %dma_wait3A_1124 = tpu.memref_squeeze %dma_wait3A_1123 : memref<1x20000xf32, #tpu.memory_space<hbm>> -> memref<20000xf32, #tpu.memory_space<hbm>>
      tpu.wait_dma2 semaphore(%run_scoped3A : memref<!tpu.dma_semaphore, #tpu.memory_space<semaphore_mem>>) src(%dma_wait3A_1124 : memref<20000xf32, #tpu.memory_space<hbm>>) dst(%arg6 : memref<20000xf32, #tpu.memory_space<vmem>>)
      tpu.yield
    }) : () -> ()
    "tpu.region"() ({
      %run_scoped3A = tpu.sem_alloc : memref<!tpu.dma_semaphore, #tpu.memory_space<semaphore_mem>>
      %dma_start3A = arith.constant 0 : i32
      %dma_start3A_1115 = tpu.memref_slice %arg3[%select_n3A, %dma_start3A] : memref<16x20000xf32, #tpu.memory_space<hbm>> -> memref<1x20000xf32, #tpu.memory_space<hbm>>
      %dma_start3A_1116 = tpu.memref_squeeze %dma_start3A_1115 : memref<1x20000xf32, #tpu.memory_space<hbm>> -> memref<20000xf32, #tpu.memory_space<hbm>>
      %dma_start3A_1117 = arith.constant 0 : i32
      %dma_start3A_1118 = tpu.memref_slice %arg3[%select_n3A, %dma_start3A_1117] : memref<16x20000xf32, #tpu.memory_space<hbm>> -> memref<1x20000xf32, #tpu.memory_space<hbm>>
      %dma_start3A_1119 = tpu.memref_squeeze %dma_start3A_1118 : memref<1x20000xf32, #tpu.memory_space<hbm>> -> memref<20000xf32, #tpu.memory_space<hbm>>
      tpu.enqueue_dma source(%dma_start3A_1119 : memref<20000xf32, #tpu.memory_space<hbm>>) target(%arg7 : memref<20000xf32, #tpu.memory_space<vmem>>) target_semaphore(%run_scoped3A : memref<!tpu.dma_semaphore, #tpu.memory_space<semaphore_mem>>)
      %dma_wait3A = arith.constant 0 : i32
      %dma_wait3A_1120 = tpu.memref_slice %arg3[%select_n3A, %dma_wait3A] : memref<16x20000xf32, #tpu.memory_space<hbm>> -> memref<1x20000xf32, #tpu.memory_space<hbm>>
      %dma_wait3A_1121 = tpu.memref_squeeze %dma_wait3A_1120 : memref<1x20000xf32, #tpu.memory_space<hbm>> -> memref<20000xf32, #tpu.memory_space<hbm>>
      %dma_wait3A_1122 = arith.constant 0 : i32
      %dma_wait3A_1123 = tpu.memref_slice %arg3[%select_n3A, %dma_wait3A_1122] : memref<16x20000xf32, #tpu.memory_space<hbm>> -> memref<1x20000xf32, #tpu.memory_space<hbm>>
      %dma_wait3A_1124 = tpu.memref_squeeze %dma_wait3A_1123 : memref<1x20000xf32, #tpu.memory_space<hbm>> -> memref<20000xf32, #tpu.memory_space<hbm>>
      tpu.wait_dma2 semaphore(%run_scoped3A : memref<!tpu.dma_semaphore, #tpu.memory_space<semaphore_mem>>) src(%dma_wait3A_1124 : memref<20000xf32, #tpu.memory_space<hbm>>) dst(%arg7 : memref<20000xf32, #tpu.memory_space<vmem>>)
      tpu.yield
    }) : () -> ()
    "tpu.region"() ({
      %run_scoped3A = tpu.sem_alloc : memref<!tpu.dma_semaphore, #tpu.memory_space<semaphore_mem>>
      %dma_start3A = arith.constant 0 : i32
      %dma_start3A_1115 = tpu.memref_slice %arg4[%select_n3A, %dma_start3A] : memref<16x20000xf32, #tpu.memory_space<hbm>> -> memref<1x20000xf32, #tpu.memory_space<hbm>>
      %dma_start3A_1116 = tpu.memref_squeeze %dma_start3A_1115 : memref<1x20000xf32, #tpu.memory_space<hbm>> -> memref<20000xf32, #tpu.memory_space<hbm>>
      %dma_start3A_1117 = arith.constant 0 : i32
      %dma_start3A_1118 = tpu.memref_slice %arg4[%select_n3A, %dma_start3A_1117] : memref<16x20000xf32, #tpu.memory_space<hbm>> -> memref<1x20000xf32, #tpu.memory_space<hbm>>
      %dma_start3A_1119 = tpu.memref_squeeze %dma_start3A_1118 : memref<1x20000xf32, #tpu.memory_space<hbm>> -> memref<20000xf32, #tpu.memory_space<hbm>>
      tpu.enqueue_dma source(%dma_start3A_1119 : memref<20000xf32, #tpu.memory_space<hbm>>) target(%arg8 : memref<20000xf32, #tpu.memory_space<vmem>>) target_semaphore(%run_scoped3A : memref<!tpu.dma_semaphore, #tpu.memory_space<semaphore_mem>>)
      %dma_wait3A = arith.constant 0 : i32
      %dma_wait3A_1120 = tpu.memref_slice %arg4[%select_n3A, %dma_wait3A] : memref<16x20000xf32, #tpu.memory_space<hbm>> -> memref<1x20000xf32, #tpu.memory_space<hbm>>
      %dma_wait3A_1121 = tpu.memref_squeeze %dma_wait3A_1120 : memref<1x20000xf32, #tpu.memory_space<hbm>> -> memref<20000xf32, #tpu.memory_space<hbm>>
      %dma_wait3A_1122 = arith.constant 0 : i32
      %dma_wait3A_1123 = tpu.memref_slice %arg4[%select_n3A, %dma_wait3A_1122] : memref<16x20000xf32, #tpu.memory_space<hbm>> -> memref<1x20000xf32, #tpu.memory_space<hbm>>
      %dma_wait3A_1124 = tpu.memref_squeeze %dma_wait3A_1123 : memref<1x20000xf32, #tpu.memory_space<hbm>> -> memref<20000xf32, #tpu.memory_space<hbm>>
      tpu.wait_dma2 semaphore(%run_scoped3A : memref<!tpu.dma_semaphore, #tpu.memory_space<semaphore_mem>>) src(%dma_wait3A_1124 : memref<20000xf32, #tpu.memory_space<hbm>>) dst(%arg8 : memref<20000xf32, #tpu.memory_space<vmem>>)
      tpu.yield
    }) : () -> ()
    %iota3A = tpu.iota {dimensions = array<i32: 0>} : vector<16xi32>
    %eq3A = arith.constant 0 : i32
    %eq3A_17 = vector.broadcast %eq3A : i32 to vector<16xi32>
    %eq3A_18 = arith.cmpi eq, %iota3A, %eq3A_17 : vector<16xi32>
    %broadcast_in_dim3A = arith.constant 0.000000e+00 : f32
    %broadcast_in_dim3A_19 = vector.broadcast %broadcast_in_dim3A : f32 to vector<16xf32>
    %broadcast_in_dim3A_20 = arith.constant -1.000000e+00 : f32
    %broadcast_in_dim3A_21 = vector.broadcast %broadcast_in_dim3A_20 : f32 to vector<16xf32>
    %broadcast_in_dim3A_22 = arith.constant 0 : i32
    %broadcast_in_dim3A_23 = vector.broadcast %broadcast_in_dim3A_22 : i32 to vector<16xi32>
    %broadcast_in_dim3A_24 = arith.constant 1 : i32
    %broadcast_in_dim3A_25 = vector.broadcast %broadcast_in_dim3A_24 : i32 to vector<16xi32>
    %scan3A = arith.constant 0 : i32
    %scan3A_26 = arith.constant 0 : i32
    %scan3A_27 = arith.constant 312 : i32
    %scan3A_28 = arith.addi %scan3A_26, %scan3A_27 : i32
    %scan3A_29 = arith.constant 1 : i32
    %scan3A_30 = scf.for %scan3A_1115 = %scan3A_26 to %scan3A_28 step %scan3A_29 iter_args(%scan3A_1116 = %scan3A) -> (i32)  : i32 {
      %mul3A_1117 = arith.constant 64 : i32
      %mul3A_1118 = arith.muli %scan3A_1115, %mul3A_1117 : i32
      %get3A_1119 = arith.index_cast %mul3A_1118 : i32 to index
      %get3A_1120 = tpu.vector_load %arg6[%get3A_1119] {strides = array<i32>} : memref<20000xf32, #tpu.memory_space<vmem>>, vector<16xf32>,
      %gt3A_1121 = arith.constant 0.699999988 : f32
      %gt3A_1122 = vector.broadcast %gt3A_1121 : f32 to vector<16xf32>
      %gt3A_1123 = arith.cmpf ogt, %get3A_1120, %gt3A_1122 : vector<16xf32>
      %swap3A_1124 = arith.index_cast %scan3A_1116 : i32 to index
      %swap3A_1125 = tpu.vector_load %arg9[%swap3A_1124] masked %gt3A_1123 {strides = array<i32>} : memref<20480xf32, #tpu.memory_space<vmem>>, vector<16xf32>, vector<16xi1>
      tpu.vector_store %arg9[%swap3A_1124], %get3A_1120 masked %gt3A_1123 {strides = array<i32>} : memref<20480xf32, #tpu.memory_space<vmem>>, vector<16xf32>, vector<16xi1>
      %add3A_1126 = vector.broadcast %mul3A_1118 : i32 to vector<16xi32>
      %add3A_1127 = arith.addi %iota3A, %add3A_1126 : vector<16xi32>
      %swap3A_1128 = arith.index_cast %scan3A_1116 : i32 to index
      %swap3A_1129 = tpu.vector_load %arg10[%swap3A_1128] masked %gt3A_1123 {strides = array<i32>} : memref<20480xi32, #tpu.memory_space<vmem>>, vector<16xi32>, vector<16xi1>
      tpu.vector_store %arg10[%swap3A_1128], %add3A_1127 masked %gt3A_1123 {strides = array<i32>} : memref<20480xi32, #tpu.memory_space<vmem>>, vector<16xi32>, vector<16xi1>
      %all_reduce_population_count3A_1130 = tpu.all_reduce %gt3A_1123 {dim = 0 : i64, kind = #tpu.reduction_kind<sum>} : vector<16xi1> -> vector<16xi32>
      %slice3A_1131 = vector.extract_strided_slice %all_reduce_population_count3A_1130 {offsets = [0], sizes = [1], strides = [1]} : vector<16xi32> to vector<1xi32>
      %squeeze3A_1132 = vector.extract %slice3A_1131[0] : i32 from vector<1xi32>
      %add3A_1133 = arith.addi %scan3A_1116, %squeeze3A_1132 : i32
      %add3A_1134 = arith.constant 16 : i32
      %add3A_1135 = arith.addi %mul3A_1118, %add3A_1134 : i32
      %get3A_1136 = arith.index_cast %add3A_1135 : i32 to index
      %get3A_1137 = tpu.vector_load %arg6[%get3A_1136] {strides = array<i32>} : memref<20000xf32, #tpu.memory_space<vmem>>, vector<16xf32>,
      %gt3A_1138 = arith.constant 0.699999988 : f32
      %gt3A_1139 = vector.broadcast %gt3A_1138 : f32 to vector<16xf32>
      %gt3A_1140 = arith.cmpf ogt, %get3A_1137, %gt3A_1139 : vector<16xf32>
      %swap3A_1141 = arith.index_cast %add3A_1133 : i32 to index
      %swap3A_1142 = tpu.vector_load %arg9[%swap3A_1141] masked %gt3A_1140 {strides = array<i32>} : memref<20480xf32, #tpu.memory_space<vmem>>, vector<16xf32>, vector<16xi1>
      tpu.vector_store %arg9[%swap3A_1141], %get3A_1137 masked %gt3A_1140 {strides = array<i32>} : memref<20480xf32, #tpu.memory_space<vmem>>, vector<16xf32>, vector<16xi1>
      %add3A_1143 = vector.broadcast %add3A_1135 : i32 to vector<16xi32>
      %add3A_1144 = arith.addi %iota3A, %add3A_1143 : vector<16xi32>
      %swap3A_1145 = arith.index_cast %add3A_1133 : i32 to index
      %swap3A_1146 = tpu.vector_load %arg10[%swap3A_1145] masked %gt3A_1140 {strides = array<i32>} : memref<20480xi32, #tpu.memory_space<vmem>>, vector<16xi32>, vector<16xi1>
      tpu.vector_store %arg10[%swap3A_1145], %add3A_1144 masked %gt3A_1140 {strides = array<i32>} : memref<20480xi32, #tpu.memory_space<vmem>>, vector<16xi32>, vector<16xi1>
      %all_reduce_population_count3A_1147 = tpu.all_reduce %gt3A_1140 {dim = 0 : i64, kind = #tpu.reduction_kind<sum>} : vector<16xi1> -> vector<16xi32>
      %slice3A_1148 = vector.extract_strided_slice %all_reduce_population_count3A_1147 {offsets = [0], sizes = [1], strides = [1]} : vector<16xi32> to vector<1xi32>
      %squeeze3A_1149 = vector.extract %slice3A_1148[0] : i32 from vector<1xi32>
      %add3A_1150 = arith.addi %add3A_1133, %squeeze3A_1149 : i32
      %add3A_1151 = arith.constant 32 : i32
      %add3A_1152 = arith.addi %mul3A_1118, %add3A_1151 : i32
      %get3A_1153 = arith.index_cast %add3A_1152 : i32 to index
      %get3A_1154 = tpu.vector_load %arg6[%get3A_1153] {strides = array<i32>} : memref<20000xf32, #tpu.memory_space<vmem>>, vector<16xf32>,
      %gt3A_1155 = arith.constant 0.699999988 : f32
      %gt3A_1156 = vector.broadcast %gt3A_1155 : f32 to vector<16xf32>
      %gt3A_1157 = arith.cmpf ogt, %get3A_1154, %gt3A_1156 : vector<16xf32>
      %swap3A_1158 = arith.index_cast %add3A_1150 : i32 to index
      %swap3A_1159 = tpu.vector_load %arg9[%swap3A_1158] masked %gt3A_1157 {strides = array<i32>} : memref<20480xf32, #tpu.memory_space<vmem>>, vector<16xf32>, vector<16xi1>
      tpu.vector_store %arg9[%swap3A_1158], %get3A_1154 masked %gt3A_1157 {strides = array<i32>} : memref<20480xf32, #tpu.memory_space<vmem>>, vector<16xf32>, vector<16xi1>
      %add3A_1160 = vector.broadcast %add3A_1152 : i32 to vector<16xi32>
      %add3A_1161 = arith.addi %iota3A, %add3A_1160 : vector<16xi32>
      %swap3A_1162 = arith.index_cast %add3A_1150 : i32 to index
      %swap3A_1163 = tpu.vector_load %arg10[%swap3A_1162] masked %gt3A_1157 {strides = array<i32>} : memref<20480xi32, #tpu.memory_space<vmem>>, vector<16xi32>, vector<16xi1>
      tpu.vector_store %arg10[%swap3A_1162], %add3A_1161 masked %gt3A_1157 {strides = array<i32>} : memref<20480xi32, #tpu.memory_space<vmem>>, vector<16xi32>, vector<16xi1>
      %all_reduce_population_count3A_1164 = tpu.all_reduce %gt3A_1157 {dim = 0 : i64, kind = #tpu.reduction_kind<sum>} : vector<16xi1> -> vector<16xi32>
      %slice3A_1165 = vector.extract_strided_slice %all_reduce_population_count3A_1164 {offsets = [0], sizes = [1], strides = [1]} : vector<16xi32> to vector<1xi32>
      %squeeze3A_1166 = vector.extract %slice3A_1165[0] : i32 from vector<1xi32>
      %add3A_1167 = arith.addi %add3A_1150, %squeeze3A_1166 : i32
      %add3A_1168 = arith.constant 48 : i32
      %add3A_1169 = arith.addi %mul3A_1118, %add3A_1168 : i32
      %get3A_1170 = arith.index_cast %add3A_1169 : i32 to index
      %get3A_1171 = tpu.vector_load %arg6[%get3A_1170] {strides = array<i32>} : memref<20000xf32, #tpu.memory_space<vmem>>, vector<16xf32>,
      %gt3A_1172 = arith.constant 0.699999988 : f32
      %gt3A_1173 = vector.broadcast %gt3A_1172 : f32 to vector<16xf32>
      %gt3A_1174 = arith.cmpf ogt, %get3A_1171, %gt3A_1173 : vector<16xf32>
      %swap3A_1175 = arith.index_cast %add3A_1167 : i32 to index
      %swap3A_1176 = tpu.vector_load %arg9[%swap3A_1175] masked %gt3A_1174 {strides = array<i32>} : memref<20480xf32, #tpu.memory_space<vmem>>, vector<16xf32>, vector<16xi1>
      tpu.vector_store %arg9[%swap3A_1175], %get3A_1171 masked %gt3A_1174 {strides = array<i32>} : memref<20480xf32, #tpu.memory_space<vmem>>, vector<16xf32>, vector<16xi1>
      %add3A_1177 = vector.broadcast %add3A_1169 : i32 to vector<16xi32>
      %add3A_1178 = arith.addi %iota3A, %add3A_1177 : vector<16xi32>
      %swap3A_1179 = arith.index_cast %add3A_1167 : i32 to index
      %swap3A_1180 = tpu.vector_load %arg10[%swap3A_1179] masked %gt3A_1174 {strides = array<i32>} : memref<20480xi32, #tpu.memory_space<vmem>>, vector<16xi32>, vector<16xi1>
      tpu.vector_store %arg10[%swap3A_1179], %add3A_1178 masked %gt3A_1174 {strides = array<i32>} : memref<20480xi32, #tpu.memory_space<vmem>>, vector<16xi32>, vector<16xi1>
      %all_reduce_population_count3A_1181 = tpu.all_reduce %gt3A_1174 {dim = 0 : i64, kind = #tpu.reduction_kind<sum>} : vector<16xi1> -> vector<16xi32>
      %slice3A_1182 = vector.extract_strided_slice %all_reduce_population_count3A_1181 {offsets = [0], sizes = [1], strides = [1]} : vector<16xi32> to vector<1xi32>
      %squeeze3A_1183 = vector.extract %slice3A_1182[0] : i32 from vector<1xi32>
      %add3A_1184 = arith.addi %add3A_1167, %squeeze3A_1183 : i32
      scf.yield %add3A_1184 : i32
    }
    %scan3A_31 = arith.constant 312 : i32
    %get3A = arith.constant 19968 : index
    %get3A_32 = tpu.vector_load %arg6[%get3A] {strides = array<i32>} : memref<20000xf32, #tpu.memory_space<vmem>>, vector<16xf32>,
    %gt3A = arith.constant 0.699999988 : f32
    %gt3A_33 = vector.broadcast %gt3A : f32 to vector<16xf32>
    %gt3A_34 = arith.cmpf ogt, %get3A_32, %gt3A_33 : vector<16xf32>
    %swap3A = arith.index_cast %scan3A_30 : i32 to index
    %swap3A_35 = tpu.vector_load %arg9[%swap3A] masked %gt3A_34 {strides = array<i32>} : memref<20480xf32, #tpu.memory_space<vmem>>, vector<16xf32>, vector<16xi1>
    tpu.vector_store %arg9[%swap3A], %get3A_32 masked %gt3A_34 {strides = array<i32>} : memref<20480xf32, #tpu.memory_space<vmem>>, vector<16xf32>, vector<16xi1>
    %add3A_36 = arith.constant 19968 : i32
    %add3A_37 = vector.broadcast %add3A_36 : i32 to vector<16xi32>
    %add3A_38 = arith.addi %iota3A, %add3A_37 : vector<16xi32>
    %swap3A_39 = arith.index_cast %scan3A_30 : i32 to index
    %swap3A_40 = tpu.vector_load %arg10[%swap3A_39] masked %gt3A_34 {strides = array<i32>} : memref<20480xi32, #tpu.memory_space<vmem>>, vector<16xi32>, vector<16xi1>
    tpu.vector_store %arg10[%swap3A_39], %add3A_38 masked %gt3A_34 {strides = array<i32>} : memref<20480xi32, #tpu.memory_space<vmem>>, vector<16xi32>, vector<16xi1>
    %all_reduce_population_count3A = tpu.all_reduce %gt3A_34 {dim = 0 : i64, kind = #tpu.reduction_kind<sum>} : vector<16xi1> -> vector<16xi32>
    %slice3A = vector.extract_strided_slice %all_reduce_population_count3A {offsets = [0], sizes = [1], strides = [1]} : vector<16xi32> to vector<1xi32>
    %squeeze3A = vector.extract %slice3A[0] : i32 from vector<1xi32>
    %add3A_41 = arith.addi %scan3A_30, %squeeze3A : i32
    %get3A_42 = arith.constant 19984 : index
    %get3A_43 = tpu.vector_load %arg6[%get3A_42] {strides = array<i32>} : memref<20000xf32, #tpu.memory_space<vmem>>, vector<16xf32>,
    %gt3A_44 = arith.constant 0.699999988 : f32
    %gt3A_45 = vector.broadcast %gt3A_44 : f32 to vector<16xf32>
    %gt3A_46 = arith.cmpf ogt, %get3A_43, %gt3A_45 : vector<16xf32>
    %swap3A_47 = arith.index_cast %add3A_41 : i32 to index
    %swap3A_48 = tpu.vector_load %arg9[%swap3A_47] masked %gt3A_46 {strides = array<i32>} : memref<20480xf32, #tpu.memory_space<vmem>>, vector<16xf32>, vector<16xi1>
    tpu.vector_store %arg9[%swap3A_47], %get3A_43 masked %gt3A_46 {strides = array<i32>} : memref<20480xf32, #tpu.memory_space<vmem>>, vector<16xf32>, vector<16xi1>
    %add3A_49 = arith.constant 19984 : i32
    %add3A_50 = vector.broadcast %add3A_49 : i32 to vector<16xi32>
    %add3A_51 = arith.addi %iota3A, %add3A_50 : vector<16xi32>
    %swap3A_52 = arith.index_cast %add3A_41 : i32 to index
    %swap3A_53 = tpu.vector_load %arg10[%swap3A_52] masked %gt3A_46 {strides = array<i32>} : memref<20480xi32, #tpu.memory_space<vmem>>, vector<16xi32>, vector<16xi1>
    tpu.vector_store %arg10[%swap3A_52], %add3A_51 masked %gt3A_46 {strides = array<i32>} : memref<20480xi32, #tpu.memory_space<vmem>>, vector<16xi32>, vector<16xi1>
    %all_reduce_population_count3A_54 = tpu.all_reduce %gt3A_46 {dim = 0 : i64, kind = #tpu.reduction_kind<sum>} : vector<16xi1> -> vector<16xi32>
    %slice3A_55 = vector.extract_strided_slice %all_reduce_population_count3A_54 {offsets = [0], sizes = [1], strides = [1]} : vector<16xi32> to vector<1xi32>
    %squeeze3A_56 = vector.extract %slice3A_55[0] : i32 from vector<1xi32>
    %add3A_57 = arith.addi %add3A_41, %squeeze3A_56 : i32
    %swap3A_58 = arith.index_cast %add3A_57 : i32 to index
    %swap3A_59 = tpu.vector_load %arg9[%swap3A_58] {strides = array<i32>} : memref<20480xf32, #tpu.memory_space<vmem>>, vector<16xf32>,
    tpu.vector_store %arg9[%swap3A_58], %broadcast_in_dim3A_21 {strides = array<i32>} : memref<20480xf32, #tpu.memory_space<vmem>>, vector<16xf32>,
    %swap3A_60 = arith.index_cast %add3A_57 : i32 to index
    %swap3A_61 = tpu.vector_load %arg10[%swap3A_60] {strides = array<i32>} : memref<20480xi32, #tpu.memory_space<vmem>>, vector<16xi32>,
    tpu.vector_store %arg10[%swap3A_60], %broadcast_in_dim3A_23 {strides = array<i32>} : memref<20480xi32, #tpu.memory_space<vmem>>, vector<16xi32>,
    %swap3A_62 = arith.constant 0 : index
    %swap3A_63 = tpu.vector_load %arg11[%swap3A_62] {strides = array<i32>} : memref<512xi32, #tpu.memory_space<vmem>>, vector<16xi32>,
    tpu.vector_store %arg11[%swap3A_62], %broadcast_in_dim3A_23 {strides = array<i32>} : memref<512xi32, #tpu.memory_space<vmem>>, vector<16xi32>,
    %swap3A_64 = arith.constant 16 : index
    %swap3A_65 = tpu.vector_load %arg11[%swap3A_64] {strides = array<i32>} : memref<512xi32, #tpu.memory_space<vmem>>, vector<16xi32>,
    tpu.vector_store %arg11[%swap3A_64], %broadcast_in_dim3A_23 {strides = array<i32>} : memref<512xi32, #tpu.memory_space<vmem>>, vector<16xi32>,
    %swap3A_66 = arith.constant 32 : index
    %swap3A_67 = tpu.vector_load %arg11[%swap3A_66] {strides = array<i32>} : memref<512xi32, #tpu.memory_space<vmem>>, vector<16xi32>,
    tpu.vector_store %arg11[%swap3A_66], %broadcast_in_dim3A_23 {strides = array<i32>} : memref<512xi32, #tpu.memory_space<vmem>>, vector<16xi32>,
    %swap3A_68 = arith.constant 48 : index
    %swap3A_69 = tpu.vector_load %arg11[%swap3A_68] {strides = array<i32>} : memref<512xi32, #tpu.memory_space<vmem>>, vector<16xi32>,
    tpu.vector_store %arg11[%swap3A_68], %broadcast_in_dim3A_23 {strides = array<i32>} : memref<512xi32, #tpu.memory_space<vmem>>, vector<16xi32>,
    %swap3A_70 = arith.constant 64 : index
    %swap3A_71 = tpu.vector_load %arg11[%swap3A_70] {strides = array<i32>} : memref<512xi32, #tpu.memory_space<vmem>>, vector<16xi32>,
    tpu.vector_store %arg11[%swap3A_70], %broadcast_in_dim3A_23 {strides = array<i32>} : memref<512xi32, #tpu.memory_space<vmem>>, vector<16xi32>,
    %swap3A_72 = arith.constant 80 : index
    %swap3A_73 = tpu.vector_load %arg11[%swap3A_72] {strides = array<i32>} : memref<512xi32, #tpu.memory_space<vmem>>, vector<16xi32>,
    tpu.vector_store %arg11[%swap3A_72], %broadcast_in_dim3A_23 {strides = array<i32>} : memref<512xi32, #tpu.memory_space<vmem>>, vector<16xi32>,
    %swap3A_74 = arith.constant 96 : index
    %swap3A_75 = tpu.vector_load %arg11[%swap3A_74] {strides = array<i32>} : memref<512xi32, #tpu.memory_space<vmem>>, vector<16xi32>,
    tpu.vector_store %arg11[%swap3A_74], %broadcast_in_dim3A_23 {strides = array<i32>} : memref<512xi32, #tpu.memory_space<vmem>>, vector<16xi32>,
    %swap3A_76 = arith.constant 112 : index
    %swap3A_77 = tpu.vector_load %arg11[%swap3A_76] {strides = array<i32>} : memref<512xi32, #tpu.memory_space<vmem>>, vector<16xi32>,
    tpu.vector_store %arg11[%swap3A_76], %broadcast_in_dim3A_23 {strides = array<i32>} : memref<512xi32, #tpu.memory_space<vmem>>, vector<16xi32>,
    %swap3A_78 = arith.constant 128 : index
    %swap3A_79 = tpu.vector_load %arg11[%swap3A_78] {strides = array<i32>} : memref<512xi32, #tpu.memory_space<vmem>>, vector<16xi32>,
    tpu.vector_store %arg11[%swap3A_78], %broadcast_in_dim3A_23 {strides = array<i32>} : memref<512xi32, #tpu.memory_space<vmem>>, vector<16xi32>,
    %swap3A_80 = arith.constant 144 : index
    %swap3A_81 = tpu.vector_load %arg11[%swap3A_80] {strides = array<i32>} : memref<512xi32, #tpu.memory_space<vmem>>, vector<16xi32>,
    tpu.vector_store %arg11[%swap3A_80], %broadcast_in_dim3A_23 {strides = array<i32>} : memref<512xi32, #tpu.memory_space<vmem>>, vector<16xi32>,
    %swap3A_82 = arith.constant 160 : index
    %swap3A_83 = tpu.vector_load %arg11[%swap3A_82] {strides = array<i32>} : memref<512xi32, #tpu.memory_space<vmem>>, vector<16xi32>,
    tpu.vector_store %arg11[%swap3A_82], %broadcast_in_dim3A_23 {strides = array<i32>} : memref<512xi32, #tpu.memory_space<vmem>>, vector<16xi32>,
    %swap3A_84 = arith.constant 176 : index
    %swap3A_85 = tpu.vector_load %arg11[%swap3A_84] {strides = array<i32>} : memref<512xi32, #tpu.memory_space<vmem>>, vector<16xi32>,
    tpu.vector_store %arg11[%swap3A_84], %broadcast_in_dim3A_23 {strides = array<i32>} : memref<512xi32, #tpu.memory_space<vmem>>, vector<16xi32>,
    %swap3A_86 = arith.constant 192 : index
    %swap3A_87 = tpu.vector_load %arg11[%swap3A_86] {strides = array<i32>} : memref<512xi32, #tpu.memory_space<vmem>>, vector<16xi32>,
    tpu.vector_store %arg11[%swap3A_86], %broadcast_in_dim3A_23 {strides = array<i32>} : memref<512xi32, #tpu.memory_space<vmem>>, vector<16xi32>,
    %swap3A_88 = arith.constant 208 : index
    %swap3A_89 = tpu.vector_load %arg11[%swap3A_88] {strides = array<i32>} : memref<512xi32, #tpu.memory_space<vmem>>, vector<16xi32>,
    tpu.vector_store %arg11[%swap3A_88], %broadcast_in_dim3A_23 {strides = array<i32>} : memref<512xi32, #tpu.memory_space<vmem>>, vector<16xi32>,
    %swap3A_90 = arith.constant 224 : index
    %swap3A_91 = tpu.vector_load %arg11[%swap3A_90] {strides = array<i32>} : memref<512xi32, #tpu.memory_space<vmem>>, vector<16xi32>,
    tpu.vector_store %arg11[%swap3A_90], %broadcast_in_dim3A_23 {strides = array<i32>} : memref<512xi32, #tpu.memory_space<vmem>>, vector<16xi32>,
    %swap3A_92 = arith.constant 240 : index
    %swap3A_93 = tpu.vector_load %arg11[%swap3A_92] {strides = array<i32>} : memref<512xi32, #tpu.memory_space<vmem>>, vector<16xi32>,
    tpu.vector_store %arg11[%swap3A_92], %broadcast_in_dim3A_23 {strides = array<i32>} : memref<512xi32, #tpu.memory_space<vmem>>, vector<16xi32>,
    %swap3A_94 = arith.constant 256 : index
    %swap3A_95 = tpu.vector_load %arg11[%swap3A_94] {strides = array<i32>} : memref<512xi32, #tpu.memory_space<vmem>>, vector<16xi32>,
    tpu.vector_store %arg11[%swap3A_94], %broadcast_in_dim3A_23 {strides = array<i32>} : memref<512xi32, #tpu.memory_space<vmem>>, vector<16xi32>,
    %swap3A_96 = arith.constant 272 : index
    %swap3A_97 = tpu.vector_load %arg11[%swap3A_96] {strides = array<i32>} : memref<512xi32, #tpu.memory_space<vmem>>, vector<16xi32>,
    tpu.vector_store %arg11[%swap3A_96], %broadcast_in_dim3A_23 {strides = array<i32>} : memref<512xi32, #tpu.memory_space<vmem>>, vector<16xi32>,
    %swap3A_98 = arith.constant 288 : index
    %swap3A_99 = tpu.vector_load %arg11[%swap3A_98] {strides = array<i32>} : memref<512xi32, #tpu.memory_space<vmem>>, vector<16xi32>,
    tpu.vector_store %arg11[%swap3A_98], %broadcast_in_dim3A_23 {strides = array<i32>} : memref<512xi32, #tpu.memory_space<vmem>>, vector<16xi32>,
    %swap3A_100 = arith.constant 304 : index
    %swap3A_101 = tpu.vector_load %arg11[%swap3A_100] {strides = array<i32>} : memref<512xi32, #tpu.memory_space<vmem>>, vector<16xi32>,
    tpu.vector_store %arg11[%swap3A_100], %broadcast_in_dim3A_23 {strides = array<i32>} : memref<512xi32, #tpu.memory_space<vmem>>, vector<16xi32>,
    %swap3A_102 = arith.constant 320 : index
    %swap3A_103 = tpu.vector_load %arg11[%swap3A_102] {strides = array<i32>} : memref<512xi32, #tpu.memory_space<vmem>>, vector<16xi32>,
    tpu.vector_store %arg11[%swap3A_102], %broadcast_in_dim3A_23 {strides = array<i32>} : memref<512xi32, #tpu.memory_space<vmem>>, vector<16xi32>,
    %swap3A_104 = arith.constant 336 : index
    %swap3A_105 = tpu.vector_load %arg11[%swap3A_104] {strides = array<i32>} : memref<512xi32, #tpu.memory_space<vmem>>, vector<16xi32>,
    tpu.vector_store %arg11[%swap3A_104], %broadcast_in_dim3A_23 {strides = array<i32>} : memref<512xi32, #tpu.memory_space<vmem>>, vector<16xi32>,
    %swap3A_106 = arith.constant 352 : index
    %swap3A_107 = tpu.vector_load %arg11[%swap3A_106] {strides = array<i32>} : memref<512xi32, #tpu.memory_space<vmem>>, vector<16xi32>,
    tpu.vector_store %arg11[%swap3A_106], %broadcast_in_dim3A_23 {strides = array<i32>} : memref<512xi32, #tpu.memory_space<vmem>>, vector<16xi32>,
    %swap3A_108 = arith.constant 368 : index
    %swap3A_109 = tpu.vector_load %arg11[%swap3A_108] {strides = array<i32>} : memref<512xi32, #tpu.memory_space<vmem>>, vector<16xi32>,
    tpu.vector_store %arg11[%swap3A_108], %broadcast_in_dim3A_23 {strides = array<i32>} : memref<512xi32, #tpu.memory_space<vmem>>, vector<16xi32>,
    %swap3A_110 = arith.constant 384 : index
    %swap3A_111 = tpu.vector_load %arg11[%swap3A_110] {strides = array<i32>} : memref<512xi32, #tpu.memory_space<vmem>>, vector<16xi32>,
    tpu.vector_store %arg11[%swap3A_110], %broadcast_in_dim3A_23 {strides = array<i32>} : memref<512xi32, #tpu.memory_space<vmem>>, vector<16xi32>,
    %swap3A_112 = arith.constant 400 : index
    %swap3A_113 = tpu.vector_load %arg11[%swap3A_112] {strides = array<i32>} : memref<512xi32, #tpu.memory_space<vmem>>, vector<16xi32>,
    tpu.vector_store %arg11[%swap3A_112], %broadcast_in_dim3A_23 {strides = array<i32>} : memref<512xi32, #tpu.memory_space<vmem>>, vector<16xi32>,
    %swap3A_114 = arith.constant 416 : index
    %swap3A_115 = tpu.vector_load %arg11[%swap3A_114] {strides = array<i32>} : memref<512xi32, #tpu.memory_space<vmem>>, vector<16xi32>,
    tpu.vector_store %arg11[%swap3A_114], %broadcast_in_dim3A_23 {strides = array<i32>} : memref<512xi32, #tpu.memory_space<vmem>>, vector<16xi32>,
    %swap3A_116 = arith.constant 432 : index
    %swap3A_117 = tpu.vector_load %arg11[%swap3A_116] {strides = array<i32>} : memref<512xi32, #tpu.memory_space<vmem>>, vector<16xi32>,
    tpu.vector_store %arg11[%swap3A_116], %broadcast_in_dim3A_23 {strides = array<i32>} : memref<512xi32, #tpu.memory_space<vmem>>, vector<16xi32>,
    %swap3A_118 = arith.constant 448 : index
    %swap3A_119 = tpu.vector_load %arg11[%swap3A_118] {strides = array<i32>} : memref<512xi32, #tpu.memory_space<vmem>>, vector<16xi32>,
    tpu.vector_store %arg11[%swap3A_118], %broadcast_in_dim3A_23 {strides = array<i32>} : memref<512xi32, #tpu.memory_space<vmem>>, vector<16xi32>,
    %swap3A_120 = arith.constant 464 : index
    %swap3A_121 = tpu.vector_load %arg11[%swap3A_120] {strides = array<i32>} : memref<512xi32, #tpu.memory_space<vmem>>, vector<16xi32>,
    tpu.vector_store %arg11[%swap3A_120], %broadcast_in_dim3A_23 {strides = array<i32>} : memref<512xi32, #tpu.memory_space<vmem>>, vector<16xi32>,
    %swap3A_122 = arith.constant 480 : index
    %swap3A_123 = tpu.vector_load %arg11[%swap3A_122] {strides = array<i32>} : memref<512xi32, #tpu.memory_space<vmem>>, vector<16xi32>,
    tpu.vector_store %arg11[%swap3A_122], %broadcast_in_dim3A_23 {strides = array<i32>} : memref<512xi32, #tpu.memory_space<vmem>>, vector<16xi32>,
    %swap3A_124 = arith.constant 496 : index
    %swap3A_125 = tpu.vector_load %arg11[%swap3A_124] {strides = array<i32>} : memref<512xi32, #tpu.memory_space<vmem>>, vector<16xi32>,
    tpu.vector_store %arg11[%swap3A_124], %broadcast_in_dim3A_23 {strides = array<i32>} : memref<512xi32, #tpu.memory_space<vmem>>, vector<16xi32>,
    %add3A_126 = arith.constant 15 : i32
    %add3A_127 = arith.addi %add3A_57, %add3A_126 : i32
    %jit3A_128 = arith.constant 16 : i32
    %div3A_129 = arith.divsi %add3A_127, %jit3A_128 : i32
    %sign3A_130 = arith.constant 0 : i32
    %sign3A_131 = arith.cmpi sgt, %add3A_127, %sign3A_130 : i32
    %sign3A_132 = arith.extui %sign3A_131 : i1 to i32
    %sign3A_133 = arith.constant 0 : i32
    %sign3A_134 = arith.cmpi slt, %add3A_127, %sign3A_133 : i32
    %sign3A_135 = arith.extui %sign3A_134 : i1 to i32
    %sign3A_136 = arith.subi %sign3A_132, %sign3A_135 : i32
    %sign3A_137 = arith.constant 0 : i32
    %sign3A_138 = arith.cmpi sgt, %jit3A_128, %sign3A_137 : i32
    %sign3A_139 = arith.extui %sign3A_138 : i1 to i32
    %sign3A_140 = arith.constant 0 : i32
    %sign3A_141 = arith.cmpi slt, %jit3A_128, %sign3A_140 : i32
    %sign3A_142 = arith.extui %sign3A_141 : i1 to i32
    %sign3A_143 = arith.subi %sign3A_139, %sign3A_142 : i32
    %ne3A_144 = arith.cmpi ne, %sign3A_136, %sign3A_143 : i32
    %rem3A_145 = arith.remsi %add3A_127, %jit3A_128 : i32
    %ne3A_146 = arith.constant 0 : i32
    %ne3A_147 = arith.cmpi ne, %rem3A_145, %ne3A_146 : i32
    %and3A_148 = arith.andi %ne3A_144, %ne3A_147 : i1
    %sub3A_149 = arith.constant 1 : i32
    %sub3A_150 = arith.subi %div3A_129, %sub3A_149 : i32
    %select_n3A_151 = arith.select %and3A_148, %sub3A_150, %div3A_129 : i32
    %while3A = arith.constant 106.666664 : f32
    %while3A_152 = arith.constant 0 : i32
    %while3A_153 = arith.constant 0 : i32
    %while3A_154 = arith.subi %select_n3A_151, %while3A_152 : i32
    %while3A_155 = arith.addi %while3A_152, %while3A_154 : i32
    %while3A_156 = arith.constant 1 : i32
    %while3A_157 = arith.divsi %while3A_154, %while3A_156 : i32
    %while3A_158 = arith.muli %while3A_157, %while3A_156 : i32
    %while3A_159 = arith.addi %while3A_152, %while3A_158 : i32
    %while3A_160 = arith.constant 1 : i32
    %while3A_161 = scf.for %while3A_1115 = %while3A_152 to %while3A_159 step %while3A_160 iter_args(%while3A_1116 = %while3A_153) -> (i32)  : i32 {
      %mul3A_1117 = arith.constant 16 : i32
      %mul3A_1118 = arith.muli %while3A_1115, %mul3A_1117 : i32
      %get3A_1119 = arith.index_cast %mul3A_1118 : i32 to index
      %get3A_1120 = tpu.vector_load %arg9[%get3A_1119] {strides = array<i32>} : memref<20480xf32, #tpu.memory_space<vmem>>, vector<16xf32>,
      %sub3A_1121 = arith.constant 0.699999988 : f32
      %sub3A_1122 = vector.broadcast %sub3A_1121 : f32 to vector<16xf32>
      %sub3A_1123 = arith.subf %get3A_1120, %sub3A_1122 : vector<16xf32>
      %mul3A_1124 = vector.broadcast %while3A : f32 to vector<16xf32>
      %mul3A_1125 = arith.mulf %sub3A_1123, %mul3A_1124 : vector<16xf32>
      %jit3A_1126 = arith.constant 0.000000e+00 : f32
      %jit3A_1127 = arith.constant 3.100000e+01 : f32
      %max3A_1128 = vector.broadcast %jit3A_1126 : f32 to vector<16xf32>
      %max3A_1129 = arith.maximumf %max3A_1128, %mul3A_1125 : vector<16xf32>
      %min3A_1130 = vector.broadcast %jit3A_1127 : f32 to vector<16xf32>
      %min3A_1131 = arith.minimumf %min3A_1130, %max3A_1129 : vector<16xf32>
      %convert_element_type3A_1132 = arith.fptosi %min3A_1131 : vector<16xf32> to vector<16xi32>
      %mul3A_1133 = arith.constant 32 : i32
      %mul3A_1134 = vector.broadcast %mul3A_1133 : i32 to vector<16xi32>
      %mul3A_1135 = arith.muli %iota3A, %mul3A_1134 : vector<16xi32>
      %add3A_1136 = arith.addi %mul3A_1135, %convert_element_type3A_1132 : vector<16xi32>
      %gt3A_1137 = arith.constant 0.699999988 : f32
      %gt3A_1138 = vector.broadcast %gt3A_1137 : f32 to vector<16xf32>
      %gt3A_1139 = arith.cmpf ogt, %get3A_1120, %gt3A_1138 : vector<16xf32>
      tpu.vector_store_idx %arg11[%add3A_1136], %broadcast_in_dim3A_25 masked %gt3A_1139 {add = true} : memref<512xi32, #tpu.memory_space<vmem>>[vector<16xi32>], vector<16xi32>, vector<16xi1>
      %while3A_1140 = arith.constant 0 : i32
      scf.yield %while3A_1140 : i32
    }
    %while3A_162 = arith.constant 1 : i32
    %while3A_163 = scf.for %while3A_1115 = %while3A_159 to %while3A_155 step %while3A_162 iter_args(%while3A_1116 = %while3A_161) -> (i32)  : i32 {
      %mul3A_1117 = arith.constant 16 : i32
      %mul3A_1118 = arith.muli %while3A_1115, %mul3A_1117 : i32
      %get3A_1119 = arith.index_cast %mul3A_1118 : i32 to index
      %get3A_1120 = tpu.vector_load %arg9[%get3A_1119] {strides = array<i32>} : memref<20480xf32, #tpu.memory_space<vmem>>, vector<16xf32>,
      %sub3A_1121 = arith.constant 0.699999988 : f32
      %sub3A_1122 = vector.broadcast %sub3A_1121 : f32 to vector<16xf32>
      %sub3A_1123 = arith.subf %get3A_1120, %sub3A_1122 : vector<16xf32>
      %mul3A_1124 = vector.broadcast %while3A : f32 to vector<16xf32>
      %mul3A_1125 = arith.mulf %sub3A_1123, %mul3A_1124 : vector<16xf32>
      %jit3A_1126 = arith.constant 0.000000e+00 : f32
      %jit3A_1127 = arith.constant 3.100000e+01 : f32
      %max3A_1128 = vector.broadcast %jit3A_1126 : f32 to vector<16xf32>
      %max3A_1129 = arith.maximumf %max3A_1128, %mul3A_1125 : vector<16xf32>
      %min3A_1130 = vector.broadcast %jit3A_1127 : f32 to vector<16xf32>
      %min3A_1131 = arith.minimumf %min3A_1130, %max3A_1129 : vector<16xf32>
      %convert_element_type3A_1132 = arith.fptosi %min3A_1131 : vector<16xf32> to vector<16xi32>
      %mul3A_1133 = arith.constant 32 : i32
      %mul3A_1134 = vector.broadcast %mul3A_1133 : i32 to vector<16xi32>
      %mul3A_1135 = arith.muli %iota3A, %mul3A_1134 : vector<16xi32>
      %add3A_1136 = arith.addi %mul3A_1135, %convert_element_type3A_1132 : vector<16xi32>
      %gt3A_1137 = arith.constant 0.699999988 : f32
      %gt3A_1138 = vector.broadcast %gt3A_1137 : f32 to vector<16xf32>
      %gt3A_1139 = arith.cmpf ogt, %get3A_1120, %gt3A_1138 : vector<16xf32>
      tpu.vector_store_idx %arg11[%add3A_1136], %broadcast_in_dim3A_25 masked %gt3A_1139 {add = true} : memref<512xi32, #tpu.memory_space<vmem>>[vector<16xi32>], vector<16xi32>, vector<16xi1>
      %while3A_1140 = arith.constant 0 : i32
      scf.yield %while3A_1140 : i32
    }
    %broadcast_in_dim3A_164 = arith.constant 0 : i32
    %broadcast_in_dim3A_165 = vector.broadcast %broadcast_in_dim3A_164 : i32 to vector<16xi32>
    %broadcast_in_dim3A_166 = arith.constant 0 : i32
    %broadcast_in_dim3A_167 = vector.broadcast %broadcast_in_dim3A_166 : i32 to vector<16xi32>
    %get3A_168 = arith.constant 0 : index
    %get3A_169 = tpu.vector_load %arg11[%get3A_168] {strides = array<i32>} : memref<512xi32, #tpu.memory_space<vmem>>, vector<16xi32>,
    %add3A_170 = arith.addi %broadcast_in_dim3A_165, %get3A_169 : vector<16xi32>
    %get3A_171 = arith.constant 16 : index
    %get3A_172 = tpu.vector_load %arg11[%get3A_171] {strides = array<i32>} : memref<512xi32, #tpu.memory_space<vmem>>, vector<16xi32>,
    %add3A_173 = arith.addi %broadcast_in_dim3A_167, %get3A_172 : vector<16xi32>
    %get3A_174 = arith.constant 32 : index
    %get3A_175 = tpu.vector_load %arg11[%get3A_174] {strides = array<i32>} : memref<512xi32, #tpu.memory_space<vmem>>, vector<16xi32>,
    %add3A_176 = arith.addi %add3A_170, %get3A_175 : vector<16xi32>
    %get3A_177 = arith.constant 48 : index
    %get3A_178 = tpu.vector_load %arg11[%get3A_177] {strides = array<i32>} : memref<512xi32, #tpu.memory_space<vmem>>, vector<16xi32>,
    %add3A_179 = arith.addi %add3A_173, %get3A_178 : vector<16xi32>
    %get3A_180 = arith.constant 64 : index
    %get3A_181 = tpu.vector_load %arg11[%get3A_180] {strides = array<i32>} : memref<512xi32, #tpu.memory_space<vmem>>, vector<16xi32>,
    %add3A_182 = arith.addi %add3A_176, %get3A_181 : vector<16xi32>
    %get3A_183 = arith.constant 80 : index
    %get3A_184 = tpu.vector_load %arg11[%get3A_183] {strides = array<i32>} : memref<512xi32, #tpu.memory_space<vmem>>, vector<16xi32>,
    %add3A_185 = arith.addi %add3A_179, %get3A_184 : vector<16xi32>
    %get3A_186 = arith.constant 96 : index
    %get3A_187 = tpu.vector_load %arg11[%get3A_186] {strides = array<i32>} : memref<512xi32, #tpu.memory_space<vmem>>, vector<16xi32>,
    %add3A_188 = arith.addi %add3A_182, %get3A_187 : vector<16xi32>
    %get3A_189 = arith.constant 112 : index
    %get3A_190 = tpu.vector_load %arg11[%get3A_189] {strides = array<i32>} : memref<512xi32, #tpu.memory_space<vmem>>, vector<16xi32>,
    %add3A_191 = arith.addi %add3A_185, %get3A_190 : vector<16xi32>
    %get3A_192 = arith.constant 128 : index
    %get3A_193 = tpu.vector_load %arg11[%get3A_192] {strides = array<i32>} : memref<512xi32, #tpu.memory_space<vmem>>, vector<16xi32>,
    %add3A_194 = arith.addi %add3A_188, %get3A_193 : vector<16xi32>
    %get3A_195 = arith.constant 144 : index
    %get3A_196 = tpu.vector_load %arg11[%get3A_195] {strides = array<i32>} : memref<512xi32, #tpu.memory_space<vmem>>, vector<16xi32>,
    %add3A_197 = arith.addi %add3A_191, %get3A_196 : vector<16xi32>
    %get3A_198 = arith.constant 160 : index
    %get3A_199 = tpu.vector_load %arg11[%get3A_198] {strides = array<i32>} : memref<512xi32, #tpu.memory_space<vmem>>, vector<16xi32>,
    %add3A_200 = arith.addi %add3A_194, %get3A_199 : vector<16xi32>
    %get3A_201 = arith.constant 176 : index
    %get3A_202 = tpu.vector_load %arg11[%get3A_201] {strides = array<i32>} : memref<512xi32, #tpu.memory_space<vmem>>, vector<16xi32>,
    %add3A_203 = arith.addi %add3A_197, %get3A_202 : vector<16xi32>
    %get3A_204 = arith.constant 192 : index
    %get3A_205 = tpu.vector_load %arg11[%get3A_204] {strides = array<i32>} : memref<512xi32, #tpu.memory_space<vmem>>, vector<16xi32>,
    %add3A_206 = arith.addi %add3A_200, %get3A_205 : vector<16xi32>
    %get3A_207 = arith.constant 208 : index
    %get3A_208 = tpu.vector_load %arg11[%get3A_207] {strides = array<i32>} : memref<512xi32, #tpu.memory_space<vmem>>, vector<16xi32>,
    %add3A_209 = arith.addi %add3A_203, %get3A_208 : vector<16xi32>
    %get3A_210 = arith.constant 224 : index
    %get3A_211 = tpu.vector_load %arg11[%get3A_210] {strides = array<i32>} : memref<512xi32, #tpu.memory_space<vmem>>, vector<16xi32>,
    %add3A_212 = arith.addi %add3A_206, %get3A_211 : vector<16xi32>
    %get3A_213 = arith.constant 240 : index
    %get3A_214 = tpu.vector_load %arg11[%get3A_213] {strides = array<i32>} : memref<512xi32, #tpu.memory_space<vmem>>, vector<16xi32>,
    %add3A_215 = arith.addi %add3A_209, %get3A_214 : vector<16xi32>
    %get3A_216 = arith.constant 256 : index
    %get3A_217 = tpu.vector_load %arg11[%get3A_216] {strides = array<i32>} : memref<512xi32, #tpu.memory_space<vmem>>, vector<16xi32>,
    %add3A_218 = arith.addi %add3A_212, %get3A_217 : vector<16xi32>
    %get3A_219 = arith.constant 272 : index
    %get3A_220 = tpu.vector_load %arg11[%get3A_219] {strides = array<i32>} : memref<512xi32, #tpu.memory_space<vmem>>, vector<16xi32>,
    %add3A_221 = arith.addi %add3A_215, %get3A_220 : vector<16xi32>
    %get3A_222 = arith.constant 288 : index
    %get3A_223 = tpu.vector_load %arg11[%get3A_222] {strides = array<i32>} : memref<512xi32, #tpu.memory_space<vmem>>, vector<16xi32>,
    %add3A_224 = arith.addi %add3A_218, %get3A_223 : vector<16xi32>
    %get3A_225 = arith.constant 304 : index
    %get3A_226 = tpu.vector_load %arg11[%get3A_225] {strides = array<i32>} : memref<512xi32, #tpu.memory_space<vmem>>, vector<16xi32>,
    %add3A_227 = arith.addi %add3A_221, %get3A_226 : vector<16xi32>
    %get3A_228 = arith.constant 320 : index
    %get3A_229 = tpu.vector_load %arg11[%get3A_228] {strides = array<i32>} : memref<512xi32, #tpu.memory_space<vmem>>, vector<16xi32>,
    %add3A_230 = arith.addi %add3A_224, %get3A_229 : vector<16xi32>
    %get3A_231 = arith.constant 336 : index
    %get3A_232 = tpu.vector_load %arg11[%get3A_231] {strides = array<i32>} : memref<512xi32, #tpu.memory_space<vmem>>, vector<16xi32>,
    %add3A_233 = arith.addi %add3A_227, %get3A_232 : vector<16xi32>
    %get3A_234 = arith.constant 352 : index
    %get3A_235 = tpu.vector_load %arg11[%get3A_234] {strides = array<i32>} : memref<512xi32, #tpu.memory_space<vmem>>, vector<16xi32>,
    %add3A_236 = arith.addi %add3A_230, %get3A_235 : vector<16xi32>
    %get3A_237 = arith.constant 368 : index
    %get3A_238 = tpu.vector_load %arg11[%get3A_237] {strides = array<i32>} : memref<512xi32, #tpu.memory_space<vmem>>, vector<16xi32>,
    %add3A_239 = arith.addi %add3A_233, %get3A_238 : vector<16xi32>
    %get3A_240 = arith.constant 384 : index
    %get3A_241 = tpu.vector_load %arg11[%get3A_240] {strides = array<i32>} : memref<512xi32, #tpu.memory_space<vmem>>, vector<16xi32>,
    %add3A_242 = arith.addi %add3A_236, %get3A_241 : vector<16xi32>
    %get3A_243 = arith.constant 400 : index
    %get3A_244 = tpu.vector_load %arg11[%get3A_243] {strides = array<i32>} : memref<512xi32, #tpu.memory_space<vmem>>, vector<16xi32>,
    %add3A_245 = arith.addi %add3A_239, %get3A_244 : vector<16xi32>
    %get3A_246 = arith.constant 416 : index
    %get3A_247 = tpu.vector_load %arg11[%get3A_246] {strides = array<i32>} : memref<512xi32, #tpu.memory_space<vmem>>, vector<16xi32>,
    %add3A_248 = arith.addi %add3A_242, %get3A_247 : vector<16xi32>
    %get3A_249 = arith.constant 432 : index
    %get3A_250 = tpu.vector_load %arg11[%get3A_249] {strides = array<i32>} : memref<512xi32, #tpu.memory_space<vmem>>, vector<16xi32>,
    %add3A_251 = arith.addi %add3A_245, %get3A_250 : vector<16xi32>
    %get3A_252 = arith.constant 448 : index
    %get3A_253 = tpu.vector_load %arg11[%get3A_252] {strides = array<i32>} : memref<512xi32, #tpu.memory_space<vmem>>, vector<16xi32>,
    %add3A_254 = arith.addi %add3A_248, %get3A_253 : vector<16xi32>
    %get3A_255 = arith.constant 464 : index
    %get3A_256 = tpu.vector_load %arg11[%get3A_255] {strides = array<i32>} : memref<512xi32, #tpu.memory_space<vmem>>, vector<16xi32>,
    %add3A_257 = arith.addi %add3A_251, %get3A_256 : vector<16xi32>
    %get3A_258 = arith.constant 480 : index
    %get3A_259 = tpu.vector_load %arg11[%get3A_258] {strides = array<i32>} : memref<512xi32, #tpu.memory_space<vmem>>, vector<16xi32>,
    %add3A_260 = arith.addi %add3A_254, %get3A_259 : vector<16xi32>
    %get3A_261 = arith.constant 496 : index
    %get3A_262 = tpu.vector_load %arg11[%get3A_261] {strides = array<i32>} : memref<512xi32, #tpu.memory_space<vmem>>, vector<16xi32>,
    %add3A_263 = arith.addi %add3A_257, %get3A_262 : vector<16xi32>
    %broadcast_in_dim3A_264 = arith.constant true
    %broadcast_in_dim3A_265 = vector.broadcast %broadcast_in_dim3A_264 : i1 to vector<16xi1>
    %masked_cumsum3A = tpu.scan <sum>, %add3A_260 masked %broadcast_in_dim3A_265 : vector<16xi32>, vector<16xi1> -> vector<16xi32>
    %broadcast_in_dim3A_266 = arith.constant true
    %broadcast_in_dim3A_267 = vector.broadcast %broadcast_in_dim3A_266 : i1 to vector<16xi1>
    %masked_cumsum3A_268 = tpu.scan <sum>, %add3A_263 masked %broadcast_in_dim3A_267 : vector<16xi32>, vector<16xi1> -> vector<16xi32>
    %sub3A_269 = arith.subi %masked_cumsum3A, %add3A_260 : vector<16xi32>
    %sub3A_270 = arith.subi %masked_cumsum3A_268, %add3A_263 : vector<16xi32>
    %slice3A_271 = vector.extract_strided_slice %masked_cumsum3A {offsets = [15], sizes = [1], strides = [1]} : vector<16xi32> to vector<1xi32>
    %squeeze3A_272 = vector.extract %slice3A_271[0] : i32 from vector<1xi32>
    %add3A_273 = vector.broadcast %squeeze3A_272 : i32 to vector<16xi32>
    %add3A_274 = arith.addi %sub3A_270, %add3A_273 : vector<16xi32>
    %sub3A_275 = arith.constant 200 : i32
    %sub3A_276 = arith.subi %add3A_57, %sub3A_275 : i32
    %broadcast_in_dim3A_277 = arith.constant -1 : i32
    %broadcast_in_dim3A_278 = vector.broadcast %broadcast_in_dim3A_277 : i32 to vector<16xi32>
    %le3A = vector.broadcast %sub3A_276 : i32 to vector<16xi32>
    %le3A_279 = arith.cmpi sle, %sub3A_269, %le3A : vector<16xi32>
    %select_n3A_280 = arith.select %le3A_279, %iota3A, %broadcast_in_dim3A_278 : vector<16xi1>, vector<16xi32>
    %reduce_max3A = arith.constant true
    %reduce_max3A_281 = vector.broadcast %reduce_max3A : i1 to vector<16xi1>
    %reduce_max3A_282 = arith.constant -2147483648 : i32
    %reduce_max3A_283 = vector.broadcast %reduce_max3A_282 : i32 to vector<16xi32>
    %reduce_max3A_284 = arith.xori %select_n3A_280, %reduce_max3A_283 : vector<16xi32>
    %reduce_max3A_285 = tpu.scan <max>, %reduce_max3A_284 masked %reduce_max3A_281 : vector<16xi32>, vector<16xi1> -> vector<16xi32>
    %reduce_max3A_286 = arith.xori %reduce_max3A_285, %reduce_max3A_283 : vector<16xi32>
    %reduce_max3A_287 = vector.extract %reduce_max3A_286[15] : i32 from vector<16xi32>
    %le3A_288 = vector.broadcast %sub3A_276 : i32 to vector<16xi32>
    %le3A_289 = arith.cmpi sle, %add3A_274, %le3A_288 : vector<16xi32>
    %add3A_290 = arith.constant 16 : i32
    %add3A_291 = vector.broadcast %add3A_290 : i32 to vector<16xi32>
    %add3A_292 = arith.addi %iota3A, %add3A_291 : vector<16xi32>
    %select_n3A_293 = arith.select %le3A_289, %add3A_292, %broadcast_in_dim3A_278 : vector<16xi1>, vector<16xi32>
    %reduce_max3A_294 = arith.constant true
    %reduce_max3A_295 = vector.broadcast %reduce_max3A_294 : i1 to vector<16xi1>
    %reduce_max3A_296 = arith.constant -2147483648 : i32
    %reduce_max3A_297 = vector.broadcast %reduce_max3A_296 : i32 to vector<16xi32>
    %reduce_max3A_298 = arith.xori %select_n3A_293, %reduce_max3A_297 : vector<16xi32>
    %reduce_max3A_299 = tpu.scan <max>, %reduce_max3A_298 masked %reduce_max3A_295 : vector<16xi32>, vector<16xi1> -> vector<16xi32>
    %reduce_max3A_300 = arith.xori %reduce_max3A_299, %reduce_max3A_297 : vector<16xi32>
    %reduce_max3A_301 = vector.extract %reduce_max3A_300[15] : i32 from vector<16xi32>
    %max3A = arith.maxsi %reduce_max3A_287, %reduce_max3A_301 : i32
    %ge3A = arith.constant 0 : i32
    %ge3A_302 = arith.cmpi sge, %max3A, %ge3A : i32
    %convert_element_type3A = arith.sitofp %max3A : i32 to f32
    %sub3A_303 = arith.constant 5.000000e-01 : f32
    %sub3A_304 = arith.subf %convert_element_type3A, %sub3A_303 : f32
    %mul3A_305 = arith.constant 9.375000e-03 : f32
    %mul3A_306 = arith.mulf %sub3A_304, %mul3A_305 : f32
    %add3A_307 = arith.constant 0.699999988 : f32
    %add3A_308 = arith.addf %add3A_307, %mul3A_306 : f32
    %jit3A_309 = arith.constant 0.000000e+00 : f32
    %select_n3A_310 = arith.select %ge3A_302, %add3A_308, %jit3A_309 : f32
    %while3A_311 = arith.constant 0 : i32
    %while3A_312 = arith.constant 0 : i32
    %while3A_313 = arith.subi %select_n3A_151, %while3A_311 : i32
    %while3A_314 = arith.addi %while3A_311, %while3A_313 : i32
    %while3A_315 = arith.constant 1 : i32
    %while3A_316 = arith.divsi %while3A_313, %while3A_315 : i32
    %while3A_317 = arith.muli %while3A_316, %while3A_315 : i32
    %while3A_318 = arith.addi %while3A_311, %while3A_317 : i32
    %while3A_319 = arith.constant 1 : i32
    %while3A_320 = scf.for %while3A_1115 = %while3A_311 to %while3A_318 step %while3A_319 iter_args(%while3A_1116 = %while3A_312) -> (i32)  : i32 {
      %mul3A_1117 = arith.constant 16 : i32
      %mul3A_1118 = arith.muli %while3A_1115, %mul3A_1117 : i32
      %get3A_1119 = arith.index_cast %mul3A_1118 : i32 to index
      %get3A_1120 = tpu.vector_load %arg9[%get3A_1119] {strides = array<i32>} : memref<20480xf32, #tpu.memory_space<vmem>>, vector<16xf32>,
      %mul3A_1121 = arith.constant 16 : i32
      %mul3A_1122 = arith.muli %while3A_1115, %mul3A_1121 : i32
      %get3A_1123 = arith.index_cast %mul3A_1122 : i32 to index
      %get3A_1124 = tpu.vector_load %arg10[%get3A_1123] {strides = array<i32>} : memref<20480xi32, #tpu.memory_space<vmem>>, vector<16xi32>,
      %gt3A_1125 = vector.broadcast %select_n3A_310 : f32 to vector<16xf32>
      %gt3A_1126 = arith.cmpf ogt, %get3A_1120, %gt3A_1125 : vector<16xf32>
      %swap3A_1127 = arith.index_cast %while3A_1116 : i32 to index
      %swap3A_1128 = tpu.vector_load %arg9[%swap3A_1127] masked %gt3A_1126 {strides = array<i32>} : memref<20480xf32, #tpu.memory_space<vmem>>, vector<16xf32>, vector<16xi1>
      tpu.vector_store %arg9[%swap3A_1127], %get3A_1120 masked %gt3A_1126 {strides = array<i32>} : memref<20480xf32, #tpu.memory_space<vmem>>, vector<16xf32>, vector<16xi1>
      %swap3A_1129 = arith.index_cast %while3A_1116 : i32 to index
      %swap3A_1130 = tpu.vector_load %arg10[%swap3A_1129] masked %gt3A_1126 {strides = array<i32>} : memref<20480xi32, #tpu.memory_space<vmem>>, vector<16xi32>, vector<16xi1>
      tpu.vector_store %arg10[%swap3A_1129], %get3A_1124 masked %gt3A_1126 {strides = array<i32>} : memref<20480xi32, #tpu.memory_space<vmem>>, vector<16xi32>, vector<16xi1>
      %all_reduce_population_count3A_1131 = tpu.all_reduce %gt3A_1126 {dim = 0 : i64, kind = #tpu.reduction_kind<sum>} : vector<16xi1> -> vector<16xi32>
      %slice3A_1132 = vector.extract_strided_slice %all_reduce_population_count3A_1131 {offsets = [0], sizes = [1], strides = [1]} : vector<16xi32> to vector<1xi32>
      %squeeze3A_1133 = vector.extract %slice3A_1132[0] : i32 from vector<1xi32>
      %add3A_1134 = arith.addi %while3A_1116, %squeeze3A_1133 : i32
      scf.yield %add3A_1134 : i32
    }
    %while3A_321 = arith.constant 1 : i32
    %while3A_322 = scf.for %while3A_1115 = %while3A_318 to %while3A_314 step %while3A_321 iter_args(%while3A_1116 = %while3A_320) -> (i32)  : i32 {
      %mul3A_1117 = arith.constant 16 : i32
      %mul3A_1118 = arith.muli %while3A_1115, %mul3A_1117 : i32
      %get3A_1119 = arith.index_cast %mul3A_1118 : i32 to index
      %get3A_1120 = tpu.vector_load %arg9[%get3A_1119] {strides = array<i32>} : memref<20480xf32, #tpu.memory_space<vmem>>, vector<16xf32>,
      %mul3A_1121 = arith.constant 16 : i32
      %mul3A_1122 = arith.muli %while3A_1115, %mul3A_1121 : i32
      %get3A_1123 = arith.index_cast %mul3A_1122 : i32 to index
      %get3A_1124 = tpu.vector_load %arg10[%get3A_1123] {strides = array<i32>} : memref<20480xi32, #tpu.memory_space<vmem>>, vector<16xi32>,
      %gt3A_1125 = vector.broadcast %select_n3A_310 : f32 to vector<16xf32>
      %gt3A_1126 = arith.cmpf ogt, %get3A_1120, %gt3A_1125 : vector<16xf32>
      %swap3A_1127 = arith.index_cast %while3A_1116 : i32 to index
      %swap3A_1128 = tpu.vector_load %arg9[%swap3A_1127] masked %gt3A_1126 {strides = array<i32>} : memref<20480xf32, #tpu.memory_space<vmem>>, vector<16xf32>, vector<16xi1>
      tpu.vector_store %arg9[%swap3A_1127], %get3A_1120 masked %gt3A_1126 {strides = array<i32>} : memref<20480xf32, #tpu.memory_space<vmem>>, vector<16xf32>, vector<16xi1>
      %swap3A_1129 = arith.index_cast %while3A_1116 : i32 to index
      %swap3A_1130 = tpu.vector_load %arg10[%swap3A_1129] masked %gt3A_1126 {strides = array<i32>} : memref<20480xi32, #tpu.memory_space<vmem>>, vector<16xi32>, vector<16xi1>
      tpu.vector_store %arg10[%swap3A_1129], %get3A_1124 masked %gt3A_1126 {strides = array<i32>} : memref<20480xi32, #tpu.memory_space<vmem>>, vector<16xi32>, vector<16xi1>
      %all_reduce_population_count3A_1131 = tpu.all_reduce %gt3A_1126 {dim = 0 : i64, kind = #tpu.reduction_kind<sum>} : vector<16xi1> -> vector<16xi32>
      %slice3A_1132 = vector.extract_strided_slice %all_reduce_population_count3A_1131 {offsets = [0], sizes = [1], strides = [1]} : vector<16xi32> to vector<1xi32>
      %squeeze3A_1133 = vector.extract %slice3A_1132[0] : i32 from vector<1xi32>
      %add3A_1134 = arith.addi %while3A_1116, %squeeze3A_1133 : i32
      scf.yield %add3A_1134 : i32
    }
    %add3A_323 = arith.constant 0 : i32
    %add3A_324 = arith.addi %while3A_322, %add3A_323 : i32
    %swap3A_325 = arith.index_cast %add3A_324 : i32 to index
    %swap3A_326 = tpu.vector_load %arg9[%swap3A_325] {strides = array<i32>} : memref<20480xf32, #tpu.memory_space<vmem>>, vector<16xf32>,
    tpu.vector_store %arg9[%swap3A_325], %broadcast_in_dim3A_21 {strides = array<i32>} : memref<20480xf32, #tpu.memory_space<vmem>>, vector<16xf32>,
    %add3A_327 = arith.constant 16 : i32
    %add3A_328 = arith.addi %while3A_322, %add3A_327 : i32
    %swap3A_329 = arith.index_cast %add3A_328 : i32 to index
    %swap3A_330 = tpu.vector_load %arg9[%swap3A_329] {strides = array<i32>} : memref<20480xf32, #tpu.memory_space<vmem>>, vector<16xf32>,
    tpu.vector_store %arg9[%swap3A_329], %broadcast_in_dim3A_21 {strides = array<i32>} : memref<20480xf32, #tpu.memory_space<vmem>>, vector<16xf32>,
    %add3A_331 = arith.constant 32 : i32
    %add3A_332 = arith.addi %while3A_322, %add3A_331 : i32
    %swap3A_333 = arith.index_cast %add3A_332 : i32 to index
    %swap3A_334 = tpu.vector_load %arg9[%swap3A_333] {strides = array<i32>} : memref<20480xf32, #tpu.memory_space<vmem>>, vector<16xf32>,
    tpu.vector_store %arg9[%swap3A_333], %broadcast_in_dim3A_21 {strides = array<i32>} : memref<20480xf32, #tpu.memory_space<vmem>>, vector<16xf32>,
    %add3A_335 = arith.constant 48 : i32
    %add3A_336 = arith.addi %while3A_322, %add3A_335 : i32
    %swap3A_337 = arith.index_cast %add3A_336 : i32 to index
    %swap3A_338 = tpu.vector_load %arg9[%swap3A_337] {strides = array<i32>} : memref<20480xf32, #tpu.memory_space<vmem>>, vector<16xf32>,
    tpu.vector_store %arg9[%swap3A_337], %broadcast_in_dim3A_21 {strides = array<i32>} : memref<20480xf32, #tpu.memory_space<vmem>>, vector<16xf32>,
    %swap3A_339 = arith.index_cast %while3A_322 : i32 to index
    %swap3A_340 = tpu.vector_load %arg10[%swap3A_339] {strides = array<i32>} : memref<20480xi32, #tpu.memory_space<vmem>>, vector<16xi32>,
    tpu.vector_store %arg10[%swap3A_339], %broadcast_in_dim3A_23 {strides = array<i32>} : memref<20480xi32, #tpu.memory_space<vmem>>, vector<16xi32>,
    %swap3A_341 = arith.constant 0 : index
    %swap3A_342 = tpu.vector_load %arg12[%swap3A_341] {strides = array<i32>} : memref<208xf32, #tpu.memory_space<vmem>>, vector<16xf32>,
    tpu.vector_store %arg12[%swap3A_341], %broadcast_in_dim3A_21 {strides = array<i32>} : memref<208xf32, #tpu.memory_space<vmem>>, vector<16xf32>,
    %swap3A_343 = arith.constant 0 : index
    %swap3A_344 = tpu.vector_load %arg13[%swap3A_343] {strides = array<i32>} : memref<208xi32, #tpu.memory_space<vmem>>, vector<16xi32>,
    tpu.vector_store %arg13[%swap3A_343], %broadcast_in_dim3A_23 {strides = array<i32>} : memref<208xi32, #tpu.memory_space<vmem>>, vector<16xi32>,
    %swap3A_345 = arith.constant 0 : index
    %swap3A_346 = tpu.vector_load %arg18[%swap3A_345] {strides = array<i32>} : memref<208xf32, #tpu.memory_space<vmem>>, vector<16xf32>,
    tpu.vector_store %arg18[%swap3A_345], %broadcast_in_dim3A_19 {strides = array<i32>} : memref<208xf32, #tpu.memory_space<vmem>>, vector<16xf32>,
    %swap3A_347 = arith.constant 16 : index
    %swap3A_348 = tpu.vector_load %arg12[%swap3A_347] {strides = array<i32>} : memref<208xf32, #tpu.memory_space<vmem>>, vector<16xf32>,
    tpu.vector_store %arg12[%swap3A_347], %broadcast_in_dim3A_21 {strides = array<i32>} : memref<208xf32, #tpu.memory_space<vmem>>, vector<16xf32>,
    %swap3A_349 = arith.constant 16 : index
    %swap3A_350 = tpu.vector_load %arg13[%swap3A_349] {strides = array<i32>} : memref<208xi32, #tpu.memory_space<vmem>>, vector<16xi32>,
    tpu.vector_store %arg13[%swap3A_349], %broadcast_in_dim3A_23 {strides = array<i32>} : memref<208xi32, #tpu.memory_space<vmem>>, vector<16xi32>,
    %swap3A_351 = arith.constant 16 : index
    %swap3A_352 = tpu.vector_load %arg18[%swap3A_351] {strides = array<i32>} : memref<208xf32, #tpu.memory_space<vmem>>, vector<16xf32>,
    tpu.vector_store %arg18[%swap3A_351], %broadcast_in_dim3A_19 {strides = array<i32>} : memref<208xf32, #tpu.memory_space<vmem>>, vector<16xf32>,
    %swap3A_353 = arith.constant 32 : index
    %swap3A_354 = tpu.vector_load %arg12[%swap3A_353] {strides = array<i32>} : memref<208xf32, #tpu.memory_space<vmem>>, vector<16xf32>,
    tpu.vector_store %arg12[%swap3A_353], %broadcast_in_dim3A_21 {strides = array<i32>} : memref<208xf32, #tpu.memory_space<vmem>>, vector<16xf32>,
    %swap3A_355 = arith.constant 32 : index
    %swap3A_356 = tpu.vector_load %arg13[%swap3A_355] {strides = array<i32>} : memref<208xi32, #tpu.memory_space<vmem>>, vector<16xi32>,
    tpu.vector_store %arg13[%swap3A_355], %broadcast_in_dim3A_23 {strides = array<i32>} : memref<208xi32, #tpu.memory_space<vmem>>, vector<16xi32>,
    %swap3A_357 = arith.constant 32 : index
    %swap3A_358 = tpu.vector_load %arg18[%swap3A_357] {strides = array<i32>} : memref<208xf32, #tpu.memory_space<vmem>>, vector<16xf32>,
    tpu.vector_store %arg18[%swap3A_357], %broadcast_in_dim3A_19 {strides = array<i32>} : memref<208xf32, #tpu.memory_space<vmem>>, vector<16xf32>,
    %swap3A_359 = arith.constant 48 : index
    %swap3A_360 = tpu.vector_load %arg12[%swap3A_359] {strides = array<i32>} : memref<208xf32, #tpu.memory_space<vmem>>, vector<16xf32>,
    tpu.vector_store %arg12[%swap3A_359], %broadcast_in_dim3A_21 {strides = array<i32>} : memref<208xf32, #tpu.memory_space<vmem>>, vector<16xf32>,
    %swap3A_361 = arith.constant 48 : index
    %swap3A_362 = tpu.vector_load %arg13[%swap3A_361] {strides = array<i32>} : memref<208xi32, #tpu.memory_space<vmem>>, vector<16xi32>,
    tpu.vector_store %arg13[%swap3A_361], %broadcast_in_dim3A_23 {strides = array<i32>} : memref<208xi32, #tpu.memory_space<vmem>>, vector<16xi32>,
    %swap3A_363 = arith.constant 48 : index
    %swap3A_364 = tpu.vector_load %arg18[%swap3A_363] {strides = array<i32>} : memref<208xf32, #tpu.memory_space<vmem>>, vector<16xf32>,
    tpu.vector_store %arg18[%swap3A_363], %broadcast_in_dim3A_19 {strides = array<i32>} : memref<208xf32, #tpu.memory_space<vmem>>, vector<16xf32>,
    %swap3A_365 = arith.constant 64 : index
    %swap3A_366 = tpu.vector_load %arg12[%swap3A_365] {strides = array<i32>} : memref<208xf32, #tpu.memory_space<vmem>>, vector<16xf32>,
    tpu.vector_store %arg12[%swap3A_365], %broadcast_in_dim3A_21 {strides = array<i32>} : memref<208xf32, #tpu.memory_space<vmem>>, vector<16xf32>,
    %swap3A_367 = arith.constant 64 : index
    %swap3A_368 = tpu.vector_load %arg13[%swap3A_367] {strides = array<i32>} : memref<208xi32, #tpu.memory_space<vmem>>, vector<16xi32>,
    tpu.vector_store %arg13[%swap3A_367], %broadcast_in_dim3A_23 {strides = array<i32>} : memref<208xi32, #tpu.memory_space<vmem>>, vector<16xi32>,
    %swap3A_369 = arith.constant 64 : index
    %swap3A_370 = tpu.vector_load %arg18[%swap3A_369] {strides = array<i32>} : memref<208xf32, #tpu.memory_space<vmem>>, vector<16xf32>,
    tpu.vector_store %arg18[%swap3A_369], %broadcast_in_dim3A_19 {strides = array<i32>} : memref<208xf32, #tpu.memory_space<vmem>>, vector<16xf32>,
    %swap3A_371 = arith.constant 80 : index
    %swap3A_372 = tpu.vector_load %arg12[%swap3A_371] {strides = array<i32>} : memref<208xf32, #tpu.memory_space<vmem>>, vector<16xf32>,
    tpu.vector_store %arg12[%swap3A_371], %broadcast_in_dim3A_21 {strides = array<i32>} : memref<208xf32, #tpu.memory_space<vmem>>, vector<16xf32>,
    %swap3A_373 = arith.constant 80 : index
    %swap3A_374 = tpu.vector_load %arg13[%swap3A_373] {strides = array<i32>} : memref<208xi32, #tpu.memory_space<vmem>>, vector<16xi32>,
    tpu.vector_store %arg13[%swap3A_373], %broadcast_in_dim3A_23 {strides = array<i32>} : memref<208xi32, #tpu.memory_space<vmem>>, vector<16xi32>,
    %swap3A_375 = arith.constant 80 : index
    %swap3A_376 = tpu.vector_load %arg18[%swap3A_375] {strides = array<i32>} : memref<208xf32, #tpu.memory_space<vmem>>, vector<16xf32>,
    tpu.vector_store %arg18[%swap3A_375], %broadcast_in_dim3A_19 {strides = array<i32>} : memref<208xf32, #tpu.memory_space<vmem>>, vector<16xf32>,
    %swap3A_377 = arith.constant 96 : index
    %swap3A_378 = tpu.vector_load %arg12[%swap3A_377] {strides = array<i32>} : memref<208xf32, #tpu.memory_space<vmem>>, vector<16xf32>,
    tpu.vector_store %arg12[%swap3A_377], %broadcast_in_dim3A_21 {strides = array<i32>} : memref<208xf32, #tpu.memory_space<vmem>>, vector<16xf32>,
    %swap3A_379 = arith.constant 96 : index
    %swap3A_380 = tpu.vector_load %arg13[%swap3A_379] {strides = array<i32>} : memref<208xi32, #tpu.memory_space<vmem>>, vector<16xi32>,
    tpu.vector_store %arg13[%swap3A_379], %broadcast_in_dim3A_23 {strides = array<i32>} : memref<208xi32, #tpu.memory_space<vmem>>, vector<16xi32>,
    %swap3A_381 = arith.constant 96 : index
    %swap3A_382 = tpu.vector_load %arg18[%swap3A_381] {strides = array<i32>} : memref<208xf32, #tpu.memory_space<vmem>>, vector<16xf32>,
    tpu.vector_store %arg18[%swap3A_381], %broadcast_in_dim3A_19 {strides = array<i32>} : memref<208xf32, #tpu.memory_space<vmem>>, vector<16xf32>,
    %swap3A_383 = arith.constant 112 : index
    %swap3A_384 = tpu.vector_load %arg12[%swap3A_383] {strides = array<i32>} : memref<208xf32, #tpu.memory_space<vmem>>, vector<16xf32>,
    tpu.vector_store %arg12[%swap3A_383], %broadcast_in_dim3A_21 {strides = array<i32>} : memref<208xf32, #tpu.memory_space<vmem>>, vector<16xf32>,
    %swap3A_385 = arith.constant 112 : index
    %swap3A_386 = tpu.vector_load %arg13[%swap3A_385] {strides = array<i32>} : memref<208xi32, #tpu.memory_space<vmem>>, vector<16xi32>,
    tpu.vector_store %arg13[%swap3A_385], %broadcast_in_dim3A_23 {strides = array<i32>} : memref<208xi32, #tpu.memory_space<vmem>>, vector<16xi32>,
    %swap3A_387 = arith.constant 112 : index
    %swap3A_388 = tpu.vector_load %arg18[%swap3A_387] {strides = array<i32>} : memref<208xf32, #tpu.memory_space<vmem>>, vector<16xf32>,
    tpu.vector_store %arg18[%swap3A_387], %broadcast_in_dim3A_19 {strides = array<i32>} : memref<208xf32, #tpu.memory_space<vmem>>, vector<16xf32>,
    %swap3A_389 = arith.constant 128 : index
    %swap3A_390 = tpu.vector_load %arg12[%swap3A_389] {strides = array<i32>} : memref<208xf32, #tpu.memory_space<vmem>>, vector<16xf32>,
    tpu.vector_store %arg12[%swap3A_389], %broadcast_in_dim3A_21 {strides = array<i32>} : memref<208xf32, #tpu.memory_space<vmem>>, vector<16xf32>,
    %swap3A_391 = arith.constant 128 : index
    %swap3A_392 = tpu.vector_load %arg13[%swap3A_391] {strides = array<i32>} : memref<208xi32, #tpu.memory_space<vmem>>, vector<16xi32>,
    tpu.vector_store %arg13[%swap3A_391], %broadcast_in_dim3A_23 {strides = array<i32>} : memref<208xi32, #tpu.memory_space<vmem>>, vector<16xi32>,
    %swap3A_393 = arith.constant 128 : index
    %swap3A_394 = tpu.vector_load %arg18[%swap3A_393] {strides = array<i32>} : memref<208xf32, #tpu.memory_space<vmem>>, vector<16xf32>,
    tpu.vector_store %arg18[%swap3A_393], %broadcast_in_dim3A_19 {strides = array<i32>} : memref<208xf32, #tpu.memory_space<vmem>>, vector<16xf32>,
    %swap3A_395 = arith.constant 144 : index
    %swap3A_396 = tpu.vector_load %arg12[%swap3A_395] {strides = array<i32>} : memref<208xf32, #tpu.memory_space<vmem>>, vector<16xf32>,
    tpu.vector_store %arg12[%swap3A_395], %broadcast_in_dim3A_21 {strides = array<i32>} : memref<208xf32, #tpu.memory_space<vmem>>, vector<16xf32>,
    %swap3A_397 = arith.constant 144 : index
    %swap3A_398 = tpu.vector_load %arg13[%swap3A_397] {strides = array<i32>} : memref<208xi32, #tpu.memory_space<vmem>>, vector<16xi32>,
    tpu.vector_store %arg13[%swap3A_397], %broadcast_in_dim3A_23 {strides = array<i32>} : memref<208xi32, #tpu.memory_space<vmem>>, vector<16xi32>,
    %swap3A_399 = arith.constant 144 : index
    %swap3A_400 = tpu.vector_load %arg18[%swap3A_399] {strides = array<i32>} : memref<208xf32, #tpu.memory_space<vmem>>, vector<16xf32>,
    tpu.vector_store %arg18[%swap3A_399], %broadcast_in_dim3A_19 {strides = array<i32>} : memref<208xf32, #tpu.memory_space<vmem>>, vector<16xf32>,
    %swap3A_401 = arith.constant 160 : index
    %swap3A_402 = tpu.vector_load %arg12[%swap3A_401] {strides = array<i32>} : memref<208xf32, #tpu.memory_space<vmem>>, vector<16xf32>,
    tpu.vector_store %arg12[%swap3A_401], %broadcast_in_dim3A_21 {strides = array<i32>} : memref<208xf32, #tpu.memory_space<vmem>>, vector<16xf32>,
    %swap3A_403 = arith.constant 160 : index
    %swap3A_404 = tpu.vector_load %arg13[%swap3A_403] {strides = array<i32>} : memref<208xi32, #tpu.memory_space<vmem>>, vector<16xi32>,
    tpu.vector_store %arg13[%swap3A_403], %broadcast_in_dim3A_23 {strides = array<i32>} : memref<208xi32, #tpu.memory_space<vmem>>, vector<16xi32>,
    %swap3A_405 = arith.constant 160 : index
    %swap3A_406 = tpu.vector_load %arg18[%swap3A_405] {strides = array<i32>} : memref<208xf32, #tpu.memory_space<vmem>>, vector<16xf32>,
    tpu.vector_store %arg18[%swap3A_405], %broadcast_in_dim3A_19 {strides = array<i32>} : memref<208xf32, #tpu.memory_space<vmem>>, vector<16xf32>,
    %swap3A_407 = arith.constant 176 : index
    %swap3A_408 = tpu.vector_load %arg12[%swap3A_407] {strides = array<i32>} : memref<208xf32, #tpu.memory_space<vmem>>, vector<16xf32>,
    tpu.vector_store %arg12[%swap3A_407], %broadcast_in_dim3A_21 {strides = array<i32>} : memref<208xf32, #tpu.memory_space<vmem>>, vector<16xf32>,
    %swap3A_409 = arith.constant 176 : index
    %swap3A_410 = tpu.vector_load %arg13[%swap3A_409] {strides = array<i32>} : memref<208xi32, #tpu.memory_space<vmem>>, vector<16xi32>,
    tpu.vector_store %arg13[%swap3A_409], %broadcast_in_dim3A_23 {strides = array<i32>} : memref<208xi32, #tpu.memory_space<vmem>>, vector<16xi32>,
    %swap3A_411 = arith.constant 176 : index
    %swap3A_412 = tpu.vector_load %arg18[%swap3A_411] {strides = array<i32>} : memref<208xf32, #tpu.memory_space<vmem>>, vector<16xf32>,
    tpu.vector_store %arg18[%swap3A_411], %broadcast_in_dim3A_19 {strides = array<i32>} : memref<208xf32, #tpu.memory_space<vmem>>, vector<16xf32>,
    %swap3A_413 = arith.constant 192 : index
    %swap3A_414 = tpu.vector_load %arg12[%swap3A_413] {strides = array<i32>} : memref<208xf32, #tpu.memory_space<vmem>>, vector<16xf32>,
    tpu.vector_store %arg12[%swap3A_413], %broadcast_in_dim3A_21 {strides = array<i32>} : memref<208xf32, #tpu.memory_space<vmem>>, vector<16xf32>,
    %swap3A_415 = arith.constant 192 : index
    %swap3A_416 = tpu.vector_load %arg13[%swap3A_415] {strides = array<i32>} : memref<208xi32, #tpu.memory_space<vmem>>, vector<16xi32>,
    tpu.vector_store %arg13[%swap3A_415], %broadcast_in_dim3A_23 {strides = array<i32>} : memref<208xi32, #tpu.memory_space<vmem>>, vector<16xi32>,
    %swap3A_417 = arith.constant 192 : index
    %swap3A_418 = tpu.vector_load %arg18[%swap3A_417] {strides = array<i32>} : memref<208xf32, #tpu.memory_space<vmem>>, vector<16xf32>,
    tpu.vector_store %arg18[%swap3A_417], %broadcast_in_dim3A_19 {strides = array<i32>} : memref<208xf32, #tpu.memory_space<vmem>>, vector<16xf32>,
    %min3A = arith.constant 200 : i32
    %min3A_419 = arith.minsi %add3A_57, %min3A : i32
    %add3A_420 = arith.constant 63 : i32
    %add3A_421 = arith.addi %while3A_322, %add3A_420 : i32
    %jit3A_422 = arith.constant 64 : i32
    %div3A_423 = arith.divsi %add3A_421, %jit3A_422 : i32
    %sign3A_424 = arith.constant 0 : i32
    %sign3A_425 = arith.cmpi sgt, %add3A_421, %sign3A_424 : i32
    %sign3A_426 = arith.extui %sign3A_425 : i1 to i32
    %sign3A_427 = arith.constant 0 : i32
    %sign3A_428 = arith.cmpi slt, %add3A_421, %sign3A_427 : i32
    %sign3A_429 = arith.extui %sign3A_428 : i1 to i32
    %sign3A_430 = arith.subi %sign3A_426, %sign3A_429 : i32
    %sign3A_431 = arith.constant 0 : i32
    %sign3A_432 = arith.cmpi sgt, %jit3A_422, %sign3A_431 : i32
    %sign3A_433 = arith.extui %sign3A_432 : i1 to i32
    %sign3A_434 = arith.constant 0 : i32
    %sign3A_435 = arith.cmpi slt, %jit3A_422, %sign3A_434 : i32
    %sign3A_436 = arith.extui %sign3A_435 : i1 to i32
    %sign3A_437 = arith.subi %sign3A_433, %sign3A_436 : i32
    %ne3A_438 = arith.cmpi ne, %sign3A_430, %sign3A_437 : i32
    %rem3A_439 = arith.remsi %add3A_421, %jit3A_422 : i32
    %ne3A_440 = arith.constant 0 : i32
    %ne3A_441 = arith.cmpi ne, %rem3A_439, %ne3A_440 : i32
    %and3A_442 = arith.andi %ne3A_438, %ne3A_441 : i1
    %sub3A_443 = arith.constant 1 : i32
    %sub3A_444 = arith.subi %div3A_423, %sub3A_443 : i32
    %select_n3A_445 = arith.select %and3A_442, %sub3A_444, %div3A_423 : i32
    %while3A_446 = arith.constant 1073741824 : i32
    %while3A_447 = arith.constant 0 : i32
    %while3A_448 = arith.constant 0 : i32
    %while3A_449 = arith.subi %min3A_419, %while3A_447 : i32
    %while3A_450 = arith.addi %while3A_447, %while3A_449 : i32
    %while3A_451 = arith.constant 1 : i32
    %while3A_452 = arith.divsi %while3A_449, %while3A_451 : i32
    %while3A_453 = arith.muli %while3A_452, %while3A_451 : i32
    %while3A_454 = arith.addi %while3A_447, %while3A_453 : i32
    %while3A_455 = arith.constant 1 : i32
    %while3A_456 = scf.for %while3A_1115 = %while3A_447 to %while3A_454 step %while3A_455 iter_args(%while3A_1116 = %while3A_448) -> (i32)  : i32 {
      %broadcast_in_dim3A_1117 = arith.constant -2.000000e+00 : f32
      %broadcast_in_dim3A_1118 = vector.broadcast %broadcast_in_dim3A_1117 : f32 to vector<16xf32>
      %broadcast_in_dim3A_1119 = vector.broadcast %while3A_446 : i32 to vector<16xi32>
      %while3A_1120 = arith.constant 0 : i32
      %while3A_1121 = arith.subi %select_n3A_445, %while3A_1120 : i32
      %while3A_1122 = arith.addi %while3A_1120, %while3A_1121 : i32
      %while3A_1123 = arith.constant 1 : i32
      %while3A_1124 = arith.divsi %while3A_1121, %while3A_1123 : i32
      %while3A_1125 = arith.muli %while3A_1124, %while3A_1123 : i32
      %while3A_1126 = arith.addi %while3A_1120, %while3A_1125 : i32
      %while3A_1127 = arith.constant 1 : i32
      %while3A_1128:2 = scf.for %while3A_1151 = %while3A_1120 to %while3A_1126 step %while3A_1127 iter_args(%while3A_1152 = %broadcast_in_dim3A_1118, %while3A_1153 = %broadcast_in_dim3A_1119) -> (vector<16xf32>, vector<16xi32>)  : i32 {
        %mul3A_1154 = arith.constant 64 : i32
        %mul3A_1155 = arith.muli %while3A_1151, %mul3A_1154 : i32
        %get3A_1156 = arith.index_cast %mul3A_1155 : i32 to index
        %get3A_1157 = tpu.vector_load %arg9[%get3A_1156] {strides = array<i32>} : memref<20480xf32, #tpu.memory_space<vmem>>, vector<16xf32>,
        %add3A_1158 = arith.constant 16 : i32
        %add3A_1159 = arith.addi %mul3A_1155, %add3A_1158 : i32
        %get3A_1160 = arith.index_cast %add3A_1159 : i32 to index
        %get3A_1161 = tpu.vector_load %arg9[%get3A_1160] {strides = array<i32>} : memref<20480xf32, #tpu.memory_space<vmem>>, vector<16xf32>,
        %add3A_1162 = arith.constant 32 : i32
        %add3A_1163 = arith.addi %mul3A_1155, %add3A_1162 : i32
        %get3A_1164 = arith.index_cast %add3A_1163 : i32 to index
        %get3A_1165 = tpu.vector_load %arg9[%get3A_1164] {strides = array<i32>} : memref<20480xf32, #tpu.memory_space<vmem>>, vector<16xf32>,
        %add3A_1166 = arith.constant 48 : i32
        %add3A_1167 = arith.addi %mul3A_1155, %add3A_1166 : i32
        %get3A_1168 = arith.index_cast %add3A_1167 : i32 to index
        %get3A_1169 = tpu.vector_load %arg9[%get3A_1168] {strides = array<i32>} : memref<20480xf32, #tpu.memory_space<vmem>>, vector<16xf32>,
        %add3A_1170 = vector.broadcast %mul3A_1155 : i32 to vector<16xi32>
        %add3A_1171 = arith.addi %iota3A, %add3A_1170 : vector<16xi32>
        %gt3A_1172 = arith.cmpf ogt, %get3A_1161, %get3A_1157 : vector<16xf32>
        %select_n3A_1173 = arith.select %gt3A_1172, %get3A_1161, %get3A_1157 : vector<16xi1>, vector<16xf32>
        %add3A_1174 = arith.constant 16 : i32
        %add3A_1175 = vector.broadcast %add3A_1174 : i32 to vector<16xi32>
        %add3A_1176 = arith.addi %add3A_1171, %add3A_1175 : vector<16xi32>
        %select_n3A_1177 = arith.select %gt3A_1172, %add3A_1176, %add3A_1171 : vector<16xi1>, vector<16xi32>
        %gt3A_1178 = arith.cmpf ogt, %get3A_1169, %get3A_1165 : vector<16xf32>
        %select_n3A_1179 = arith.select %gt3A_1178, %get3A_1169, %get3A_1165 : vector<16xi1>, vector<16xf32>
        %add3A_1180 = arith.constant 48 : i32
        %add3A_1181 = vector.broadcast %add3A_1180 : i32 to vector<16xi32>
        %add3A_1182 = arith.addi %add3A_1171, %add3A_1181 : vector<16xi32>
        %add3A_1183 = arith.constant 32 : i32
        %add3A_1184 = vector.broadcast %add3A_1183 : i32 to vector<16xi32>
        %add3A_1185 = arith.addi %add3A_1171, %add3A_1184 : vector<16xi32>
        %select_n3A_1186 = arith.select %gt3A_1178, %add3A_1182, %add3A_1185 : vector<16xi1>, vector<16xi32>
        %gt3A_1187 = arith.cmpf ogt, %select_n3A_1179, %select_n3A_1173 : vector<16xf32>
        %select_n3A_1188 = arith.select %gt3A_1187, %select_n3A_1179, %select_n3A_1173 : vector<16xi1>, vector<16xf32>
        %select_n3A_1189 = arith.select %gt3A_1187, %select_n3A_1186, %select_n3A_1177 : vector<16xi1>, vector<16xi32>
        %gt3A_1190 = arith.cmpf ogt, %select_n3A_1188, %while3A_1152 : vector<16xf32>
        %select_n3A_1191 = arith.select %gt3A_1190, %select_n3A_1188, %while3A_1152 : vector<16xi1>, vector<16xf32>
        %select_n3A_1192 = arith.select %gt3A_1190, %select_n3A_1189, %while3A_1153 : vector<16xi1>, vector<16xi32>
        scf.yield %select_n3A_1191, %select_n3A_1192 : vector<16xf32>, vector<16xi32>
      }
      %while3A_1129 = arith.constant 1 : i32
      %while3A_1130:2 = scf.for %while3A_1151 = %while3A_1126 to %while3A_1122 step %while3A_1129 iter_args(%while3A_1152 = %while3A_1128#0, %while3A_1153 = %while3A_1128#1) -> (vector<16xf32>, vector<16xi32>)  : i32 {
        %mul3A_1154 = arith.constant 64 : i32
        %mul3A_1155 = arith.muli %while3A_1151, %mul3A_1154 : i32
        %get3A_1156 = arith.index_cast %mul3A_1155 : i32 to index
        %get3A_1157 = tpu.vector_load %arg9[%get3A_1156] {strides = array<i32>} : memref<20480xf32, #tpu.memory_space<vmem>>, vector<16xf32>,
        %add3A_1158 = arith.constant 16 : i32
        %add3A_1159 = arith.addi %mul3A_1155, %add3A_1158 : i32
        %get3A_1160 = arith.index_cast %add3A_1159 : i32 to index
        %get3A_1161 = tpu.vector_load %arg9[%get3A_1160] {strides = array<i32>} : memref<20480xf32, #tpu.memory_space<vmem>>, vector<16xf32>,
        %add3A_1162 = arith.constant 32 : i32
        %add3A_1163 = arith.addi %mul3A_1155, %add3A_1162 : i32
        %get3A_1164 = arith.index_cast %add3A_1163 : i32 to index
        %get3A_1165 = tpu.vector_load %arg9[%get3A_1164] {strides = array<i32>} : memref<20480xf32, #tpu.memory_space<vmem>>, vector<16xf32>,
        %add3A_1166 = arith.constant 48 : i32
        %add3A_1167 = arith.addi %mul3A_1155, %add3A_1166 : i32
        %get3A_1168 = arith.index_cast %add3A_1167 : i32 to index
        %get3A_1169 = tpu.vector_load %arg9[%get3A_1168] {strides = array<i32>} : memref<20480xf32, #tpu.memory_space<vmem>>, vector<16xf32>,
        %add3A_1170 = vector.broadcast %mul3A_1155 : i32 to vector<16xi32>
        %add3A_1171 = arith.addi %iota3A, %add3A_1170 : vector<16xi32>
        %gt3A_1172 = arith.cmpf ogt, %get3A_1161, %get3A_1157 : vector<16xf32>
        %select_n3A_1173 = arith.select %gt3A_1172, %get3A_1161, %get3A_1157 : vector<16xi1>, vector<16xf32>
        %add3A_1174 = arith.constant 16 : i32
        %add3A_1175 = vector.broadcast %add3A_1174 : i32 to vector<16xi32>
        %add3A_1176 = arith.addi %add3A_1171, %add3A_1175 : vector<16xi32>
        %select_n3A_1177 = arith.select %gt3A_1172, %add3A_1176, %add3A_1171 : vector<16xi1>, vector<16xi32>
        %gt3A_1178 = arith.cmpf ogt, %get3A_1169, %get3A_1165 : vector<16xf32>
        %select_n3A_1179 = arith.select %gt3A_1178, %get3A_1169, %get3A_1165 : vector<16xi1>, vector<16xf32>
        %add3A_1180 = arith.constant 48 : i32
        %add3A_1181 = vector.broadcast %add3A_1180 : i32 to vector<16xi32>
        %add3A_1182 = arith.addi %add3A_1171, %add3A_1181 : vector<16xi32>
        %add3A_1183 = arith.constant 32 : i32
        %add3A_1184 = vector.broadcast %add3A_1183 : i32 to vector<16xi32>
        %add3A_1185 = arith.addi %add3A_1171, %add3A_1184 : vector<16xi32>
        %select_n3A_1186 = arith.select %gt3A_1178, %add3A_1182, %add3A_1185 : vector<16xi1>, vector<16xi32>
        %gt3A_1187 = arith.cmpf ogt, %select_n3A_1179, %select_n3A_1173 : vector<16xf32>
        %select_n3A_1188 = arith.select %gt3A_1187, %select_n3A_1179, %select_n3A_1173 : vector<16xi1>, vector<16xf32>
        %select_n3A_1189 = arith.select %gt3A_1187, %select_n3A_1186, %select_n3A_1177 : vector<16xi1>, vector<16xi32>
        %gt3A_1190 = arith.cmpf ogt, %select_n3A_1188, %while3A_1152 : vector<16xf32>
        %select_n3A_1191 = arith.select %gt3A_1190, %select_n3A_1188, %while3A_1152 : vector<16xi1>, vector<16xf32>
        %select_n3A_1192 = arith.select %gt3A_1190, %select_n3A_1189, %while3A_1153 : vector<16xi1>, vector<16xi32>
        scf.yield %select_n3A_1191, %select_n3A_1192 : vector<16xf32>, vector<16xi32>
      }
      %reduce_max3A_1131 = arith.constant true
      %reduce_max3A_1132 = vector.broadcast %reduce_max3A_1131 : i1 to vector<16xi1>
      %reduce_max3A_1133 = tpu.scan <max>, %while3A_1130#0 masked %reduce_max3A_1132 : vector<16xf32>, vector<16xi1> -> vector<16xf32>
      %reduce_max3A_1134 = vector.extract %reduce_max3A_1133[15] : f32 from vector<16xf32>
      %eq3A_1135 = vector.broadcast %reduce_max3A_1134 : f32 to vector<16xf32>
      %eq3A_1136 = arith.cmpf oeq, %while3A_1130#0, %eq3A_1135 : vector<16xf32>
      %broadcast_in_dim3A_1137 = vector.broadcast %while3A_446 : i32 to vector<16xi32>
      %select_n3A_1138 = arith.select %eq3A_1136, %while3A_1130#1, %broadcast_in_dim3A_1137 : vector<16xi1>, vector<16xi32>
      %reduce_min3A = arith.constant true
      %reduce_min3A_1139 = vector.broadcast %reduce_min3A : i1 to vector<16xi1>
      %reduce_min3A_1140 = arith.constant -2147483648 : i32
      %reduce_min3A_1141 = vector.broadcast %reduce_min3A_1140 : i32 to vector<16xi32>
      %reduce_min3A_1142 = arith.xori %select_n3A_1138, %reduce_min3A_1141 : vector<16xi32>
      %reduce_min3A_1143 = tpu.scan <min>, %reduce_min3A_1142 masked %reduce_min3A_1139 : vector<16xi32>, vector<16xi1> -> vector<16xi32>
      %reduce_min3A_1144 = arith.xori %reduce_min3A_1143, %reduce_min3A_1141 : vector<16xi32>
      %reduce_min3A_1145 = vector.extract %reduce_min3A_1144[15] : i32 from vector<16xi32>
      %broadcast_in_dim3A_1146 = vector.broadcast %while3A_1115 : i32 to vector<16xi32>
      %broadcast_in_dim3A_1147 = vector.broadcast %reduce_max3A_1134 : f32 to vector<16xf32>
      tpu.vector_store_idx %arg12[%broadcast_in_dim3A_1146], %broadcast_in_dim3A_1147 masked %eq3A_18 : memref<208xf32, #tpu.memory_space<vmem>>[vector<16xi32>], vector<16xf32>, vector<16xi1>
      %broadcast_in_dim3A_1148 = vector.broadcast %reduce_min3A_1145 : i32 to vector<16xi32>
      tpu.vector_store_idx %arg13[%broadcast_in_dim3A_1146], %broadcast_in_dim3A_1148 masked %eq3A_18 : memref<208xi32, #tpu.memory_space<vmem>>[vector<16xi32>], vector<16xi32>, vector<16xi1>
      %broadcast_in_dim3A_1149 = vector.broadcast %reduce_min3A_1145 : i32 to vector<16xi32>
      tpu.vector_store_idx %arg9[%broadcast_in_dim3A_1149], %broadcast_in_dim3A_21 masked %eq3A_18 : memref<20480xf32, #tpu.memory_space<vmem>>[vector<16xi32>], vector<16xf32>, vector<16xi1>
      %while3A_1150 = arith.constant 0 : i32
      scf.yield %while3A_1150 : i32
    }
    %while3A_457 = arith.constant 1 : i32
    %while3A_458 = scf.for %while3A_1115 = %while3A_454 to %while3A_450 step %while3A_457 iter_args(%while3A_1116 = %while3A_456) -> (i32)  : i32 {
      %broadcast_in_dim3A_1117 = arith.constant -2.000000e+00 : f32
      %broadcast_in_dim3A_1118 = vector.broadcast %broadcast_in_dim3A_1117 : f32 to vector<16xf32>
      %broadcast_in_dim3A_1119 = vector.broadcast %while3A_446 : i32 to vector<16xi32>
      %while3A_1120 = arith.constant 0 : i32
      %while3A_1121 = arith.subi %select_n3A_445, %while3A_1120 : i32
      %while3A_1122 = arith.addi %while3A_1120, %while3A_1121 : i32
      %while3A_1123 = arith.constant 1 : i32
      %while3A_1124 = arith.divsi %while3A_1121, %while3A_1123 : i32
      %while3A_1125 = arith.muli %while3A_1124, %while3A_1123 : i32
      %while3A_1126 = arith.addi %while3A_1120, %while3A_1125 : i32
      %while3A_1127 = arith.constant 1 : i32
      %while3A_1128:2 = scf.for %while3A_1151 = %while3A_1120 to %while3A_1126 step %while3A_1127 iter_args(%while3A_1152 = %broadcast_in_dim3A_1118, %while3A_1153 = %broadcast_in_dim3A_1119) -> (vector<16xf32>, vector<16xi32>)  : i32 {
        %mul3A_1154 = arith.constant 64 : i32
        %mul3A_1155 = arith.muli %while3A_1151, %mul3A_1154 : i32
        %get3A_1156 = arith.index_cast %mul3A_1155 : i32 to index
        %get3A_1157 = tpu.vector_load %arg9[%get3A_1156] {strides = array<i32>} : memref<20480xf32, #tpu.memory_space<vmem>>, vector<16xf32>,
        %add3A_1158 = arith.constant 16 : i32
        %add3A_1159 = arith.addi %mul3A_1155, %add3A_1158 : i32
        %get3A_1160 = arith.index_cast %add3A_1159 : i32 to index
        %get3A_1161 = tpu.vector_load %arg9[%get3A_1160] {strides = array<i32>} : memref<20480xf32, #tpu.memory_space<vmem>>, vector<16xf32>,
        %add3A_1162 = arith.constant 32 : i32
        %add3A_1163 = arith.addi %mul3A_1155, %add3A_1162 : i32
        %get3A_1164 = arith.index_cast %add3A_1163 : i32 to index
        %get3A_1165 = tpu.vector_load %arg9[%get3A_1164] {strides = array<i32>} : memref<20480xf32, #tpu.memory_space<vmem>>, vector<16xf32>,
        %add3A_1166 = arith.constant 48 : i32
        %add3A_1167 = arith.addi %mul3A_1155, %add3A_1166 : i32
        %get3A_1168 = arith.index_cast %add3A_1167 : i32 to index
        %get3A_1169 = tpu.vector_load %arg9[%get3A_1168] {strides = array<i32>} : memref<20480xf32, #tpu.memory_space<vmem>>, vector<16xf32>,
        %add3A_1170 = vector.broadcast %mul3A_1155 : i32 to vector<16xi32>
        %add3A_1171 = arith.addi %iota3A, %add3A_1170 : vector<16xi32>
        %gt3A_1172 = arith.cmpf ogt, %get3A_1161, %get3A_1157 : vector<16xf32>
        %select_n3A_1173 = arith.select %gt3A_1172, %get3A_1161, %get3A_1157 : vector<16xi1>, vector<16xf32>
        %add3A_1174 = arith.constant 16 : i32
        %add3A_1175 = vector.broadcast %add3A_1174 : i32 to vector<16xi32>
        %add3A_1176 = arith.addi %add3A_1171, %add3A_1175 : vector<16xi32>
        %select_n3A_1177 = arith.select %gt3A_1172, %add3A_1176, %add3A_1171 : vector<16xi1>, vector<16xi32>
        %gt3A_1178 = arith.cmpf ogt, %get3A_1169, %get3A_1165 : vector<16xf32>
        %select_n3A_1179 = arith.select %gt3A_1178, %get3A_1169, %get3A_1165 : vector<16xi1>, vector<16xf32>
        %add3A_1180 = arith.constant 48 : i32
        %add3A_1181 = vector.broadcast %add3A_1180 : i32 to vector<16xi32>
        %add3A_1182 = arith.addi %add3A_1171, %add3A_1181 : vector<16xi32>
        %add3A_1183 = arith.constant 32 : i32
        %add3A_1184 = vector.broadcast %add3A_1183 : i32 to vector<16xi32>
        %add3A_1185 = arith.addi %add3A_1171, %add3A_1184 : vector<16xi32>
        %select_n3A_1186 = arith.select %gt3A_1178, %add3A_1182, %add3A_1185 : vector<16xi1>, vector<16xi32>
        %gt3A_1187 = arith.cmpf ogt, %select_n3A_1179, %select_n3A_1173 : vector<16xf32>
        %select_n3A_1188 = arith.select %gt3A_1187, %select_n3A_1179, %select_n3A_1173 : vector<16xi1>, vector<16xf32>
        %select_n3A_1189 = arith.select %gt3A_1187, %select_n3A_1186, %select_n3A_1177 : vector<16xi1>, vector<16xi32>
        %gt3A_1190 = arith.cmpf ogt, %select_n3A_1188, %while3A_1152 : vector<16xf32>
        %select_n3A_1191 = arith.select %gt3A_1190, %select_n3A_1188, %while3A_1152 : vector<16xi1>, vector<16xf32>
        %select_n3A_1192 = arith.select %gt3A_1190, %select_n3A_1189, %while3A_1153 : vector<16xi1>, vector<16xi32>
        scf.yield %select_n3A_1191, %select_n3A_1192 : vector<16xf32>, vector<16xi32>
      }
      %while3A_1129 = arith.constant 1 : i32
      %while3A_1130:2 = scf.for %while3A_1151 = %while3A_1126 to %while3A_1122 step %while3A_1129 iter_args(%while3A_1152 = %while3A_1128#0, %while3A_1153 = %while3A_1128#1) -> (vector<16xf32>, vector<16xi32>)  : i32 {
        %mul3A_1154 = arith.constant 64 : i32
        %mul3A_1155 = arith.muli %while3A_1151, %mul3A_1154 : i32
        %get3A_1156 = arith.index_cast %mul3A_1155 : i32 to index
        %get3A_1157 = tpu.vector_load %arg9[%get3A_1156] {strides = array<i32>} : memref<20480xf32, #tpu.memory_space<vmem>>, vector<16xf32>,
        %add3A_1158 = arith.constant 16 : i32
        %add3A_1159 = arith.addi %mul3A_1155, %add3A_1158 : i32
        %get3A_1160 = arith.index_cast %add3A_1159 : i32 to index
        %get3A_1161 = tpu.vector_load %arg9[%get3A_1160] {strides = array<i32>} : memref<20480xf32, #tpu.memory_space<vmem>>, vector<16xf32>,
        %add3A_1162 = arith.constant 32 : i32
        %add3A_1163 = arith.addi %mul3A_1155, %add3A_1162 : i32
        %get3A_1164 = arith.index_cast %add3A_1163 : i32 to index
        %get3A_1165 = tpu.vector_load %arg9[%get3A_1164] {strides = array<i32>} : memref<20480xf32, #tpu.memory_space<vmem>>, vector<16xf32>,
        %add3A_1166 = arith.constant 48 : i32
        %add3A_1167 = arith.addi %mul3A_1155, %add3A_1166 : i32
        %get3A_1168 = arith.index_cast %add3A_1167 : i32 to index
        %get3A_1169 = tpu.vector_load %arg9[%get3A_1168] {strides = array<i32>} : memref<20480xf32, #tpu.memory_space<vmem>>, vector<16xf32>,
        %add3A_1170 = vector.broadcast %mul3A_1155 : i32 to vector<16xi32>
        %add3A_1171 = arith.addi %iota3A, %add3A_1170 : vector<16xi32>
        %gt3A_1172 = arith.cmpf ogt, %get3A_1161, %get3A_1157 : vector<16xf32>
        %select_n3A_1173 = arith.select %gt3A_1172, %get3A_1161, %get3A_1157 : vector<16xi1>, vector<16xf32>
        %add3A_1174 = arith.constant 16 : i32
        %add3A_1175 = vector.broadcast %add3A_1174 : i32 to vector<16xi32>
        %add3A_1176 = arith.addi %add3A_1171, %add3A_1175 : vector<16xi32>
        %select_n3A_1177 = arith.select %gt3A_1172, %add3A_1176, %add3A_1171 : vector<16xi1>, vector<16xi32>
        %gt3A_1178 = arith.cmpf ogt, %get3A_1169, %get3A_1165 : vector<16xf32>
        %select_n3A_1179 = arith.select %gt3A_1178, %get3A_1169, %get3A_1165 : vector<16xi1>, vector<16xf32>
        %add3A_1180 = arith.constant 48 : i32
        %add3A_1181 = vector.broadcast %add3A_1180 : i32 to vector<16xi32>
        %add3A_1182 = arith.addi %add3A_1171, %add3A_1181 : vector<16xi32>
        %add3A_1183 = arith.constant 32 : i32
        %add3A_1184 = vector.broadcast %add3A_1183 : i32 to vector<16xi32>
        %add3A_1185 = arith.addi %add3A_1171, %add3A_1184 : vector<16xi32>
        %select_n3A_1186 = arith.select %gt3A_1178, %add3A_1182, %add3A_1185 : vector<16xi1>, vector<16xi32>
        %gt3A_1187 = arith.cmpf ogt, %select_n3A_1179, %select_n3A_1173 : vector<16xf32>
        %select_n3A_1188 = arith.select %gt3A_1187, %select_n3A_1179, %select_n3A_1173 : vector<16xi1>, vector<16xf32>
        %select_n3A_1189 = arith.select %gt3A_1187, %select_n3A_1186, %select_n3A_1177 : vector<16xi1>, vector<16xi32>
        %gt3A_1190 = arith.cmpf ogt, %select_n3A_1188, %while3A_1152 : vector<16xf32>
        %select_n3A_1191 = arith.select %gt3A_1190, %select_n3A_1188, %while3A_1152 : vector<16xi1>, vector<16xf32>
        %select_n3A_1192 = arith.select %gt3A_1190, %select_n3A_1189, %while3A_1153 : vector<16xi1>, vector<16xi32>
        scf.yield %select_n3A_1191, %select_n3A_1192 : vector<16xf32>, vector<16xi32>
      }
      %reduce_max3A_1131 = arith.constant true
      %reduce_max3A_1132 = vector.broadcast %reduce_max3A_1131 : i1 to vector<16xi1>
      %reduce_max3A_1133 = tpu.scan <max>, %while3A_1130#0 masked %reduce_max3A_1132 : vector<16xf32>, vector<16xi1> -> vector<16xf32>
      %reduce_max3A_1134 = vector.extract %reduce_max3A_1133[15] : f32 from vector<16xf32>
      %eq3A_1135 = vector.broadcast %reduce_max3A_1134 : f32 to vector<16xf32>
      %eq3A_1136 = arith.cmpf oeq, %while3A_1130#0, %eq3A_1135 : vector<16xf32>
      %broadcast_in_dim3A_1137 = vector.broadcast %while3A_446 : i32 to vector<16xi32>
      %select_n3A_1138 = arith.select %eq3A_1136, %while3A_1130#1, %broadcast_in_dim3A_1137 : vector<16xi1>, vector<16xi32>
      %reduce_min3A = arith.constant true
      %reduce_min3A_1139 = vector.broadcast %reduce_min3A : i1 to vector<16xi1>
      %reduce_min3A_1140 = arith.constant -2147483648 : i32
      %reduce_min3A_1141 = vector.broadcast %reduce_min3A_1140 : i32 to vector<16xi32>
      %reduce_min3A_1142 = arith.xori %select_n3A_1138, %reduce_min3A_1141 : vector<16xi32>
      %reduce_min3A_1143 = tpu.scan <min>, %reduce_min3A_1142 masked %reduce_min3A_1139 : vector<16xi32>, vector<16xi1> -> vector<16xi32>
      %reduce_min3A_1144 = arith.xori %reduce_min3A_1143, %reduce_min3A_1141 : vector<16xi32>
      %reduce_min3A_1145 = vector.extract %reduce_min3A_1144[15] : i32 from vector<16xi32>
      %broadcast_in_dim3A_1146 = vector.broadcast %while3A_1115 : i32 to vector<16xi32>
      %broadcast_in_dim3A_1147 = vector.broadcast %reduce_max3A_1134 : f32 to vector<16xf32>
      tpu.vector_store_idx %arg12[%broadcast_in_dim3A_1146], %broadcast_in_dim3A_1147 masked %eq3A_18 : memref<208xf32, #tpu.memory_space<vmem>>[vector<16xi32>], vector<16xf32>, vector<16xi1>
      %broadcast_in_dim3A_1148 = vector.broadcast %reduce_min3A_1145 : i32 to vector<16xi32>
      tpu.vector_store_idx %arg13[%broadcast_in_dim3A_1146], %broadcast_in_dim3A_1148 masked %eq3A_18 : memref<208xi32, #tpu.memory_space<vmem>>[vector<16xi32>], vector<16xi32>, vector<16xi1>
      %broadcast_in_dim3A_1149 = vector.broadcast %reduce_min3A_1145 : i32 to vector<16xi32>
      tpu.vector_store_idx %arg9[%broadcast_in_dim3A_1149], %broadcast_in_dim3A_21 masked %eq3A_18 : memref<20480xf32, #tpu.memory_space<vmem>>[vector<16xi32>], vector<16xf32>, vector<16xi1>
      %while3A_1150 = arith.constant 0 : i32
      scf.yield %while3A_1150 : i32
    }
    %get3A_459 = arith.constant 0 : index
    %get3A_460 = tpu.vector_load %arg13[%get3A_459] {strides = array<i32>} : memref<208xi32, #tpu.memory_space<vmem>>, vector<16xi32>,
    %gather3A = tpu.vector_load_idx %arg10[%get3A_460] : memref<20480xi32, #tpu.memory_space<vmem>>[vector<16xi32>], vector<16xi32>,
    %gather3A_461 = tpu.vector_load_idx %arg7[%gather3A] : memref<20000xf32, #tpu.memory_space<vmem>>[vector<16xi32>], vector<16xf32>,
    %gather3A_462 = tpu.vector_load_idx %arg8[%gather3A] : memref<20000xf32, #tpu.memory_space<vmem>>[vector<16xi32>], vector<16xf32>,
    %swap3A_463 = arith.constant 0 : index
    %swap3A_464 = tpu.vector_load %arg14[%swap3A_463] {strides = array<i32>} : memref<208xf32, #tpu.memory_space<vmem>>, vector<16xf32>,
    tpu.vector_store %arg14[%swap3A_463], %gather3A_461 {strides = array<i32>} : memref<208xf32, #tpu.memory_space<vmem>>, vector<16xf32>,
    %swap3A_465 = arith.constant 0 : index
    %swap3A_466 = tpu.vector_load %arg15[%swap3A_465] {strides = array<i32>} : memref<208xf32, #tpu.memory_space<vmem>>, vector<16xf32>,
    tpu.vector_store %arg15[%swap3A_465], %gather3A_462 {strides = array<i32>} : memref<208xf32, #tpu.memory_space<vmem>>, vector<16xf32>,
    %sub3A_467 = arith.subf %gather3A_462, %gather3A_461 : vector<16xf32>
    %swap3A_468 = arith.constant 0 : index
    %swap3A_469 = tpu.vector_load %arg16[%swap3A_468] {strides = array<i32>} : memref<208xf32, #tpu.memory_space<vmem>>, vector<16xf32>,
    tpu.vector_store %arg16[%swap3A_468], %sub3A_467 {strides = array<i32>} : memref<208xf32, #tpu.memory_space<vmem>>, vector<16xf32>,
    %get3A_470 = arith.constant 0 : index
    %get3A_471 = tpu.vector_load %arg12[%get3A_470] {strides = array<i32>} : memref<208xf32, #tpu.memory_space<vmem>>, vector<16xf32>,
    %gt3A_472 = arith.constant 0.699999988 : f32
    %gt3A_473 = vector.broadcast %gt3A_472 : f32 to vector<16xf32>
    %gt3A_474 = arith.cmpf ogt, %get3A_471, %gt3A_473 : vector<16xf32>
    %jit3A_475 = arith.constant 0.000000e+00 : f32
    %jit3A_476 = arith.constant 1.000000e+00 : f32
    %broadcast_in_dim3A_477 = vector.broadcast %jit3A_475 : f32 to vector<16xf32>
    %broadcast_in_dim3A_478 = vector.broadcast %jit3A_476 : f32 to vector<16xf32>
    %select_n3A_479 = arith.select %gt3A_474, %broadcast_in_dim3A_477, %broadcast_in_dim3A_478 : vector<16xi1>, vector<16xf32>
    %swap3A_480 = arith.constant 0 : index
    %swap3A_481 = tpu.vector_load %arg17[%swap3A_480] {strides = array<i32>} : memref<208xf32, #tpu.memory_space<vmem>>, vector<16xf32>,
    tpu.vector_store %arg17[%swap3A_480], %select_n3A_479 {strides = array<i32>} : memref<208xf32, #tpu.memory_space<vmem>>, vector<16xf32>,
    %get3A_482 = arith.constant 16 : index
    %get3A_483 = tpu.vector_load %arg13[%get3A_482] {strides = array<i32>} : memref<208xi32, #tpu.memory_space<vmem>>, vector<16xi32>,
    %gather3A_484 = tpu.vector_load_idx %arg10[%get3A_483] : memref<20480xi32, #tpu.memory_space<vmem>>[vector<16xi32>], vector<16xi32>,
    %gather3A_485 = tpu.vector_load_idx %arg7[%gather3A_484] : memref<20000xf32, #tpu.memory_space<vmem>>[vector<16xi32>], vector<16xf32>,
    %gather3A_486 = tpu.vector_load_idx %arg8[%gather3A_484] : memref<20000xf32, #tpu.memory_space<vmem>>[vector<16xi32>], vector<16xf32>,
    %swap3A_487 = arith.constant 16 : index
    %swap3A_488 = tpu.vector_load %arg14[%swap3A_487] {strides = array<i32>} : memref<208xf32, #tpu.memory_space<vmem>>, vector<16xf32>,
    tpu.vector_store %arg14[%swap3A_487], %gather3A_485 {strides = array<i32>} : memref<208xf32, #tpu.memory_space<vmem>>, vector<16xf32>,
    %swap3A_489 = arith.constant 16 : index
    %swap3A_490 = tpu.vector_load %arg15[%swap3A_489] {strides = array<i32>} : memref<208xf32, #tpu.memory_space<vmem>>, vector<16xf32>,
    tpu.vector_store %arg15[%swap3A_489], %gather3A_486 {strides = array<i32>} : memref<208xf32, #tpu.memory_space<vmem>>, vector<16xf32>,
    %sub3A_491 = arith.subf %gather3A_486, %gather3A_485 : vector<16xf32>
    %swap3A_492 = arith.constant 16 : index
    %swap3A_493 = tpu.vector_load %arg16[%swap3A_492] {strides = array<i32>} : memref<208xf32, #tpu.memory_space<vmem>>, vector<16xf32>,
    tpu.vector_store %arg16[%swap3A_492], %sub3A_491 {strides = array<i32>} : memref<208xf32, #tpu.memory_space<vmem>>, vector<16xf32>,
    %get3A_494 = arith.constant 16 : index
    %get3A_495 = tpu.vector_load %arg12[%get3A_494] {strides = array<i32>} : memref<208xf32, #tpu.memory_space<vmem>>, vector<16xf32>,
    %gt3A_496 = arith.constant 0.699999988 : f32
    %gt3A_497 = vector.broadcast %gt3A_496 : f32 to vector<16xf32>
    %gt3A_498 = arith.cmpf ogt, %get3A_495, %gt3A_497 : vector<16xf32>
    %jit3A_499 = arith.constant 0.000000e+00 : f32
    %jit3A_500 = arith.constant 1.000000e+00 : f32
    %broadcast_in_dim3A_501 = vector.broadcast %jit3A_499 : f32 to vector<16xf32>
    %broadcast_in_dim3A_502 = vector.broadcast %jit3A_500 : f32 to vector<16xf32>
    %select_n3A_503 = arith.select %gt3A_498, %broadcast_in_dim3A_501, %broadcast_in_dim3A_502 : vector<16xi1>, vector<16xf32>
    %swap3A_504 = arith.constant 16 : index
    %swap3A_505 = tpu.vector_load %arg17[%swap3A_504] {strides = array<i32>} : memref<208xf32, #tpu.memory_space<vmem>>, vector<16xf32>,
    tpu.vector_store %arg17[%swap3A_504], %select_n3A_503 {strides = array<i32>} : memref<208xf32, #tpu.memory_space<vmem>>, vector<16xf32>,
    %get3A_506 = arith.constant 32 : index
    %get3A_507 = tpu.vector_load %arg13[%get3A_506] {strides = array<i32>} : memref<208xi32, #tpu.memory_space<vmem>>, vector<16xi32>,
    %gather3A_508 = tpu.vector_load_idx %arg10[%get3A_507] : memref<20480xi32, #tpu.memory_space<vmem>>[vector<16xi32>], vector<16xi32>,
    %gather3A_509 = tpu.vector_load_idx %arg7[%gather3A_508] : memref<20000xf32, #tpu.memory_space<vmem>>[vector<16xi32>], vector<16xf32>,
    %gather3A_510 = tpu.vector_load_idx %arg8[%gather3A_508] : memref<20000xf32, #tpu.memory_space<vmem>>[vector<16xi32>], vector<16xf32>,
    %swap3A_511 = arith.constant 32 : index
    %swap3A_512 = tpu.vector_load %arg14[%swap3A_511] {strides = array<i32>} : memref<208xf32, #tpu.memory_space<vmem>>, vector<16xf32>,
    tpu.vector_store %arg14[%swap3A_511], %gather3A_509 {strides = array<i32>} : memref<208xf32, #tpu.memory_space<vmem>>, vector<16xf32>,
    %swap3A_513 = arith.constant 32 : index
    %swap3A_514 = tpu.vector_load %arg15[%swap3A_513] {strides = array<i32>} : memref<208xf32, #tpu.memory_space<vmem>>, vector<16xf32>,
    tpu.vector_store %arg15[%swap3A_513], %gather3A_510 {strides = array<i32>} : memref<208xf32, #tpu.memory_space<vmem>>, vector<16xf32>,
    %sub3A_515 = arith.subf %gather3A_510, %gather3A_509 : vector<16xf32>
    %swap3A_516 = arith.constant 32 : index
    %swap3A_517 = tpu.vector_load %arg16[%swap3A_516] {strides = array<i32>} : memref<208xf32, #tpu.memory_space<vmem>>, vector<16xf32>,
    tpu.vector_store %arg16[%swap3A_516], %sub3A_515 {strides = array<i32>} : memref<208xf32, #tpu.memory_space<vmem>>, vector<16xf32>,
    %get3A_518 = arith.constant 32 : index
    %get3A_519 = tpu.vector_load %arg12[%get3A_518] {strides = array<i32>} : memref<208xf32, #tpu.memory_space<vmem>>, vector<16xf32>,
    %gt3A_520 = arith.constant 0.699999988 : f32
    %gt3A_521 = vector.broadcast %gt3A_520 : f32 to vector<16xf32>
    %gt3A_522 = arith.cmpf ogt, %get3A_519, %gt3A_521 : vector<16xf32>
    %jit3A_523 = arith.constant 0.000000e+00 : f32
    %jit3A_524 = arith.constant 1.000000e+00 : f32
    %broadcast_in_dim3A_525 = vector.broadcast %jit3A_523 : f32 to vector<16xf32>
    %broadcast_in_dim3A_526 = vector.broadcast %jit3A_524 : f32 to vector<16xf32>
    %select_n3A_527 = arith.select %gt3A_522, %broadcast_in_dim3A_525, %broadcast_in_dim3A_526 : vector<16xi1>, vector<16xf32>
    %swap3A_528 = arith.constant 32 : index
    %swap3A_529 = tpu.vector_load %arg17[%swap3A_528] {strides = array<i32>} : memref<208xf32, #tpu.memory_space<vmem>>, vector<16xf32>,
    tpu.vector_store %arg17[%swap3A_528], %select_n3A_527 {strides = array<i32>} : memref<208xf32, #tpu.memory_space<vmem>>, vector<16xf32>,
    %get3A_530 = arith.constant 48 : index
    %get3A_531 = tpu.vector_load %arg13[%get3A_530] {strides = array<i32>} : memref<208xi32, #tpu.memory_space<vmem>>, vector<16xi32>,
    %gather3A_532 = tpu.vector_load_idx %arg10[%get3A_531] : memref<20480xi32, #tpu.memory_space<vmem>>[vector<16xi32>], vector<16xi32>,
    %gather3A_533 = tpu.vector_load_idx %arg7[%gather3A_532] : memref<20000xf32, #tpu.memory_space<vmem>>[vector<16xi32>], vector<16xf32>,
    %gather3A_534 = tpu.vector_load_idx %arg8[%gather3A_532] : memref<20000xf32, #tpu.memory_space<vmem>>[vector<16xi32>], vector<16xf32>,
    %swap3A_535 = arith.constant 48 : index
    %swap3A_536 = tpu.vector_load %arg14[%swap3A_535] {strides = array<i32>} : memref<208xf32, #tpu.memory_space<vmem>>, vector<16xf32>,
    tpu.vector_store %arg14[%swap3A_535], %gather3A_533 {strides = array<i32>} : memref<208xf32, #tpu.memory_space<vmem>>, vector<16xf32>,
    %swap3A_537 = arith.constant 48 : index
    %swap3A_538 = tpu.vector_load %arg15[%swap3A_537] {strides = array<i32>} : memref<208xf32, #tpu.memory_space<vmem>>, vector<16xf32>,
    tpu.vector_store %arg15[%swap3A_537], %gather3A_534 {strides = array<i32>} : memref<208xf32, #tpu.memory_space<vmem>>, vector<16xf32>,
    %sub3A_539 = arith.subf %gather3A_534, %gather3A_533 : vector<16xf32>
    %swap3A_540 = arith.constant 48 : index
    %swap3A_541 = tpu.vector_load %arg16[%swap3A_540] {strides = array<i32>} : memref<208xf32, #tpu.memory_space<vmem>>, vector<16xf32>,
    tpu.vector_store %arg16[%swap3A_540], %sub3A_539 {strides = array<i32>} : memref<208xf32, #tpu.memory_space<vmem>>, vector<16xf32>,
    %get3A_542 = arith.constant 48 : index
    %get3A_543 = tpu.vector_load %arg12[%get3A_542] {strides = array<i32>} : memref<208xf32, #tpu.memory_space<vmem>>, vector<16xf32>,
    %gt3A_544 = arith.constant 0.699999988 : f32
    %gt3A_545 = vector.broadcast %gt3A_544 : f32 to vector<16xf32>
    %gt3A_546 = arith.cmpf ogt, %get3A_543, %gt3A_545 : vector<16xf32>
    %jit3A_547 = arith.constant 0.000000e+00 : f32
    %jit3A_548 = arith.constant 1.000000e+00 : f32
    %broadcast_in_dim3A_549 = vector.broadcast %jit3A_547 : f32 to vector<16xf32>
    %broadcast_in_dim3A_550 = vector.broadcast %jit3A_548 : f32 to vector<16xf32>
    %select_n3A_551 = arith.select %gt3A_546, %broadcast_in_dim3A_549, %broadcast_in_dim3A_550 : vector<16xi1>, vector<16xf32>
    %swap3A_552 = arith.constant 48 : index
    %swap3A_553 = tpu.vector_load %arg17[%swap3A_552] {strides = array<i32>} : memref<208xf32, #tpu.memory_space<vmem>>, vector<16xf32>,
    tpu.vector_store %arg17[%swap3A_552], %select_n3A_551 {strides = array<i32>} : memref<208xf32, #tpu.memory_space<vmem>>, vector<16xf32>,
    %get3A_554 = arith.constant 64 : index
    %get3A_555 = tpu.vector_load %arg13[%get3A_554] {strides = array<i32>} : memref<208xi32, #tpu.memory_space<vmem>>, vector<16xi32>,
    %gather3A_556 = tpu.vector_load_idx %arg10[%get3A_555] : memref<20480xi32, #tpu.memory_space<vmem>>[vector<16xi32>], vector<16xi32>,
    %gather3A_557 = tpu.vector_load_idx %arg7[%gather3A_556] : memref<20000xf32, #tpu.memory_space<vmem>>[vector<16xi32>], vector<16xf32>,
    %gather3A_558 = tpu.vector_load_idx %arg8[%gather3A_556] : memref<20000xf32, #tpu.memory_space<vmem>>[vector<16xi32>], vector<16xf32>,
    %swap3A_559 = arith.constant 64 : index
    %swap3A_560 = tpu.vector_load %arg14[%swap3A_559] {strides = array<i32>} : memref<208xf32, #tpu.memory_space<vmem>>, vector<16xf32>,
    tpu.vector_store %arg14[%swap3A_559], %gather3A_557 {strides = array<i32>} : memref<208xf32, #tpu.memory_space<vmem>>, vector<16xf32>,
    %swap3A_561 = arith.constant 64 : index
    %swap3A_562 = tpu.vector_load %arg15[%swap3A_561] {strides = array<i32>} : memref<208xf32, #tpu.memory_space<vmem>>, vector<16xf32>,
    tpu.vector_store %arg15[%swap3A_561], %gather3A_558 {strides = array<i32>} : memref<208xf32, #tpu.memory_space<vmem>>, vector<16xf32>,
    %sub3A_563 = arith.subf %gather3A_558, %gather3A_557 : vector<16xf32>
    %swap3A_564 = arith.constant 64 : index
    %swap3A_565 = tpu.vector_load %arg16[%swap3A_564] {strides = array<i32>} : memref<208xf32, #tpu.memory_space<vmem>>, vector<16xf32>,
    tpu.vector_store %arg16[%swap3A_564], %sub3A_563 {strides = array<i32>} : memref<208xf32, #tpu.memory_space<vmem>>, vector<16xf32>,
    %get3A_566 = arith.constant 64 : index
    %get3A_567 = tpu.vector_load %arg12[%get3A_566] {strides = array<i32>} : memref<208xf32, #tpu.memory_space<vmem>>, vector<16xf32>,
    %gt3A_568 = arith.constant 0.699999988 : f32
    %gt3A_569 = vector.broadcast %gt3A_568 : f32 to vector<16xf32>
    %gt3A_570 = arith.cmpf ogt, %get3A_567, %gt3A_569 : vector<16xf32>
    %jit3A_571 = arith.constant 0.000000e+00 : f32
    %jit3A_572 = arith.constant 1.000000e+00 : f32
    %broadcast_in_dim3A_573 = vector.broadcast %jit3A_571 : f32 to vector<16xf32>
    %broadcast_in_dim3A_574 = vector.broadcast %jit3A_572 : f32 to vector<16xf32>
    %select_n3A_575 = arith.select %gt3A_570, %broadcast_in_dim3A_573, %broadcast_in_dim3A_574 : vector<16xi1>, vector<16xf32>
    %swap3A_576 = arith.constant 64 : index
    %swap3A_577 = tpu.vector_load %arg17[%swap3A_576] {strides = array<i32>} : memref<208xf32, #tpu.memory_space<vmem>>, vector<16xf32>,
    tpu.vector_store %arg17[%swap3A_576], %select_n3A_575 {strides = array<i32>} : memref<208xf32, #tpu.memory_space<vmem>>, vector<16xf32>,
    %get3A_578 = arith.constant 80 : index
    %get3A_579 = tpu.vector_load %arg13[%get3A_578] {strides = array<i32>} : memref<208xi32, #tpu.memory_space<vmem>>, vector<16xi32>,
    %gather3A_580 = tpu.vector_load_idx %arg10[%get3A_579] : memref<20480xi32, #tpu.memory_space<vmem>>[vector<16xi32>], vector<16xi32>,
    %gather3A_581 = tpu.vector_load_idx %arg7[%gather3A_580] : memref<20000xf32, #tpu.memory_space<vmem>>[vector<16xi32>], vector<16xf32>,
    %gather3A_582 = tpu.vector_load_idx %arg8[%gather3A_580] : memref<20000xf32, #tpu.memory_space<vmem>>[vector<16xi32>], vector<16xf32>,
    %swap3A_583 = arith.constant 80 : index
    %swap3A_584 = tpu.vector_load %arg14[%swap3A_583] {strides = array<i32>} : memref<208xf32, #tpu.memory_space<vmem>>, vector<16xf32>,
    tpu.vector_store %arg14[%swap3A_583], %gather3A_581 {strides = array<i32>} : memref<208xf32, #tpu.memory_space<vmem>>, vector<16xf32>,
    %swap3A_585 = arith.constant 80 : index
    %swap3A_586 = tpu.vector_load %arg15[%swap3A_585] {strides = array<i32>} : memref<208xf32, #tpu.memory_space<vmem>>, vector<16xf32>,
    tpu.vector_store %arg15[%swap3A_585], %gather3A_582 {strides = array<i32>} : memref<208xf32, #tpu.memory_space<vmem>>, vector<16xf32>,
    %sub3A_587 = arith.subf %gather3A_582, %gather3A_581 : vector<16xf32>
    %swap3A_588 = arith.constant 80 : index
    %swap3A_589 = tpu.vector_load %arg16[%swap3A_588] {strides = array<i32>} : memref<208xf32, #tpu.memory_space<vmem>>, vector<16xf32>,
    tpu.vector_store %arg16[%swap3A_588], %sub3A_587 {strides = array<i32>} : memref<208xf32, #tpu.memory_space<vmem>>, vector<16xf32>,
    %get3A_590 = arith.constant 80 : index
    %get3A_591 = tpu.vector_load %arg12[%get3A_590] {strides = array<i32>} : memref<208xf32, #tpu.memory_space<vmem>>, vector<16xf32>,
    %gt3A_592 = arith.constant 0.699999988 : f32
    %gt3A_593 = vector.broadcast %gt3A_592 : f32 to vector<16xf32>
    %gt3A_594 = arith.cmpf ogt, %get3A_591, %gt3A_593 : vector<16xf32>
    %jit3A_595 = arith.constant 0.000000e+00 : f32
    %jit3A_596 = arith.constant 1.000000e+00 : f32
    %broadcast_in_dim3A_597 = vector.broadcast %jit3A_595 : f32 to vector<16xf32>
    %broadcast_in_dim3A_598 = vector.broadcast %jit3A_596 : f32 to vector<16xf32>
    %select_n3A_599 = arith.select %gt3A_594, %broadcast_in_dim3A_597, %broadcast_in_dim3A_598 : vector<16xi1>, vector<16xf32>
    %swap3A_600 = arith.constant 80 : index
    %swap3A_601 = tpu.vector_load %arg17[%swap3A_600] {strides = array<i32>} : memref<208xf32, #tpu.memory_space<vmem>>, vector<16xf32>,
    tpu.vector_store %arg17[%swap3A_600], %select_n3A_599 {strides = array<i32>} : memref<208xf32, #tpu.memory_space<vmem>>, vector<16xf32>,
    %get3A_602 = arith.constant 96 : index
    %get3A_603 = tpu.vector_load %arg13[%get3A_602] {strides = array<i32>} : memref<208xi32, #tpu.memory_space<vmem>>, vector<16xi32>,
    %gather3A_604 = tpu.vector_load_idx %arg10[%get3A_603] : memref<20480xi32, #tpu.memory_space<vmem>>[vector<16xi32>], vector<16xi32>,
    %gather3A_605 = tpu.vector_load_idx %arg7[%gather3A_604] : memref<20000xf32, #tpu.memory_space<vmem>>[vector<16xi32>], vector<16xf32>,
    %gather3A_606 = tpu.vector_load_idx %arg8[%gather3A_604] : memref<20000xf32, #tpu.memory_space<vmem>>[vector<16xi32>], vector<16xf32>,
    %swap3A_607 = arith.constant 96 : index
    %swap3A_608 = tpu.vector_load %arg14[%swap3A_607] {strides = array<i32>} : memref<208xf32, #tpu.memory_space<vmem>>, vector<16xf32>,
    tpu.vector_store %arg14[%swap3A_607], %gather3A_605 {strides = array<i32>} : memref<208xf32, #tpu.memory_space<vmem>>, vector<16xf32>,
    %swap3A_609 = arith.constant 96 : index
    %swap3A_610 = tpu.vector_load %arg15[%swap3A_609] {strides = array<i32>} : memref<208xf32, #tpu.memory_space<vmem>>, vector<16xf32>,
    tpu.vector_store %arg15[%swap3A_609], %gather3A_606 {strides = array<i32>} : memref<208xf32, #tpu.memory_space<vmem>>, vector<16xf32>,
    %sub3A_611 = arith.subf %gather3A_606, %gather3A_605 : vector<16xf32>
    %swap3A_612 = arith.constant 96 : index
    %swap3A_613 = tpu.vector_load %arg16[%swap3A_612] {strides = array<i32>} : memref<208xf32, #tpu.memory_space<vmem>>, vector<16xf32>,
    tpu.vector_store %arg16[%swap3A_612], %sub3A_611 {strides = array<i32>} : memref<208xf32, #tpu.memory_space<vmem>>, vector<16xf32>,
    %get3A_614 = arith.constant 96 : index
    %get3A_615 = tpu.vector_load %arg12[%get3A_614] {strides = array<i32>} : memref<208xf32, #tpu.memory_space<vmem>>, vector<16xf32>,
    %gt3A_616 = arith.constant 0.699999988 : f32
    %gt3A_617 = vector.broadcast %gt3A_616 : f32 to vector<16xf32>
    %gt3A_618 = arith.cmpf ogt, %get3A_615, %gt3A_617 : vector<16xf32>
    %jit3A_619 = arith.constant 0.000000e+00 : f32
    %jit3A_620 = arith.constant 1.000000e+00 : f32
    %broadcast_in_dim3A_621 = vector.broadcast %jit3A_619 : f32 to vector<16xf32>
    %broadcast_in_dim3A_622 = vector.broadcast %jit3A_620 : f32 to vector<16xf32>
    %select_n3A_623 = arith.select %gt3A_618, %broadcast_in_dim3A_621, %broadcast_in_dim3A_622 : vector<16xi1>, vector<16xf32>
    %swap3A_624 = arith.constant 96 : index
    %swap3A_625 = tpu.vector_load %arg17[%swap3A_624] {strides = array<i32>} : memref<208xf32, #tpu.memory_space<vmem>>, vector<16xf32>,
    tpu.vector_store %arg17[%swap3A_624], %select_n3A_623 {strides = array<i32>} : memref<208xf32, #tpu.memory_space<vmem>>, vector<16xf32>,
    %get3A_626 = arith.constant 112 : index
    %get3A_627 = tpu.vector_load %arg13[%get3A_626] {strides = array<i32>} : memref<208xi32, #tpu.memory_space<vmem>>, vector<16xi32>,
    %gather3A_628 = tpu.vector_load_idx %arg10[%get3A_627] : memref<20480xi32, #tpu.memory_space<vmem>>[vector<16xi32>], vector<16xi32>,
    %gather3A_629 = tpu.vector_load_idx %arg7[%gather3A_628] : memref<20000xf32, #tpu.memory_space<vmem>>[vector<16xi32>], vector<16xf32>,
    %gather3A_630 = tpu.vector_load_idx %arg8[%gather3A_628] : memref<20000xf32, #tpu.memory_space<vmem>>[vector<16xi32>], vector<16xf32>,
    %swap3A_631 = arith.constant 112 : index
    %swap3A_632 = tpu.vector_load %arg14[%swap3A_631] {strides = array<i32>} : memref<208xf32, #tpu.memory_space<vmem>>, vector<16xf32>,
    tpu.vector_store %arg14[%swap3A_631], %gather3A_629 {strides = array<i32>} : memref<208xf32, #tpu.memory_space<vmem>>, vector<16xf32>,
    %swap3A_633 = arith.constant 112 : index
    %swap3A_634 = tpu.vector_load %arg15[%swap3A_633] {strides = array<i32>} : memref<208xf32, #tpu.memory_space<vmem>>, vector<16xf32>,
    tpu.vector_store %arg15[%swap3A_633], %gather3A_630 {strides = array<i32>} : memref<208xf32, #tpu.memory_space<vmem>>, vector<16xf32>,
    %sub3A_635 = arith.subf %gather3A_630, %gather3A_629 : vector<16xf32>
    %swap3A_636 = arith.constant 112 : index
    %swap3A_637 = tpu.vector_load %arg16[%swap3A_636] {strides = array<i32>} : memref<208xf32, #tpu.memory_space<vmem>>, vector<16xf32>,
    tpu.vector_store %arg16[%swap3A_636], %sub3A_635 {strides = array<i32>} : memref<208xf32, #tpu.memory_space<vmem>>, vector<16xf32>,
    %get3A_638 = arith.constant 112 : index
    %get3A_639 = tpu.vector_load %arg12[%get3A_638] {strides = array<i32>} : memref<208xf32, #tpu.memory_space<vmem>>, vector<16xf32>,
    %gt3A_640 = arith.constant 0.699999988 : f32
    %gt3A_641 = vector.broadcast %gt3A_640 : f32 to vector<16xf32>
    %gt3A_642 = arith.cmpf ogt, %get3A_639, %gt3A_641 : vector<16xf32>
    %jit3A_643 = arith.constant 0.000000e+00 : f32
    %jit3A_644 = arith.constant 1.000000e+00 : f32
    %broadcast_in_dim3A_645 = vector.broadcast %jit3A_643 : f32 to vector<16xf32>
    %broadcast_in_dim3A_646 = vector.broadcast %jit3A_644 : f32 to vector<16xf32>
    %select_n3A_647 = arith.select %gt3A_642, %broadcast_in_dim3A_645, %broadcast_in_dim3A_646 : vector<16xi1>, vector<16xf32>
    %swap3A_648 = arith.constant 112 : index
    %swap3A_649 = tpu.vector_load %arg17[%swap3A_648] {strides = array<i32>} : memref<208xf32, #tpu.memory_space<vmem>>, vector<16xf32>,
    tpu.vector_store %arg17[%swap3A_648], %select_n3A_647 {strides = array<i32>} : memref<208xf32, #tpu.memory_space<vmem>>, vector<16xf32>,
    %get3A_650 = arith.constant 128 : index
    %get3A_651 = tpu.vector_load %arg13[%get3A_650] {strides = array<i32>} : memref<208xi32, #tpu.memory_space<vmem>>, vector<16xi32>,
    %gather3A_652 = tpu.vector_load_idx %arg10[%get3A_651] : memref<20480xi32, #tpu.memory_space<vmem>>[vector<16xi32>], vector<16xi32>,
    %gather3A_653 = tpu.vector_load_idx %arg7[%gather3A_652] : memref<20000xf32, #tpu.memory_space<vmem>>[vector<16xi32>], vector<16xf32>,
    %gather3A_654 = tpu.vector_load_idx %arg8[%gather3A_652] : memref<20000xf32, #tpu.memory_space<vmem>>[vector<16xi32>], vector<16xf32>,
    %swap3A_655 = arith.constant 128 : index
    %swap3A_656 = tpu.vector_load %arg14[%swap3A_655] {strides = array<i32>} : memref<208xf32, #tpu.memory_space<vmem>>, vector<16xf32>,
    tpu.vector_store %arg14[%swap3A_655], %gather3A_653 {strides = array<i32>} : memref<208xf32, #tpu.memory_space<vmem>>, vector<16xf32>,
    %swap3A_657 = arith.constant 128 : index
    %swap3A_658 = tpu.vector_load %arg15[%swap3A_657] {strides = array<i32>} : memref<208xf32, #tpu.memory_space<vmem>>, vector<16xf32>,
    tpu.vector_store %arg15[%swap3A_657], %gather3A_654 {strides = array<i32>} : memref<208xf32, #tpu.memory_space<vmem>>, vector<16xf32>,
    %sub3A_659 = arith.subf %gather3A_654, %gather3A_653 : vector<16xf32>
    %swap3A_660 = arith.constant 128 : index
    %swap3A_661 = tpu.vector_load %arg16[%swap3A_660] {strides = array<i32>} : memref<208xf32, #tpu.memory_space<vmem>>, vector<16xf32>,
    tpu.vector_store %arg16[%swap3A_660], %sub3A_659 {strides = array<i32>} : memref<208xf32, #tpu.memory_space<vmem>>, vector<16xf32>,
    %get3A_662 = arith.constant 128 : index
    %get3A_663 = tpu.vector_load %arg12[%get3A_662] {strides = array<i32>} : memref<208xf32, #tpu.memory_space<vmem>>, vector<16xf32>,
    %gt3A_664 = arith.constant 0.699999988 : f32
    %gt3A_665 = vector.broadcast %gt3A_664 : f32 to vector<16xf32>
    %gt3A_666 = arith.cmpf ogt, %get3A_663, %gt3A_665 : vector<16xf32>
    %jit3A_667 = arith.constant 0.000000e+00 : f32
    %jit3A_668 = arith.constant 1.000000e+00 : f32
    %broadcast_in_dim3A_669 = vector.broadcast %jit3A_667 : f32 to vector<16xf32>
    %broadcast_in_dim3A_670 = vector.broadcast %jit3A_668 : f32 to vector<16xf32>
    %select_n3A_671 = arith.select %gt3A_666, %broadcast_in_dim3A_669, %broadcast_in_dim3A_670 : vector<16xi1>, vector<16xf32>
    %swap3A_672 = arith.constant 128 : index
    %swap3A_673 = tpu.vector_load %arg17[%swap3A_672] {strides = array<i32>} : memref<208xf32, #tpu.memory_space<vmem>>, vector<16xf32>,
    tpu.vector_store %arg17[%swap3A_672], %select_n3A_671 {strides = array<i32>} : memref<208xf32, #tpu.memory_space<vmem>>, vector<16xf32>,
    %get3A_674 = arith.constant 144 : index
    %get3A_675 = tpu.vector_load %arg13[%get3A_674] {strides = array<i32>} : memref<208xi32, #tpu.memory_space<vmem>>, vector<16xi32>,
    %gather3A_676 = tpu.vector_load_idx %arg10[%get3A_675] : memref<20480xi32, #tpu.memory_space<vmem>>[vector<16xi32>], vector<16xi32>,
    %gather3A_677 = tpu.vector_load_idx %arg7[%gather3A_676] : memref<20000xf32, #tpu.memory_space<vmem>>[vector<16xi32>], vector<16xf32>,
    %gather3A_678 = tpu.vector_load_idx %arg8[%gather3A_676] : memref<20000xf32, #tpu.memory_space<vmem>>[vector<16xi32>], vector<16xf32>,
    %swap3A_679 = arith.constant 144 : index
    %swap3A_680 = tpu.vector_load %arg14[%swap3A_679] {strides = array<i32>} : memref<208xf32, #tpu.memory_space<vmem>>, vector<16xf32>,
    tpu.vector_store %arg14[%swap3A_679], %gather3A_677 {strides = array<i32>} : memref<208xf32, #tpu.memory_space<vmem>>, vector<16xf32>,
    %swap3A_681 = arith.constant 144 : index
    %swap3A_682 = tpu.vector_load %arg15[%swap3A_681] {strides = array<i32>} : memref<208xf32, #tpu.memory_space<vmem>>, vector<16xf32>,
    tpu.vector_store %arg15[%swap3A_681], %gather3A_678 {strides = array<i32>} : memref<208xf32, #tpu.memory_space<vmem>>, vector<16xf32>,
    %sub3A_683 = arith.subf %gather3A_678, %gather3A_677 : vector<16xf32>
    %swap3A_684 = arith.constant 144 : index
    %swap3A_685 = tpu.vector_load %arg16[%swap3A_684] {strides = array<i32>} : memref<208xf32, #tpu.memory_space<vmem>>, vector<16xf32>,
    tpu.vector_store %arg16[%swap3A_684], %sub3A_683 {strides = array<i32>} : memref<208xf32, #tpu.memory_space<vmem>>, vector<16xf32>,
    %get3A_686 = arith.constant 144 : index
    %get3A_687 = tpu.vector_load %arg12[%get3A_686] {strides = array<i32>} : memref<208xf32, #tpu.memory_space<vmem>>, vector<16xf32>,
    %gt3A_688 = arith.constant 0.699999988 : f32
    %gt3A_689 = vector.broadcast %gt3A_688 : f32 to vector<16xf32>
    %gt3A_690 = arith.cmpf ogt, %get3A_687, %gt3A_689 : vector<16xf32>
    %jit3A_691 = arith.constant 0.000000e+00 : f32
    %jit3A_692 = arith.constant 1.000000e+00 : f32
    %broadcast_in_dim3A_693 = vector.broadcast %jit3A_691 : f32 to vector<16xf32>
    %broadcast_in_dim3A_694 = vector.broadcast %jit3A_692 : f32 to vector<16xf32>
    %select_n3A_695 = arith.select %gt3A_690, %broadcast_in_dim3A_693, %broadcast_in_dim3A_694 : vector<16xi1>, vector<16xf32>
    %swap3A_696 = arith.constant 144 : index
    %swap3A_697 = tpu.vector_load %arg17[%swap3A_696] {strides = array<i32>} : memref<208xf32, #tpu.memory_space<vmem>>, vector<16xf32>,
    tpu.vector_store %arg17[%swap3A_696], %select_n3A_695 {strides = array<i32>} : memref<208xf32, #tpu.memory_space<vmem>>, vector<16xf32>,
    %get3A_698 = arith.constant 160 : index
    %get3A_699 = tpu.vector_load %arg13[%get3A_698] {strides = array<i32>} : memref<208xi32, #tpu.memory_space<vmem>>, vector<16xi32>,
    %gather3A_700 = tpu.vector_load_idx %arg10[%get3A_699] : memref<20480xi32, #tpu.memory_space<vmem>>[vector<16xi32>], vector<16xi32>,
    %gather3A_701 = tpu.vector_load_idx %arg7[%gather3A_700] : memref<20000xf32, #tpu.memory_space<vmem>>[vector<16xi32>], vector<16xf32>,
    %gather3A_702 = tpu.vector_load_idx %arg8[%gather3A_700] : memref<20000xf32, #tpu.memory_space<vmem>>[vector<16xi32>], vector<16xf32>,
    %swap3A_703 = arith.constant 160 : index
    %swap3A_704 = tpu.vector_load %arg14[%swap3A_703] {strides = array<i32>} : memref<208xf32, #tpu.memory_space<vmem>>, vector<16xf32>,
    tpu.vector_store %arg14[%swap3A_703], %gather3A_701 {strides = array<i32>} : memref<208xf32, #tpu.memory_space<vmem>>, vector<16xf32>,
    %swap3A_705 = arith.constant 160 : index
    %swap3A_706 = tpu.vector_load %arg15[%swap3A_705] {strides = array<i32>} : memref<208xf32, #tpu.memory_space<vmem>>, vector<16xf32>,
    tpu.vector_store %arg15[%swap3A_705], %gather3A_702 {strides = array<i32>} : memref<208xf32, #tpu.memory_space<vmem>>, vector<16xf32>,
    %sub3A_707 = arith.subf %gather3A_702, %gather3A_701 : vector<16xf32>
    %swap3A_708 = arith.constant 160 : index
    %swap3A_709 = tpu.vector_load %arg16[%swap3A_708] {strides = array<i32>} : memref<208xf32, #tpu.memory_space<vmem>>, vector<16xf32>,
    tpu.vector_store %arg16[%swap3A_708], %sub3A_707 {strides = array<i32>} : memref<208xf32, #tpu.memory_space<vmem>>, vector<16xf32>,
    %get3A_710 = arith.constant 160 : index
    %get3A_711 = tpu.vector_load %arg12[%get3A_710] {strides = array<i32>} : memref<208xf32, #tpu.memory_space<vmem>>, vector<16xf32>,
    %gt3A_712 = arith.constant 0.699999988 : f32
    %gt3A_713 = vector.broadcast %gt3A_712 : f32 to vector<16xf32>
    %gt3A_714 = arith.cmpf ogt, %get3A_711, %gt3A_713 : vector<16xf32>
    %jit3A_715 = arith.constant 0.000000e+00 : f32
    %jit3A_716 = arith.constant 1.000000e+00 : f32
    %broadcast_in_dim3A_717 = vector.broadcast %jit3A_715 : f32 to vector<16xf32>
    %broadcast_in_dim3A_718 = vector.broadcast %jit3A_716 : f32 to vector<16xf32>
    %select_n3A_719 = arith.select %gt3A_714, %broadcast_in_dim3A_717, %broadcast_in_dim3A_718 : vector<16xi1>, vector<16xf32>
    %swap3A_720 = arith.constant 160 : index
    %swap3A_721 = tpu.vector_load %arg17[%swap3A_720] {strides = array<i32>} : memref<208xf32, #tpu.memory_space<vmem>>, vector<16xf32>,
    tpu.vector_store %arg17[%swap3A_720], %select_n3A_719 {strides = array<i32>} : memref<208xf32, #tpu.memory_space<vmem>>, vector<16xf32>,
    %get3A_722 = arith.constant 176 : index
    %get3A_723 = tpu.vector_load %arg13[%get3A_722] {strides = array<i32>} : memref<208xi32, #tpu.memory_space<vmem>>, vector<16xi32>,
    %gather3A_724 = tpu.vector_load_idx %arg10[%get3A_723] : memref<20480xi32, #tpu.memory_space<vmem>>[vector<16xi32>], vector<16xi32>,
    %gather3A_725 = tpu.vector_load_idx %arg7[%gather3A_724] : memref<20000xf32, #tpu.memory_space<vmem>>[vector<16xi32>], vector<16xf32>,
    %gather3A_726 = tpu.vector_load_idx %arg8[%gather3A_724] : memref<20000xf32, #tpu.memory_space<vmem>>[vector<16xi32>], vector<16xf32>,
    %swap3A_727 = arith.constant 176 : index
    %swap3A_728 = tpu.vector_load %arg14[%swap3A_727] {strides = array<i32>} : memref<208xf32, #tpu.memory_space<vmem>>, vector<16xf32>,
    tpu.vector_store %arg14[%swap3A_727], %gather3A_725 {strides = array<i32>} : memref<208xf32, #tpu.memory_space<vmem>>, vector<16xf32>,
    %swap3A_729 = arith.constant 176 : index
    %swap3A_730 = tpu.vector_load %arg15[%swap3A_729] {strides = array<i32>} : memref<208xf32, #tpu.memory_space<vmem>>, vector<16xf32>,
    tpu.vector_store %arg15[%swap3A_729], %gather3A_726 {strides = array<i32>} : memref<208xf32, #tpu.memory_space<vmem>>, vector<16xf32>,
    %sub3A_731 = arith.subf %gather3A_726, %gather3A_725 : vector<16xf32>
    %swap3A_732 = arith.constant 176 : index
    %swap3A_733 = tpu.vector_load %arg16[%swap3A_732] {strides = array<i32>} : memref<208xf32, #tpu.memory_space<vmem>>, vector<16xf32>,
    tpu.vector_store %arg16[%swap3A_732], %sub3A_731 {strides = array<i32>} : memref<208xf32, #tpu.memory_space<vmem>>, vector<16xf32>,
    %get3A_734 = arith.constant 176 : index
    %get3A_735 = tpu.vector_load %arg12[%get3A_734] {strides = array<i32>} : memref<208xf32, #tpu.memory_space<vmem>>, vector<16xf32>,
    %gt3A_736 = arith.constant 0.699999988 : f32
    %gt3A_737 = vector.broadcast %gt3A_736 : f32 to vector<16xf32>
    %gt3A_738 = arith.cmpf ogt, %get3A_735, %gt3A_737 : vector<16xf32>
    %jit3A_739 = arith.constant 0.000000e+00 : f32
    %jit3A_740 = arith.constant 1.000000e+00 : f32
    %broadcast_in_dim3A_741 = vector.broadcast %jit3A_739 : f32 to vector<16xf32>
    %broadcast_in_dim3A_742 = vector.broadcast %jit3A_740 : f32 to vector<16xf32>
    %select_n3A_743 = arith.select %gt3A_738, %broadcast_in_dim3A_741, %broadcast_in_dim3A_742 : vector<16xi1>, vector<16xf32>
    %swap3A_744 = arith.constant 176 : index
    %swap3A_745 = tpu.vector_load %arg17[%swap3A_744] {strides = array<i32>} : memref<208xf32, #tpu.memory_space<vmem>>, vector<16xf32>,
    tpu.vector_store %arg17[%swap3A_744], %select_n3A_743 {strides = array<i32>} : memref<208xf32, #tpu.memory_space<vmem>>, vector<16xf32>,
    %get3A_746 = arith.constant 192 : index
    %get3A_747 = tpu.vector_load %arg13[%get3A_746] {strides = array<i32>} : memref<208xi32, #tpu.memory_space<vmem>>, vector<16xi32>,
    %gather3A_748 = tpu.vector_load_idx %arg10[%get3A_747] : memref<20480xi32, #tpu.memory_space<vmem>>[vector<16xi32>], vector<16xi32>,
    %gather3A_749 = tpu.vector_load_idx %arg7[%gather3A_748] : memref<20000xf32, #tpu.memory_space<vmem>>[vector<16xi32>], vector<16xf32>,
    %gather3A_750 = tpu.vector_load_idx %arg8[%gather3A_748] : memref<20000xf32, #tpu.memory_space<vmem>>[vector<16xi32>], vector<16xf32>,
    %swap3A_751 = arith.constant 192 : index
    %swap3A_752 = tpu.vector_load %arg14[%swap3A_751] {strides = array<i32>} : memref<208xf32, #tpu.memory_space<vmem>>, vector<16xf32>,
    tpu.vector_store %arg14[%swap3A_751], %gather3A_749 {strides = array<i32>} : memref<208xf32, #tpu.memory_space<vmem>>, vector<16xf32>,
    %swap3A_753 = arith.constant 192 : index
    %swap3A_754 = tpu.vector_load %arg15[%swap3A_753] {strides = array<i32>} : memref<208xf32, #tpu.memory_space<vmem>>, vector<16xf32>,
    tpu.vector_store %arg15[%swap3A_753], %gather3A_750 {strides = array<i32>} : memref<208xf32, #tpu.memory_space<vmem>>, vector<16xf32>,
    %sub3A_755 = arith.subf %gather3A_750, %gather3A_749 : vector<16xf32>
    %swap3A_756 = arith.constant 192 : index
    %swap3A_757 = tpu.vector_load %arg16[%swap3A_756] {strides = array<i32>} : memref<208xf32, #tpu.memory_space<vmem>>, vector<16xf32>,
    tpu.vector_store %arg16[%swap3A_756], %sub3A_755 {strides = array<i32>} : memref<208xf32, #tpu.memory_space<vmem>>, vector<16xf32>,
    %get3A_758 = arith.constant 192 : index
    %get3A_759 = tpu.vector_load %arg12[%get3A_758] {strides = array<i32>} : memref<208xf32, #tpu.memory_space<vmem>>, vector<16xf32>,
    %gt3A_760 = arith.constant 0.699999988 : f32
    %gt3A_761 = vector.broadcast %gt3A_760 : f32 to vector<16xf32>
    %gt3A_762 = arith.cmpf ogt, %get3A_759, %gt3A_761 : vector<16xf32>
    %jit3A_763 = arith.constant 0.000000e+00 : f32
    %jit3A_764 = arith.constant 1.000000e+00 : f32
    %broadcast_in_dim3A_765 = vector.broadcast %jit3A_763 : f32 to vector<16xf32>
    %broadcast_in_dim3A_766 = vector.broadcast %jit3A_764 : f32 to vector<16xf32>
    %select_n3A_767 = arith.select %gt3A_762, %broadcast_in_dim3A_765, %broadcast_in_dim3A_766 : vector<16xi1>, vector<16xf32>
    %swap3A_768 = arith.constant 192 : index
    %swap3A_769 = tpu.vector_load %arg17[%swap3A_768] {strides = array<i32>} : memref<208xf32, #tpu.memory_space<vmem>>, vector<16xf32>,
    tpu.vector_store %arg17[%swap3A_768], %select_n3A_767 {strides = array<i32>} : memref<208xf32, #tpu.memory_space<vmem>>, vector<16xf32>,
    %scan3A_770 = arith.constant 0 : i32
    %scan3A_771 = arith.constant 0 : i32
    %scan3A_772 = arith.constant 200 : i32
    %scan3A_773 = arith.addi %scan3A_771, %scan3A_772 : i32
    %scan3A_774 = arith.constant 1 : i32
    %scan3A_775 = scf.for %scan3A_1115 = %scan3A_771 to %scan3A_773 step %scan3A_774 iter_args(%scan3A_1116 = %scan3A_770) -> (i32)  : i32 {
      %broadcast_in_dim3A_1117 = vector.broadcast %scan3A_1115 : i32 to vector<16xi32>
      %gather3A_1118 = tpu.vector_load_idx %arg17[%broadcast_in_dim3A_1117] : memref<208xf32, #tpu.memory_space<vmem>>[vector<16xi32>], vector<16xf32>,
      %slice3A_1119 = vector.extract_strided_slice %gather3A_1118 {offsets = [0], sizes = [1], strides = [1]} : vector<16xf32> to vector<1xf32>
      %squeeze3A_1120 = vector.extract %slice3A_1119[0] : f32 from vector<1xf32>
      %eq3A_1121 = arith.constant 0.000000e+00 : f32
      %eq3A_1122 = arith.cmpf oeq, %squeeze3A_1120, %eq3A_1121 : f32
      %convert_element_type3A_1123 = arith.extui %eq3A_1122 : i1 to i32
      %cond3A = arith.constant 0 : i32
      %cond3A_1124 = arith.cmpi ne, %convert_element_type3A_1123, %cond3A : i32
      scf.if %cond3A_1124 {
        %gather3A_1126 = tpu.vector_load_idx %arg14[%broadcast_in_dim3A_1117] : memref<208xf32, #tpu.memory_space<vmem>>[vector<16xi32>], vector<16xf32>,
        %gather3A_1127 = tpu.vector_load_idx %arg15[%broadcast_in_dim3A_1117] : memref<208xf32, #tpu.memory_space<vmem>>[vector<16xi32>], vector<16xf32>,
        %sub3A_1128 = arith.subf %gather3A_1127, %gather3A_1126 : vector<16xf32>
        %broadcast_in_dim3A_1129 = arith.constant 1.000000e+00 : f32
        %broadcast_in_dim3A_1130 = vector.broadcast %broadcast_in_dim3A_1129 : f32 to vector<16xf32>
        tpu.vector_store_idx %arg18[%broadcast_in_dim3A_1117], %broadcast_in_dim3A_1130 masked %eq3A_18 : memref<208xf32, #tpu.memory_space<vmem>>[vector<16xi32>], vector<16xf32>, vector<16xi1>
        %get3A_1131 = arith.constant 0 : index
        %get3A_1132 = tpu.vector_load %arg14[%get3A_1131] {strides = array<i32>} : memref<208xf32, #tpu.memory_space<vmem>>, vector<16xf32>,
        %get3A_1133 = arith.constant 0 : index
        %get3A_1134 = tpu.vector_load %arg15[%get3A_1133] {strides = array<i32>} : memref<208xf32, #tpu.memory_space<vmem>>, vector<16xf32>,
        %max3A_1135 = arith.maximumf %get3A_1132, %gather3A_1126 : vector<16xf32>
        %min3A_1136 = arith.minimumf %get3A_1134, %gather3A_1127 : vector<16xf32>
        %sub3A_1137 = arith.subf %min3A_1136, %max3A_1135 : vector<16xf32>
        %max3A_1138 = arith.constant 0.000000e+00 : f32
        %max3A_1139 = vector.broadcast %max3A_1138 : f32 to vector<16xf32>
        %max3A_1140 = arith.maximumf %sub3A_1137, %max3A_1139 : vector<16xf32>
        %get3A_1141 = arith.constant 0 : index
        %get3A_1142 = tpu.vector_load %arg16[%get3A_1141] {strides = array<i32>} : memref<208xf32, #tpu.memory_space<vmem>>, vector<16xf32>,
        %add3A_1143 = arith.addf %get3A_1142, %sub3A_1128 : vector<16xf32>
        %sub3A_1144 = arith.subf %add3A_1143, %max3A_1140 : vector<16xf32>
        %max3A_1145 = arith.constant 9.99999996E-13 : f32
        %max3A_1146 = vector.broadcast %max3A_1145 : f32 to vector<16xf32>
        %max3A_1147 = arith.maximumf %sub3A_1144, %max3A_1146 : vector<16xf32>
        %div3A_1148 = arith.divf %max3A_1140, %max3A_1147 : vector<16xf32>
        %add3A_1149 = arith.constant 0 : i32
        %add3A_1150 = vector.broadcast %add3A_1149 : i32 to vector<16xi32>
        %add3A_1151 = arith.addi %iota3A, %add3A_1150 : vector<16xi32>
        %gt3A_1152 = arith.constant 5.000000e-01 : f32
        %gt3A_1153 = vector.broadcast %gt3A_1152 : f32 to vector<16xf32>
        %gt3A_1154 = arith.cmpf ogt, %div3A_1148, %gt3A_1153 : vector<16xf32>
        %ne3A_1155 = vector.broadcast %scan3A_1115 : i32 to vector<16xi32>
        %ne3A_1156 = arith.cmpi ne, %add3A_1151, %ne3A_1155 : vector<16xi32>
        %and3A_1157 = arith.andi %gt3A_1154, %ne3A_1156 : vector<16xi1>
        %get3A_1158 = arith.constant 0 : index
        %get3A_1159 = tpu.vector_load %arg17[%get3A_1158] {strides = array<i32>} : memref<208xf32, #tpu.memory_space<vmem>>, vector<16xf32>,
        %jit3A_1160 = arith.constant 1.000000e+00 : f32
        %broadcast_in_dim3A_1161 = vector.broadcast %jit3A_1160 : f32 to vector<16xf32>
        %select_n3A_1162 = arith.select %and3A_1157, %broadcast_in_dim3A_1161, %get3A_1159 : vector<16xi1>, vector<16xf32>
        %swap3A_1163 = arith.constant 0 : index
        %swap3A_1164 = tpu.vector_load %arg17[%swap3A_1163] {strides = array<i32>} : memref<208xf32, #tpu.memory_space<vmem>>, vector<16xf32>,
        tpu.vector_store %arg17[%swap3A_1163], %select_n3A_1162 {strides = array<i32>} : memref<208xf32, #tpu.memory_space<vmem>>, vector<16xf32>,
        %get3A_1165 = arith.constant 16 : index
        %get3A_1166 = tpu.vector_load %arg14[%get3A_1165] {strides = array<i32>} : memref<208xf32, #tpu.memory_space<vmem>>, vector<16xf32>,
        %get3A_1167 = arith.constant 16 : index
        %get3A_1168 = tpu.vector_load %arg15[%get3A_1167] {strides = array<i32>} : memref<208xf32, #tpu.memory_space<vmem>>, vector<16xf32>,
        %max3A_1169 = arith.maximumf %get3A_1166, %gather3A_1126 : vector<16xf32>
        %min3A_1170 = arith.minimumf %get3A_1168, %gather3A_1127 : vector<16xf32>
        %sub3A_1171 = arith.subf %min3A_1170, %max3A_1169 : vector<16xf32>
        %max3A_1172 = arith.constant 0.000000e+00 : f32
        %max3A_1173 = vector.broadcast %max3A_1172 : f32 to vector<16xf32>
        %max3A_1174 = arith.maximumf %sub3A_1171, %max3A_1173 : vector<16xf32>
        %get3A_1175 = arith.constant 16 : index
        %get3A_1176 = tpu.vector_load %arg16[%get3A_1175] {strides = array<i32>} : memref<208xf32, #tpu.memory_space<vmem>>, vector<16xf32>,
        %add3A_1177 = arith.addf %get3A_1176, %sub3A_1128 : vector<16xf32>
        %sub3A_1178 = arith.subf %add3A_1177, %max3A_1174 : vector<16xf32>
        %max3A_1179 = arith.constant 9.99999996E-13 : f32
        %max3A_1180 = vector.broadcast %max3A_1179 : f32 to vector<16xf32>
        %max3A_1181 = arith.maximumf %sub3A_1178, %max3A_1180 : vector<16xf32>
        %div3A_1182 = arith.divf %max3A_1174, %max3A_1181 : vector<16xf32>
        %add3A_1183 = arith.constant 16 : i32
        %add3A_1184 = vector.broadcast %add3A_1183 : i32 to vector<16xi32>
        %add3A_1185 = arith.addi %iota3A, %add3A_1184 : vector<16xi32>
        %gt3A_1186 = arith.constant 5.000000e-01 : f32
        %gt3A_1187 = vector.broadcast %gt3A_1186 : f32 to vector<16xf32>
        %gt3A_1188 = arith.cmpf ogt, %div3A_1182, %gt3A_1187 : vector<16xf32>
        %ne3A_1189 = vector.broadcast %scan3A_1115 : i32 to vector<16xi32>
        %ne3A_1190 = arith.cmpi ne, %add3A_1185, %ne3A_1189 : vector<16xi32>
        %and3A_1191 = arith.andi %gt3A_1188, %ne3A_1190 : vector<16xi1>
        %get3A_1192 = arith.constant 16 : index
        %get3A_1193 = tpu.vector_load %arg17[%get3A_1192] {strides = array<i32>} : memref<208xf32, #tpu.memory_space<vmem>>, vector<16xf32>,
        %jit3A_1194 = arith.constant 1.000000e+00 : f32
        %broadcast_in_dim3A_1195 = vector.broadcast %jit3A_1194 : f32 to vector<16xf32>
        %select_n3A_1196 = arith.select %and3A_1191, %broadcast_in_dim3A_1195, %get3A_1193 : vector<16xi1>, vector<16xf32>
        %swap3A_1197 = arith.constant 16 : index
        %swap3A_1198 = tpu.vector_load %arg17[%swap3A_1197] {strides = array<i32>} : memref<208xf32, #tpu.memory_space<vmem>>, vector<16xf32>,
        tpu.vector_store %arg17[%swap3A_1197], %select_n3A_1196 {strides = array<i32>} : memref<208xf32, #tpu.memory_space<vmem>>, vector<16xf32>,
        %get3A_1199 = arith.constant 32 : index
        %get3A_1200 = tpu.vector_load %arg14[%get3A_1199] {strides = array<i32>} : memref<208xf32, #tpu.memory_space<vmem>>, vector<16xf32>,
        %get3A_1201 = arith.constant 32 : index
        %get3A_1202 = tpu.vector_load %arg15[%get3A_1201] {strides = array<i32>} : memref<208xf32, #tpu.memory_space<vmem>>, vector<16xf32>,
        %max3A_1203 = arith.maximumf %get3A_1200, %gather3A_1126 : vector<16xf32>
        %min3A_1204 = arith.minimumf %get3A_1202, %gather3A_1127 : vector<16xf32>
        %sub3A_1205 = arith.subf %min3A_1204, %max3A_1203 : vector<16xf32>
        %max3A_1206 = arith.constant 0.000000e+00 : f32
        %max3A_1207 = vector.broadcast %max3A_1206 : f32 to vector<16xf32>
        %max3A_1208 = arith.maximumf %sub3A_1205, %max3A_1207 : vector<16xf32>
        %get3A_1209 = arith.constant 32 : index
        %get3A_1210 = tpu.vector_load %arg16[%get3A_1209] {strides = array<i32>} : memref<208xf32, #tpu.memory_space<vmem>>, vector<16xf32>,
        %add3A_1211 = arith.addf %get3A_1210, %sub3A_1128 : vector<16xf32>
        %sub3A_1212 = arith.subf %add3A_1211, %max3A_1208 : vector<16xf32>
        %max3A_1213 = arith.constant 9.99999996E-13 : f32
        %max3A_1214 = vector.broadcast %max3A_1213 : f32 to vector<16xf32>
        %max3A_1215 = arith.maximumf %sub3A_1212, %max3A_1214 : vector<16xf32>
        %div3A_1216 = arith.divf %max3A_1208, %max3A_1215 : vector<16xf32>
        %add3A_1217 = arith.constant 32 : i32
        %add3A_1218 = vector.broadcast %add3A_1217 : i32 to vector<16xi32>
        %add3A_1219 = arith.addi %iota3A, %add3A_1218 : vector<16xi32>
        %gt3A_1220 = arith.constant 5.000000e-01 : f32
        %gt3A_1221 = vector.broadcast %gt3A_1220 : f32 to vector<16xf32>
        %gt3A_1222 = arith.cmpf ogt, %div3A_1216, %gt3A_1221 : vector<16xf32>
        %ne3A_1223 = vector.broadcast %scan3A_1115 : i32 to vector<16xi32>
        %ne3A_1224 = arith.cmpi ne, %add3A_1219, %ne3A_1223 : vector<16xi32>
        %and3A_1225 = arith.andi %gt3A_1222, %ne3A_1224 : vector<16xi1>
        %get3A_1226 = arith.constant 32 : index
        %get3A_1227 = tpu.vector_load %arg17[%get3A_1226] {strides = array<i32>} : memref<208xf32, #tpu.memory_space<vmem>>, vector<16xf32>,
        %jit3A_1228 = arith.constant 1.000000e+00 : f32
        %broadcast_in_dim3A_1229 = vector.broadcast %jit3A_1228 : f32 to vector<16xf32>
        %select_n3A_1230 = arith.select %and3A_1225, %broadcast_in_dim3A_1229, %get3A_1227 : vector<16xi1>, vector<16xf32>
        %swap3A_1231 = arith.constant 32 : index
        %swap3A_1232 = tpu.vector_load %arg17[%swap3A_1231] {strides = array<i32>} : memref<208xf32, #tpu.memory_space<vmem>>, vector<16xf32>,
        tpu.vector_store %arg17[%swap3A_1231], %select_n3A_1230 {strides = array<i32>} : memref<208xf32, #tpu.memory_space<vmem>>, vector<16xf32>,
        %get3A_1233 = arith.constant 48 : index
        %get3A_1234 = tpu.vector_load %arg14[%get3A_1233] {strides = array<i32>} : memref<208xf32, #tpu.memory_space<vmem>>, vector<16xf32>,
        %get3A_1235 = arith.constant 48 : index
        %get3A_1236 = tpu.vector_load %arg15[%get3A_1235] {strides = array<i32>} : memref<208xf32, #tpu.memory_space<vmem>>, vector<16xf32>,
        %max3A_1237 = arith.maximumf %get3A_1234, %gather3A_1126 : vector<16xf32>
        %min3A_1238 = arith.minimumf %get3A_1236, %gather3A_1127 : vector<16xf32>
        %sub3A_1239 = arith.subf %min3A_1238, %max3A_1237 : vector<16xf32>
        %max3A_1240 = arith.constant 0.000000e+00 : f32
        %max3A_1241 = vector.broadcast %max3A_1240 : f32 to vector<16xf32>
        %max3A_1242 = arith.maximumf %sub3A_1239, %max3A_1241 : vector<16xf32>
        %get3A_1243 = arith.constant 48 : index
        %get3A_1244 = tpu.vector_load %arg16[%get3A_1243] {strides = array<i32>} : memref<208xf32, #tpu.memory_space<vmem>>, vector<16xf32>,
        %add3A_1245 = arith.addf %get3A_1244, %sub3A_1128 : vector<16xf32>
        %sub3A_1246 = arith.subf %add3A_1245, %max3A_1242 : vector<16xf32>
        %max3A_1247 = arith.constant 9.99999996E-13 : f32
        %max3A_1248 = vector.broadcast %max3A_1247 : f32 to vector<16xf32>
        %max3A_1249 = arith.maximumf %sub3A_1246, %max3A_1248 : vector<16xf32>
        %div3A_1250 = arith.divf %max3A_1242, %max3A_1249 : vector<16xf32>
        %add3A_1251 = arith.constant 48 : i32
        %add3A_1252 = vector.broadcast %add3A_1251 : i32 to vector<16xi32>
        %add3A_1253 = arith.addi %iota3A, %add3A_1252 : vector<16xi32>
        %gt3A_1254 = arith.constant 5.000000e-01 : f32
        %gt3A_1255 = vector.broadcast %gt3A_1254 : f32 to vector<16xf32>
        %gt3A_1256 = arith.cmpf ogt, %div3A_1250, %gt3A_1255 : vector<16xf32>
        %ne3A_1257 = vector.broadcast %scan3A_1115 : i32 to vector<16xi32>
        %ne3A_1258 = arith.cmpi ne, %add3A_1253, %ne3A_1257 : vector<16xi32>
        %and3A_1259 = arith.andi %gt3A_1256, %ne3A_1258 : vector<16xi1>
        %get3A_1260 = arith.constant 48 : index
        %get3A_1261 = tpu.vector_load %arg17[%get3A_1260] {strides = array<i32>} : memref<208xf32, #tpu.memory_space<vmem>>, vector<16xf32>,
        %jit3A_1262 = arith.constant 1.000000e+00 : f32
        %broadcast_in_dim3A_1263 = vector.broadcast %jit3A_1262 : f32 to vector<16xf32>
        %select_n3A_1264 = arith.select %and3A_1259, %broadcast_in_dim3A_1263, %get3A_1261 : vector<16xi1>, vector<16xf32>
        %swap3A_1265 = arith.constant 48 : index
        %swap3A_1266 = tpu.vector_load %arg17[%swap3A_1265] {strides = array<i32>} : memref<208xf32, #tpu.memory_space<vmem>>, vector<16xf32>,
        tpu.vector_store %arg17[%swap3A_1265], %select_n3A_1264 {strides = array<i32>} : memref<208xf32, #tpu.memory_space<vmem>>, vector<16xf32>,
        %get3A_1267 = arith.constant 64 : index
        %get3A_1268 = tpu.vector_load %arg14[%get3A_1267] {strides = array<i32>} : memref<208xf32, #tpu.memory_space<vmem>>, vector<16xf32>,
        %get3A_1269 = arith.constant 64 : index
        %get3A_1270 = tpu.vector_load %arg15[%get3A_1269] {strides = array<i32>} : memref<208xf32, #tpu.memory_space<vmem>>, vector<16xf32>,
        %max3A_1271 = arith.maximumf %get3A_1268, %gather3A_1126 : vector<16xf32>
        %min3A_1272 = arith.minimumf %get3A_1270, %gather3A_1127 : vector<16xf32>
        %sub3A_1273 = arith.subf %min3A_1272, %max3A_1271 : vector<16xf32>
        %max3A_1274 = arith.constant 0.000000e+00 : f32
        %max3A_1275 = vector.broadcast %max3A_1274 : f32 to vector<16xf32>
        %max3A_1276 = arith.maximumf %sub3A_1273, %max3A_1275 : vector<16xf32>
        %get3A_1277 = arith.constant 64 : index
        %get3A_1278 = tpu.vector_load %arg16[%get3A_1277] {strides = array<i32>} : memref<208xf32, #tpu.memory_space<vmem>>, vector<16xf32>,
        %add3A_1279 = arith.addf %get3A_1278, %sub3A_1128 : vector<16xf32>
        %sub3A_1280 = arith.subf %add3A_1279, %max3A_1276 : vector<16xf32>
        %max3A_1281 = arith.constant 9.99999996E-13 : f32
        %max3A_1282 = vector.broadcast %max3A_1281 : f32 to vector<16xf32>
        %max3A_1283 = arith.maximumf %sub3A_1280, %max3A_1282 : vector<16xf32>
        %div3A_1284 = arith.divf %max3A_1276, %max3A_1283 : vector<16xf32>
        %add3A_1285 = arith.constant 64 : i32
        %add3A_1286 = vector.broadcast %add3A_1285 : i32 to vector<16xi32>
        %add3A_1287 = arith.addi %iota3A, %add3A_1286 : vector<16xi32>
        %gt3A_1288 = arith.constant 5.000000e-01 : f32
        %gt3A_1289 = vector.broadcast %gt3A_1288 : f32 to vector<16xf32>
        %gt3A_1290 = arith.cmpf ogt, %div3A_1284, %gt3A_1289 : vector<16xf32>
        %ne3A_1291 = vector.broadcast %scan3A_1115 : i32 to vector<16xi32>
        %ne3A_1292 = arith.cmpi ne, %add3A_1287, %ne3A_1291 : vector<16xi32>
        %and3A_1293 = arith.andi %gt3A_1290, %ne3A_1292 : vector<16xi1>
        %get3A_1294 = arith.constant 64 : index
        %get3A_1295 = tpu.vector_load %arg17[%get3A_1294] {strides = array<i32>} : memref<208xf32, #tpu.memory_space<vmem>>, vector<16xf32>,
        %jit3A_1296 = arith.constant 1.000000e+00 : f32
        %broadcast_in_dim3A_1297 = vector.broadcast %jit3A_1296 : f32 to vector<16xf32>
        %select_n3A_1298 = arith.select %and3A_1293, %broadcast_in_dim3A_1297, %get3A_1295 : vector<16xi1>, vector<16xf32>
        %swap3A_1299 = arith.constant 64 : index
        %swap3A_1300 = tpu.vector_load %arg17[%swap3A_1299] {strides = array<i32>} : memref<208xf32, #tpu.memory_space<vmem>>, vector<16xf32>,
        tpu.vector_store %arg17[%swap3A_1299], %select_n3A_1298 {strides = array<i32>} : memref<208xf32, #tpu.memory_space<vmem>>, vector<16xf32>,
        %get3A_1301 = arith.constant 80 : index
        %get3A_1302 = tpu.vector_load %arg14[%get3A_1301] {strides = array<i32>} : memref<208xf32, #tpu.memory_space<vmem>>, vector<16xf32>,
        %get3A_1303 = arith.constant 80 : index
        %get3A_1304 = tpu.vector_load %arg15[%get3A_1303] {strides = array<i32>} : memref<208xf32, #tpu.memory_space<vmem>>, vector<16xf32>,
        %max3A_1305 = arith.maximumf %get3A_1302, %gather3A_1126 : vector<16xf32>
        %min3A_1306 = arith.minimumf %get3A_1304, %gather3A_1127 : vector<16xf32>
        %sub3A_1307 = arith.subf %min3A_1306, %max3A_1305 : vector<16xf32>
        %max3A_1308 = arith.constant 0.000000e+00 : f32
        %max3A_1309 = vector.broadcast %max3A_1308 : f32 to vector<16xf32>
        %max3A_1310 = arith.maximumf %sub3A_1307, %max3A_1309 : vector<16xf32>
        %get3A_1311 = arith.constant 80 : index
        %get3A_1312 = tpu.vector_load %arg16[%get3A_1311] {strides = array<i32>} : memref<208xf32, #tpu.memory_space<vmem>>, vector<16xf32>,
        %add3A_1313 = arith.addf %get3A_1312, %sub3A_1128 : vector<16xf32>
        %sub3A_1314 = arith.subf %add3A_1313, %max3A_1310 : vector<16xf32>
        %max3A_1315 = arith.constant 9.99999996E-13 : f32
        %max3A_1316 = vector.broadcast %max3A_1315 : f32 to vector<16xf32>
        %max3A_1317 = arith.maximumf %sub3A_1314, %max3A_1316 : vector<16xf32>
        %div3A_1318 = arith.divf %max3A_1310, %max3A_1317 : vector<16xf32>
        %add3A_1319 = arith.constant 80 : i32
        %add3A_1320 = vector.broadcast %add3A_1319 : i32 to vector<16xi32>
        %add3A_1321 = arith.addi %iota3A, %add3A_1320 : vector<16xi32>
        %gt3A_1322 = arith.constant 5.000000e-01 : f32
        %gt3A_1323 = vector.broadcast %gt3A_1322 : f32 to vector<16xf32>
        %gt3A_1324 = arith.cmpf ogt, %div3A_1318, %gt3A_1323 : vector<16xf32>
        %ne3A_1325 = vector.broadcast %scan3A_1115 : i32 to vector<16xi32>
        %ne3A_1326 = arith.cmpi ne, %add3A_1321, %ne3A_1325 : vector<16xi32>
        %and3A_1327 = arith.andi %gt3A_1324, %ne3A_1326 : vector<16xi1>
        %get3A_1328 = arith.constant 80 : index
        %get3A_1329 = tpu.vector_load %arg17[%get3A_1328] {strides = array<i32>} : memref<208xf32, #tpu.memory_space<vmem>>, vector<16xf32>,
        %jit3A_1330 = arith.constant 1.000000e+00 : f32
        %broadcast_in_dim3A_1331 = vector.broadcast %jit3A_1330 : f32 to vector<16xf32>
        %select_n3A_1332 = arith.select %and3A_1327, %broadcast_in_dim3A_1331, %get3A_1329 : vector<16xi1>, vector<16xf32>
        %swap3A_1333 = arith.constant 80 : index
        %swap3A_1334 = tpu.vector_load %arg17[%swap3A_1333] {strides = array<i32>} : memref<208xf32, #tpu.memory_space<vmem>>, vector<16xf32>,
        tpu.vector_store %arg17[%swap3A_1333], %select_n3A_1332 {strides = array<i32>} : memref<208xf32, #tpu.memory_space<vmem>>, vector<16xf32>,
        %get3A_1335 = arith.constant 96 : index
        %get3A_1336 = tpu.vector_load %arg14[%get3A_1335] {strides = array<i32>} : memref<208xf32, #tpu.memory_space<vmem>>, vector<16xf32>,
        %get3A_1337 = arith.constant 96 : index
        %get3A_1338 = tpu.vector_load %arg15[%get3A_1337] {strides = array<i32>} : memref<208xf32, #tpu.memory_space<vmem>>, vector<16xf32>,
        %max3A_1339 = arith.maximumf %get3A_1336, %gather3A_1126 : vector<16xf32>
        %min3A_1340 = arith.minimumf %get3A_1338, %gather3A_1127 : vector<16xf32>
        %sub3A_1341 = arith.subf %min3A_1340, %max3A_1339 : vector<16xf32>
        %max3A_1342 = arith.constant 0.000000e+00 : f32
        %max3A_1343 = vector.broadcast %max3A_1342 : f32 to vector<16xf32>
        %max3A_1344 = arith.maximumf %sub3A_1341, %max3A_1343 : vector<16xf32>
        %get3A_1345 = arith.constant 96 : index
        %get3A_1346 = tpu.vector_load %arg16[%get3A_1345] {strides = array<i32>} : memref<208xf32, #tpu.memory_space<vmem>>, vector<16xf32>,
        %add3A_1347 = arith.addf %get3A_1346, %sub3A_1128 : vector<16xf32>
        %sub3A_1348 = arith.subf %add3A_1347, %max3A_1344 : vector<16xf32>
        %max3A_1349 = arith.constant 9.99999996E-13 : f32
        %max3A_1350 = vector.broadcast %max3A_1349 : f32 to vector<16xf32>
        %max3A_1351 = arith.maximumf %sub3A_1348, %max3A_1350 : vector<16xf32>
        %div3A_1352 = arith.divf %max3A_1344, %max3A_1351 : vector<16xf32>
        %add3A_1353 = arith.constant 96 : i32
        %add3A_1354 = vector.broadcast %add3A_1353 : i32 to vector<16xi32>
        %add3A_1355 = arith.addi %iota3A, %add3A_1354 : vector<16xi32>
        %gt3A_1356 = arith.constant 5.000000e-01 : f32
        %gt3A_1357 = vector.broadcast %gt3A_1356 : f32 to vector<16xf32>
        %gt3A_1358 = arith.cmpf ogt, %div3A_1352, %gt3A_1357 : vector<16xf32>
        %ne3A_1359 = vector.broadcast %scan3A_1115 : i32 to vector<16xi32>
        %ne3A_1360 = arith.cmpi ne, %add3A_1355, %ne3A_1359 : vector<16xi32>
        %and3A_1361 = arith.andi %gt3A_1358, %ne3A_1360 : vector<16xi1>
        %get3A_1362 = arith.constant 96 : index
        %get3A_1363 = tpu.vector_load %arg17[%get3A_1362] {strides = array<i32>} : memref<208xf32, #tpu.memory_space<vmem>>, vector<16xf32>,
        %jit3A_1364 = arith.constant 1.000000e+00 : f32
        %broadcast_in_dim3A_1365 = vector.broadcast %jit3A_1364 : f32 to vector<16xf32>
        %select_n3A_1366 = arith.select %and3A_1361, %broadcast_in_dim3A_1365, %get3A_1363 : vector<16xi1>, vector<16xf32>
        %swap3A_1367 = arith.constant 96 : index
        %swap3A_1368 = tpu.vector_load %arg17[%swap3A_1367] {strides = array<i32>} : memref<208xf32, #tpu.memory_space<vmem>>, vector<16xf32>,
        tpu.vector_store %arg17[%swap3A_1367], %select_n3A_1366 {strides = array<i32>} : memref<208xf32, #tpu.memory_space<vmem>>, vector<16xf32>,
        %get3A_1369 = arith.constant 112 : index
        %get3A_1370 = tpu.vector_load %arg14[%get3A_1369] {strides = array<i32>} : memref<208xf32, #tpu.memory_space<vmem>>, vector<16xf32>,
        %get3A_1371 = arith.constant 112 : index
        %get3A_1372 = tpu.vector_load %arg15[%get3A_1371] {strides = array<i32>} : memref<208xf32, #tpu.memory_space<vmem>>, vector<16xf32>,
        %max3A_1373 = arith.maximumf %get3A_1370, %gather3A_1126 : vector<16xf32>
        %min3A_1374 = arith.minimumf %get3A_1372, %gather3A_1127 : vector<16xf32>
        %sub3A_1375 = arith.subf %min3A_1374, %max3A_1373 : vector<16xf32>
        %max3A_1376 = arith.constant 0.000000e+00 : f32
        %max3A_1377 = vector.broadcast %max3A_1376 : f32 to vector<16xf32>
        %max3A_1378 = arith.maximumf %sub3A_1375, %max3A_1377 : vector<16xf32>
        %get3A_1379 = arith.constant 112 : index
        %get3A_1380 = tpu.vector_load %arg16[%get3A_1379] {strides = array<i32>} : memref<208xf32, #tpu.memory_space<vmem>>, vector<16xf32>,
        %add3A_1381 = arith.addf %get3A_1380, %sub3A_1128 : vector<16xf32>
        %sub3A_1382 = arith.subf %add3A_1381, %max3A_1378 : vector<16xf32>
        %max3A_1383 = arith.constant 9.99999996E-13 : f32
        %max3A_1384 = vector.broadcast %max3A_1383 : f32 to vector<16xf32>
        %max3A_1385 = arith.maximumf %sub3A_1382, %max3A_1384 : vector<16xf32>
        %div3A_1386 = arith.divf %max3A_1378, %max3A_1385 : vector<16xf32>
        %add3A_1387 = arith.constant 112 : i32
        %add3A_1388 = vector.broadcast %add3A_1387 : i32 to vector<16xi32>
        %add3A_1389 = arith.addi %iota3A, %add3A_1388 : vector<16xi32>
        %gt3A_1390 = arith.constant 5.000000e-01 : f32
        %gt3A_1391 = vector.broadcast %gt3A_1390 : f32 to vector<16xf32>
        %gt3A_1392 = arith.cmpf ogt, %div3A_1386, %gt3A_1391 : vector<16xf32>
        %ne3A_1393 = vector.broadcast %scan3A_1115 : i32 to vector<16xi32>
        %ne3A_1394 = arith.cmpi ne, %add3A_1389, %ne3A_1393 : vector<16xi32>
        %and3A_1395 = arith.andi %gt3A_1392, %ne3A_1394 : vector<16xi1>
        %get3A_1396 = arith.constant 112 : index
        %get3A_1397 = tpu.vector_load %arg17[%get3A_1396] {strides = array<i32>} : memref<208xf32, #tpu.memory_space<vmem>>, vector<16xf32>,
        %jit3A_1398 = arith.constant 1.000000e+00 : f32
        %broadcast_in_dim3A_1399 = vector.broadcast %jit3A_1398 : f32 to vector<16xf32>
        %select_n3A_1400 = arith.select %and3A_1395, %broadcast_in_dim3A_1399, %get3A_1397 : vector<16xi1>, vector<16xf32>
        %swap3A_1401 = arith.constant 112 : index
        %swap3A_1402 = tpu.vector_load %arg17[%swap3A_1401] {strides = array<i32>} : memref<208xf32, #tpu.memory_space<vmem>>, vector<16xf32>,
        tpu.vector_store %arg17[%swap3A_1401], %select_n3A_1400 {strides = array<i32>} : memref<208xf32, #tpu.memory_space<vmem>>, vector<16xf32>,
        %get3A_1403 = arith.constant 128 : index
        %get3A_1404 = tpu.vector_load %arg14[%get3A_1403] {strides = array<i32>} : memref<208xf32, #tpu.memory_space<vmem>>, vector<16xf32>,
        %get3A_1405 = arith.constant 128 : index
        %get3A_1406 = tpu.vector_load %arg15[%get3A_1405] {strides = array<i32>} : memref<208xf32, #tpu.memory_space<vmem>>, vector<16xf32>,
        %max3A_1407 = arith.maximumf %get3A_1404, %gather3A_1126 : vector<16xf32>
        %min3A_1408 = arith.minimumf %get3A_1406, %gather3A_1127 : vector<16xf32>
        %sub3A_1409 = arith.subf %min3A_1408, %max3A_1407 : vector<16xf32>
        %max3A_1410 = arith.constant 0.000000e+00 : f32
        %max3A_1411 = vector.broadcast %max3A_1410 : f32 to vector<16xf32>
        %max3A_1412 = arith.maximumf %sub3A_1409, %max3A_1411 : vector<16xf32>
        %get3A_1413 = arith.constant 128 : index
        %get3A_1414 = tpu.vector_load %arg16[%get3A_1413] {strides = array<i32>} : memref<208xf32, #tpu.memory_space<vmem>>, vector<16xf32>,
        %add3A_1415 = arith.addf %get3A_1414, %sub3A_1128 : vector<16xf32>
        %sub3A_1416 = arith.subf %add3A_1415, %max3A_1412 : vector<16xf32>
        %max3A_1417 = arith.constant 9.99999996E-13 : f32
        %max3A_1418 = vector.broadcast %max3A_1417 : f32 to vector<16xf32>
        %max3A_1419 = arith.maximumf %sub3A_1416, %max3A_1418 : vector<16xf32>
        %div3A_1420 = arith.divf %max3A_1412, %max3A_1419 : vector<16xf32>
        %add3A_1421 = arith.constant 128 : i32
        %add3A_1422 = vector.broadcast %add3A_1421 : i32 to vector<16xi32>
        %add3A_1423 = arith.addi %iota3A, %add3A_1422 : vector<16xi32>
        %gt3A_1424 = arith.constant 5.000000e-01 : f32
        %gt3A_1425 = vector.broadcast %gt3A_1424 : f32 to vector<16xf32>
        %gt3A_1426 = arith.cmpf ogt, %div3A_1420, %gt3A_1425 : vector<16xf32>
        %ne3A_1427 = vector.broadcast %scan3A_1115 : i32 to vector<16xi32>
        %ne3A_1428 = arith.cmpi ne, %add3A_1423, %ne3A_1427 : vector<16xi32>
        %and3A_1429 = arith.andi %gt3A_1426, %ne3A_1428 : vector<16xi1>
        %get3A_1430 = arith.constant 128 : index
        %get3A_1431 = tpu.vector_load %arg17[%get3A_1430] {strides = array<i32>} : memref<208xf32, #tpu.memory_space<vmem>>, vector<16xf32>,
        %jit3A_1432 = arith.constant 1.000000e+00 : f32
        %broadcast_in_dim3A_1433 = vector.broadcast %jit3A_1432 : f32 to vector<16xf32>
        %select_n3A_1434 = arith.select %and3A_1429, %broadcast_in_dim3A_1433, %get3A_1431 : vector<16xi1>, vector<16xf32>
        %swap3A_1435 = arith.constant 128 : index
        %swap3A_1436 = tpu.vector_load %arg17[%swap3A_1435] {strides = array<i32>} : memref<208xf32, #tpu.memory_space<vmem>>, vector<16xf32>,
        tpu.vector_store %arg17[%swap3A_1435], %select_n3A_1434 {strides = array<i32>} : memref<208xf32, #tpu.memory_space<vmem>>, vector<16xf32>,
        %get3A_1437 = arith.constant 144 : index
        %get3A_1438 = tpu.vector_load %arg14[%get3A_1437] {strides = array<i32>} : memref<208xf32, #tpu.memory_space<vmem>>, vector<16xf32>,
        %get3A_1439 = arith.constant 144 : index
        %get3A_1440 = tpu.vector_load %arg15[%get3A_1439] {strides = array<i32>} : memref<208xf32, #tpu.memory_space<vmem>>, vector<16xf32>,
        %max3A_1441 = arith.maximumf %get3A_1438, %gather3A_1126 : vector<16xf32>
        %min3A_1442 = arith.minimumf %get3A_1440, %gather3A_1127 : vector<16xf32>
        %sub3A_1443 = arith.subf %min3A_1442, %max3A_1441 : vector<16xf32>
        %max3A_1444 = arith.constant 0.000000e+00 : f32
        %max3A_1445 = vector.broadcast %max3A_1444 : f32 to vector<16xf32>
        %max3A_1446 = arith.maximumf %sub3A_1443, %max3A_1445 : vector<16xf32>
        %get3A_1447 = arith.constant 144 : index
        %get3A_1448 = tpu.vector_load %arg16[%get3A_1447] {strides = array<i32>} : memref<208xf32, #tpu.memory_space<vmem>>, vector<16xf32>,
        %add3A_1449 = arith.addf %get3A_1448, %sub3A_1128 : vector<16xf32>
        %sub3A_1450 = arith.subf %add3A_1449, %max3A_1446 : vector<16xf32>
        %max3A_1451 = arith.constant 9.99999996E-13 : f32
        %max3A_1452 = vector.broadcast %max3A_1451 : f32 to vector<16xf32>
        %max3A_1453 = arith.maximumf %sub3A_1450, %max3A_1452 : vector<16xf32>
        %div3A_1454 = arith.divf %max3A_1446, %max3A_1453 : vector<16xf32>
        %add3A_1455 = arith.constant 144 : i32
        %add3A_1456 = vector.broadcast %add3A_1455 : i32 to vector<16xi32>
        %add3A_1457 = arith.addi %iota3A, %add3A_1456 : vector<16xi32>
        %gt3A_1458 = arith.constant 5.000000e-01 : f32
        %gt3A_1459 = vector.broadcast %gt3A_1458 : f32 to vector<16xf32>
        %gt3A_1460 = arith.cmpf ogt, %div3A_1454, %gt3A_1459 : vector<16xf32>
        %ne3A_1461 = vector.broadcast %scan3A_1115 : i32 to vector<16xi32>
        %ne3A_1462 = arith.cmpi ne, %add3A_1457, %ne3A_1461 : vector<16xi32>
        %and3A_1463 = arith.andi %gt3A_1460, %ne3A_1462 : vector<16xi1>
        %get3A_1464 = arith.constant 144 : index
        %get3A_1465 = tpu.vector_load %arg17[%get3A_1464] {strides = array<i32>} : memref<208xf32, #tpu.memory_space<vmem>>, vector<16xf32>,
        %jit3A_1466 = arith.constant 1.000000e+00 : f32
        %broadcast_in_dim3A_1467 = vector.broadcast %jit3A_1466 : f32 to vector<16xf32>
        %select_n3A_1468 = arith.select %and3A_1463, %broadcast_in_dim3A_1467, %get3A_1465 : vector<16xi1>, vector<16xf32>
        %swap3A_1469 = arith.constant 144 : index
        %swap3A_1470 = tpu.vector_load %arg17[%swap3A_1469] {strides = array<i32>} : memref<208xf32, #tpu.memory_space<vmem>>, vector<16xf32>,
        tpu.vector_store %arg17[%swap3A_1469], %select_n3A_1468 {strides = array<i32>} : memref<208xf32, #tpu.memory_space<vmem>>, vector<16xf32>,
        %get3A_1471 = arith.constant 160 : index
        %get3A_1472 = tpu.vector_load %arg14[%get3A_1471] {strides = array<i32>} : memref<208xf32, #tpu.memory_space<vmem>>, vector<16xf32>,
        %get3A_1473 = arith.constant 160 : index
        %get3A_1474 = tpu.vector_load %arg15[%get3A_1473] {strides = array<i32>} : memref<208xf32, #tpu.memory_space<vmem>>, vector<16xf32>,
        %max3A_1475 = arith.maximumf %get3A_1472, %gather3A_1126 : vector<16xf32>
        %min3A_1476 = arith.minimumf %get3A_1474, %gather3A_1127 : vector<16xf32>
        %sub3A_1477 = arith.subf %min3A_1476, %max3A_1475 : vector<16xf32>
        %max3A_1478 = arith.constant 0.000000e+00 : f32
        %max3A_1479 = vector.broadcast %max3A_1478 : f32 to vector<16xf32>
        %max3A_1480 = arith.maximumf %sub3A_1477, %max3A_1479 : vector<16xf32>
        %get3A_1481 = arith.constant 160 : index
        %get3A_1482 = tpu.vector_load %arg16[%get3A_1481] {strides = array<i32>} : memref<208xf32, #tpu.memory_space<vmem>>, vector<16xf32>,
        %add3A_1483 = arith.addf %get3A_1482, %sub3A_1128 : vector<16xf32>
        %sub3A_1484 = arith.subf %add3A_1483, %max3A_1480 : vector<16xf32>
        %max3A_1485 = arith.constant 9.99999996E-13 : f32
        %max3A_1486 = vector.broadcast %max3A_1485 : f32 to vector<16xf32>
        %max3A_1487 = arith.maximumf %sub3A_1484, %max3A_1486 : vector<16xf32>
        %div3A_1488 = arith.divf %max3A_1480, %max3A_1487 : vector<16xf32>
        %add3A_1489 = arith.constant 160 : i32
        %add3A_1490 = vector.broadcast %add3A_1489 : i32 to vector<16xi32>
        %add3A_1491 = arith.addi %iota3A, %add3A_1490 : vector<16xi32>
        %gt3A_1492 = arith.constant 5.000000e-01 : f32
        %gt3A_1493 = vector.broadcast %gt3A_1492 : f32 to vector<16xf32>
        %gt3A_1494 = arith.cmpf ogt, %div3A_1488, %gt3A_1493 : vector<16xf32>
        %ne3A_1495 = vector.broadcast %scan3A_1115 : i32 to vector<16xi32>
        %ne3A_1496 = arith.cmpi ne, %add3A_1491, %ne3A_1495 : vector<16xi32>
        %and3A_1497 = arith.andi %gt3A_1494, %ne3A_1496 : vector<16xi1>
        %get3A_1498 = arith.constant 160 : index
        %get3A_1499 = tpu.vector_load %arg17[%get3A_1498] {strides = array<i32>} : memref<208xf32, #tpu.memory_space<vmem>>, vector<16xf32>,
        %jit3A_1500 = arith.constant 1.000000e+00 : f32
        %broadcast_in_dim3A_1501 = vector.broadcast %jit3A_1500 : f32 to vector<16xf32>
        %select_n3A_1502 = arith.select %and3A_1497, %broadcast_in_dim3A_1501, %get3A_1499 : vector<16xi1>, vector<16xf32>
        %swap3A_1503 = arith.constant 160 : index
        %swap3A_1504 = tpu.vector_load %arg17[%swap3A_1503] {strides = array<i32>} : memref<208xf32, #tpu.memory_space<vmem>>, vector<16xf32>,
        tpu.vector_store %arg17[%swap3A_1503], %select_n3A_1502 {strides = array<i32>} : memref<208xf32, #tpu.memory_space<vmem>>, vector<16xf32>,
        %get3A_1505 = arith.constant 176 : index
        %get3A_1506 = tpu.vector_load %arg14[%get3A_1505] {strides = array<i32>} : memref<208xf32, #tpu.memory_space<vmem>>, vector<16xf32>,
        %get3A_1507 = arith.constant 176 : index
        %get3A_1508 = tpu.vector_load %arg15[%get3A_1507] {strides = array<i32>} : memref<208xf32, #tpu.memory_space<vmem>>, vector<16xf32>,
        %max3A_1509 = arith.maximumf %get3A_1506, %gather3A_1126 : vector<16xf32>
        %min3A_1510 = arith.minimumf %get3A_1508, %gather3A_1127 : vector<16xf32>
        %sub3A_1511 = arith.subf %min3A_1510, %max3A_1509 : vector<16xf32>
        %max3A_1512 = arith.constant 0.000000e+00 : f32
        %max3A_1513 = vector.broadcast %max3A_1512 : f32 to vector<16xf32>
        %max3A_1514 = arith.maximumf %sub3A_1511, %max3A_1513 : vector<16xf32>
        %get3A_1515 = arith.constant 176 : index
        %get3A_1516 = tpu.vector_load %arg16[%get3A_1515] {strides = array<i32>} : memref<208xf32, #tpu.memory_space<vmem>>, vector<16xf32>,
        %add3A_1517 = arith.addf %get3A_1516, %sub3A_1128 : vector<16xf32>
        %sub3A_1518 = arith.subf %add3A_1517, %max3A_1514 : vector<16xf32>
        %max3A_1519 = arith.constant 9.99999996E-13 : f32
        %max3A_1520 = vector.broadcast %max3A_1519 : f32 to vector<16xf32>
        %max3A_1521 = arith.maximumf %sub3A_1518, %max3A_1520 : vector<16xf32>
        %div3A_1522 = arith.divf %max3A_1514, %max3A_1521 : vector<16xf32>
        %add3A_1523 = arith.constant 176 : i32
        %add3A_1524 = vector.broadcast %add3A_1523 : i32 to vector<16xi32>
        %add3A_1525 = arith.addi %iota3A, %add3A_1524 : vector<16xi32>
        %gt3A_1526 = arith.constant 5.000000e-01 : f32
        %gt3A_1527 = vector.broadcast %gt3A_1526 : f32 to vector<16xf32>
        %gt3A_1528 = arith.cmpf ogt, %div3A_1522, %gt3A_1527 : vector<16xf32>
        %ne3A_1529 = vector.broadcast %scan3A_1115 : i32 to vector<16xi32>
        %ne3A_1530 = arith.cmpi ne, %add3A_1525, %ne3A_1529 : vector<16xi32>
        %and3A_1531 = arith.andi %gt3A_1528, %ne3A_1530 : vector<16xi1>
        %get3A_1532 = arith.constant 176 : index
        %get3A_1533 = tpu.vector_load %arg17[%get3A_1532] {strides = array<i32>} : memref<208xf32, #tpu.memory_space<vmem>>, vector<16xf32>,
        %jit3A_1534 = arith.constant 1.000000e+00 : f32
        %broadcast_in_dim3A_1535 = vector.broadcast %jit3A_1534 : f32 to vector<16xf32>
        %select_n3A_1536 = arith.select %and3A_1531, %broadcast_in_dim3A_1535, %get3A_1533 : vector<16xi1>, vector<16xf32>
        %swap3A_1537 = arith.constant 176 : index
        %swap3A_1538 = tpu.vector_load %arg17[%swap3A_1537] {strides = array<i32>} : memref<208xf32, #tpu.memory_space<vmem>>, vector<16xf32>,
        tpu.vector_store %arg17[%swap3A_1537], %select_n3A_1536 {strides = array<i32>} : memref<208xf32, #tpu.memory_space<vmem>>, vector<16xf32>,
        %get3A_1539 = arith.constant 192 : index
        %get3A_1540 = tpu.vector_load %arg14[%get3A_1539] {strides = array<i32>} : memref<208xf32, #tpu.memory_space<vmem>>, vector<16xf32>,
        %get3A_1541 = arith.constant 192 : index
        %get3A_1542 = tpu.vector_load %arg15[%get3A_1541] {strides = array<i32>} : memref<208xf32, #tpu.memory_space<vmem>>, vector<16xf32>,
        %max3A_1543 = arith.maximumf %get3A_1540, %gather3A_1126 : vector<16xf32>
        %min3A_1544 = arith.minimumf %get3A_1542, %gather3A_1127 : vector<16xf32>
        %sub3A_1545 = arith.subf %min3A_1544, %max3A_1543 : vector<16xf32>
        %max3A_1546 = arith.constant 0.000000e+00 : f32
        %max3A_1547 = vector.broadcast %max3A_1546 : f32 to vector<16xf32>
        %max3A_1548 = arith.maximumf %sub3A_1545, %max3A_1547 : vector<16xf32>
        %get3A_1549 = arith.constant 192 : index
        %get3A_1550 = tpu.vector_load %arg16[%get3A_1549] {strides = array<i32>} : memref<208xf32, #tpu.memory_space<vmem>>, vector<16xf32>,
        %add3A_1551 = arith.addf %get3A_1550, %sub3A_1128 : vector<16xf32>
        %sub3A_1552 = arith.subf %add3A_1551, %max3A_1548 : vector<16xf32>
        %max3A_1553 = arith.constant 9.99999996E-13 : f32
        %max3A_1554 = vector.broadcast %max3A_1553 : f32 to vector<16xf32>
        %max3A_1555 = arith.maximumf %sub3A_1552, %max3A_1554 : vector<16xf32>
        %div3A_1556 = arith.divf %max3A_1548, %max3A_1555 : vector<16xf32>
        %add3A_1557 = arith.constant 192 : i32
        %add3A_1558 = vector.broadcast %add3A_1557 : i32 to vector<16xi32>
        %add3A_1559 = arith.addi %iota3A, %add3A_1558 : vector<16xi32>
        %gt3A_1560 = arith.constant 5.000000e-01 : f32
        %gt3A_1561 = vector.broadcast %gt3A_1560 : f32 to vector<16xf32>
        %gt3A_1562 = arith.cmpf ogt, %div3A_1556, %gt3A_1561 : vector<16xf32>
        %ne3A_1563 = vector.broadcast %scan3A_1115 : i32 to vector<16xi32>
        %ne3A_1564 = arith.cmpi ne, %add3A_1559, %ne3A_1563 : vector<16xi32>
        %and3A_1565 = arith.andi %gt3A_1562, %ne3A_1564 : vector<16xi1>
        %get3A_1566 = arith.constant 192 : index
        %get3A_1567 = tpu.vector_load %arg17[%get3A_1566] {strides = array<i32>} : memref<208xf32, #tpu.memory_space<vmem>>, vector<16xf32>,
        %jit3A_1568 = arith.constant 1.000000e+00 : f32
        %broadcast_in_dim3A_1569 = vector.broadcast %jit3A_1568 : f32 to vector<16xf32>
        %select_n3A_1570 = arith.select %and3A_1565, %broadcast_in_dim3A_1569, %get3A_1567 : vector<16xi1>, vector<16xf32>
        %swap3A_1571 = arith.constant 192 : index
        %swap3A_1572 = tpu.vector_load %arg17[%swap3A_1571] {strides = array<i32>} : memref<208xf32, #tpu.memory_space<vmem>>, vector<16xf32>,
        tpu.vector_store %arg17[%swap3A_1571], %select_n3A_1570 {strides = array<i32>} : memref<208xf32, #tpu.memory_space<vmem>>, vector<16xf32>,
      } else {
      }
      %scan3A_1125 = arith.constant 0 : i32
      scf.yield %scan3A_1125 : i32
    }
    %scan3A_776 = arith.constant 200 : i32
    %get3A_777 = arith.constant 0 : index
    %get3A_778 = tpu.vector_load %arg18[%get3A_777] {strides = array<i32>} : memref<208xf32, #tpu.memory_space<vmem>>, vector<16xf32>,
    %gt3A_779 = arith.constant 0.000000e+00 : f32
    %gt3A_780 = vector.broadcast %gt3A_779 : f32 to vector<16xf32>
    %gt3A_781 = arith.cmpf ogt, %get3A_778, %gt3A_780 : vector<16xf32>
    %get3A_782 = arith.constant 0 : index
    %get3A_783 = tpu.vector_load %arg14[%get3A_782] {strides = array<i32>} : memref<208xf32, #tpu.memory_space<vmem>>, vector<16xf32>,
    %jit3A_784 = arith.constant 0.000000e+00 : f32
    %broadcast_in_dim3A_785 = vector.broadcast %jit3A_784 : f32 to vector<16xf32>
    %select_n3A_786 = arith.select %gt3A_781, %get3A_783, %broadcast_in_dim3A_785 : vector<16xi1>, vector<16xf32>
    %swap3A_787 = arith.constant 0 : index
    %swap3A_788 = tpu.vector_load %arg19[%swap3A_787] {strides = array<i32>} : memref<624xf32, #tpu.memory_space<vmem>>, vector<16xf32>,
    tpu.vector_store %arg19[%swap3A_787], %select_n3A_786 {strides = array<i32>} : memref<624xf32, #tpu.memory_space<vmem>>, vector<16xf32>,
    %get3A_789 = arith.constant 0 : index
    %get3A_790 = tpu.vector_load %arg15[%get3A_789] {strides = array<i32>} : memref<208xf32, #tpu.memory_space<vmem>>, vector<16xf32>,
    %jit3A_791 = arith.constant 0.000000e+00 : f32
    %broadcast_in_dim3A_792 = vector.broadcast %jit3A_791 : f32 to vector<16xf32>
    %select_n3A_793 = arith.select %gt3A_781, %get3A_790, %broadcast_in_dim3A_792 : vector<16xi1>, vector<16xf32>
    %swap3A_794 = arith.constant 208 : index
    %swap3A_795 = tpu.vector_load %arg19[%swap3A_794] {strides = array<i32>} : memref<624xf32, #tpu.memory_space<vmem>>, vector<16xf32>,
    tpu.vector_store %arg19[%swap3A_794], %select_n3A_793 {strides = array<i32>} : memref<624xf32, #tpu.memory_space<vmem>>, vector<16xf32>,
    %get3A_796 = arith.constant 0 : index
    %get3A_797 = tpu.vector_load %arg12[%get3A_796] {strides = array<i32>} : memref<208xf32, #tpu.memory_space<vmem>>, vector<16xf32>,
    %jit3A_798 = arith.constant 0.000000e+00 : f32
    %broadcast_in_dim3A_799 = vector.broadcast %jit3A_798 : f32 to vector<16xf32>
    %select_n3A_800 = arith.select %gt3A_781, %get3A_797, %broadcast_in_dim3A_799 : vector<16xi1>, vector<16xf32>
    %swap3A_801 = arith.constant 416 : index
    %swap3A_802 = tpu.vector_load %arg19[%swap3A_801] {strides = array<i32>} : memref<624xf32, #tpu.memory_space<vmem>>, vector<16xf32>,
    tpu.vector_store %arg19[%swap3A_801], %select_n3A_800 {strides = array<i32>} : memref<624xf32, #tpu.memory_space<vmem>>, vector<16xf32>,
    %get3A_803 = arith.constant 16 : index
    %get3A_804 = tpu.vector_load %arg18[%get3A_803] {strides = array<i32>} : memref<208xf32, #tpu.memory_space<vmem>>, vector<16xf32>,
    %gt3A_805 = arith.constant 0.000000e+00 : f32
    %gt3A_806 = vector.broadcast %gt3A_805 : f32 to vector<16xf32>
    %gt3A_807 = arith.cmpf ogt, %get3A_804, %gt3A_806 : vector<16xf32>
    %get3A_808 = arith.constant 16 : index
    %get3A_809 = tpu.vector_load %arg14[%get3A_808] {strides = array<i32>} : memref<208xf32, #tpu.memory_space<vmem>>, vector<16xf32>,
    %jit3A_810 = arith.constant 0.000000e+00 : f32
    %broadcast_in_dim3A_811 = vector.broadcast %jit3A_810 : f32 to vector<16xf32>
    %select_n3A_812 = arith.select %gt3A_807, %get3A_809, %broadcast_in_dim3A_811 : vector<16xi1>, vector<16xf32>
    %swap3A_813 = arith.constant 16 : index
    %swap3A_814 = tpu.vector_load %arg19[%swap3A_813] {strides = array<i32>} : memref<624xf32, #tpu.memory_space<vmem>>, vector<16xf32>,
    tpu.vector_store %arg19[%swap3A_813], %select_n3A_812 {strides = array<i32>} : memref<624xf32, #tpu.memory_space<vmem>>, vector<16xf32>,
    %get3A_815 = arith.constant 16 : index
    %get3A_816 = tpu.vector_load %arg15[%get3A_815] {strides = array<i32>} : memref<208xf32, #tpu.memory_space<vmem>>, vector<16xf32>,
    %jit3A_817 = arith.constant 0.000000e+00 : f32
    %broadcast_in_dim3A_818 = vector.broadcast %jit3A_817 : f32 to vector<16xf32>
    %select_n3A_819 = arith.select %gt3A_807, %get3A_816, %broadcast_in_dim3A_818 : vector<16xi1>, vector<16xf32>
    %swap3A_820 = arith.constant 224 : index
    %swap3A_821 = tpu.vector_load %arg19[%swap3A_820] {strides = array<i32>} : memref<624xf32, #tpu.memory_space<vmem>>, vector<16xf32>,
    tpu.vector_store %arg19[%swap3A_820], %select_n3A_819 {strides = array<i32>} : memref<624xf32, #tpu.memory_space<vmem>>, vector<16xf32>,
    %get3A_822 = arith.constant 16 : index
    %get3A_823 = tpu.vector_load %arg12[%get3A_822] {strides = array<i32>} : memref<208xf32, #tpu.memory_space<vmem>>, vector<16xf32>,
    %jit3A_824 = arith.constant 0.000000e+00 : f32
    %broadcast_in_dim3A_825 = vector.broadcast %jit3A_824 : f32 to vector<16xf32>
    %select_n3A_826 = arith.select %gt3A_807, %get3A_823, %broadcast_in_dim3A_825 : vector<16xi1>, vector<16xf32>
    %swap3A_827 = arith.constant 432 : index
    %swap3A_828 = tpu.vector_load %arg19[%swap3A_827] {strides = array<i32>} : memref<624xf32, #tpu.memory_space<vmem>>, vector<16xf32>,
    tpu.vector_store %arg19[%swap3A_827], %select_n3A_826 {strides = array<i32>} : memref<624xf32, #tpu.memory_space<vmem>>, vector<16xf32>,
    %get3A_829 = arith.constant 32 : index
    %get3A_830 = tpu.vector_load %arg18[%get3A_829] {strides = array<i32>} : memref<208xf32, #tpu.memory_space<vmem>>, vector<16xf32>,
    %gt3A_831 = arith.constant 0.000000e+00 : f32
    %gt3A_832 = vector.broadcast %gt3A_831 : f32 to vector<16xf32>
    %gt3A_833 = arith.cmpf ogt, %get3A_830, %gt3A_832 : vector<16xf32>
    %get3A_834 = arith.constant 32 : index
    %get3A_835 = tpu.vector_load %arg14[%get3A_834] {strides = array<i32>} : memref<208xf32, #tpu.memory_space<vmem>>, vector<16xf32>,
    %jit3A_836 = arith.constant 0.000000e+00 : f32
    %broadcast_in_dim3A_837 = vector.broadcast %jit3A_836 : f32 to vector<16xf32>
    %select_n3A_838 = arith.select %gt3A_833, %get3A_835, %broadcast_in_dim3A_837 : vector<16xi1>, vector<16xf32>
    %swap3A_839 = arith.constant 32 : index
    %swap3A_840 = tpu.vector_load %arg19[%swap3A_839] {strides = array<i32>} : memref<624xf32, #tpu.memory_space<vmem>>, vector<16xf32>,
    tpu.vector_store %arg19[%swap3A_839], %select_n3A_838 {strides = array<i32>} : memref<624xf32, #tpu.memory_space<vmem>>, vector<16xf32>,
    %get3A_841 = arith.constant 32 : index
    %get3A_842 = tpu.vector_load %arg15[%get3A_841] {strides = array<i32>} : memref<208xf32, #tpu.memory_space<vmem>>, vector<16xf32>,
    %jit3A_843 = arith.constant 0.000000e+00 : f32
    %broadcast_in_dim3A_844 = vector.broadcast %jit3A_843 : f32 to vector<16xf32>
    %select_n3A_845 = arith.select %gt3A_833, %get3A_842, %broadcast_in_dim3A_844 : vector<16xi1>, vector<16xf32>
    %swap3A_846 = arith.constant 240 : index
    %swap3A_847 = tpu.vector_load %arg19[%swap3A_846] {strides = array<i32>} : memref<624xf32, #tpu.memory_space<vmem>>, vector<16xf32>,
    tpu.vector_store %arg19[%swap3A_846], %select_n3A_845 {strides = array<i32>} : memref<624xf32, #tpu.memory_space<vmem>>, vector<16xf32>,
    %get3A_848 = arith.constant 32 : index
    %get3A_849 = tpu.vector_load %arg12[%get3A_848] {strides = array<i32>} : memref<208xf32, #tpu.memory_space<vmem>>, vector<16xf32>,
    %jit3A_850 = arith.constant 0.000000e+00 : f32
    %broadcast_in_dim3A_851 = vector.broadcast %jit3A_850 : f32 to vector<16xf32>
    %select_n3A_852 = arith.select %gt3A_833, %get3A_849, %broadcast_in_dim3A_851 : vector<16xi1>, vector<16xf32>
    %swap3A_853 = arith.constant 448 : index
    %swap3A_854 = tpu.vector_load %arg19[%swap3A_853] {strides = array<i32>} : memref<624xf32, #tpu.memory_space<vmem>>, vector<16xf32>,
    tpu.vector_store %arg19[%swap3A_853], %select_n3A_852 {strides = array<i32>} : memref<624xf32, #tpu.memory_space<vmem>>, vector<16xf32>,
    %get3A_855 = arith.constant 48 : index
    %get3A_856 = tpu.vector_load %arg18[%get3A_855] {strides = array<i32>} : memref<208xf32, #tpu.memory_space<vmem>>, vector<16xf32>,
    %gt3A_857 = arith.constant 0.000000e+00 : f32
    %gt3A_858 = vector.broadcast %gt3A_857 : f32 to vector<16xf32>
    %gt3A_859 = arith.cmpf ogt, %get3A_856, %gt3A_858 : vector<16xf32>
    %get3A_860 = arith.constant 48 : index
    %get3A_861 = tpu.vector_load %arg14[%get3A_860] {strides = array<i32>} : memref<208xf32, #tpu.memory_space<vmem>>, vector<16xf32>,
    %jit3A_862 = arith.constant 0.000000e+00 : f32
    %broadcast_in_dim3A_863 = vector.broadcast %jit3A_862 : f32 to vector<16xf32>
    %select_n3A_864 = arith.select %gt3A_859, %get3A_861, %broadcast_in_dim3A_863 : vector<16xi1>, vector<16xf32>
    %swap3A_865 = arith.constant 48 : index
    %swap3A_866 = tpu.vector_load %arg19[%swap3A_865] {strides = array<i32>} : memref<624xf32, #tpu.memory_space<vmem>>, vector<16xf32>,
    tpu.vector_store %arg19[%swap3A_865], %select_n3A_864 {strides = array<i32>} : memref<624xf32, #tpu.memory_space<vmem>>, vector<16xf32>,
    %get3A_867 = arith.constant 48 : index
    %get3A_868 = tpu.vector_load %arg15[%get3A_867] {strides = array<i32>} : memref<208xf32, #tpu.memory_space<vmem>>, vector<16xf32>,
    %jit3A_869 = arith.constant 0.000000e+00 : f32
    %broadcast_in_dim3A_870 = vector.broadcast %jit3A_869 : f32 to vector<16xf32>
    %select_n3A_871 = arith.select %gt3A_859, %get3A_868, %broadcast_in_dim3A_870 : vector<16xi1>, vector<16xf32>
    %swap3A_872 = arith.constant 256 : index
    %swap3A_873 = tpu.vector_load %arg19[%swap3A_872] {strides = array<i32>} : memref<624xf32, #tpu.memory_space<vmem>>, vector<16xf32>,
    tpu.vector_store %arg19[%swap3A_872], %select_n3A_871 {strides = array<i32>} : memref<624xf32, #tpu.memory_space<vmem>>, vector<16xf32>,
    %get3A_874 = arith.constant 48 : index
    %get3A_875 = tpu.vector_load %arg12[%get3A_874] {strides = array<i32>} : memref<208xf32, #tpu.memory_space<vmem>>, vector<16xf32>,
    %jit3A_876 = arith.constant 0.000000e+00 : f32
    %broadcast_in_dim3A_877 = vector.broadcast %jit3A_876 : f32 to vector<16xf32>
    %select_n3A_878 = arith.select %gt3A_859, %get3A_875, %broadcast_in_dim3A_877 : vector<16xi1>, vector<16xf32>
    %swap3A_879 = arith.constant 464 : index
    %swap3A_880 = tpu.vector_load %arg19[%swap3A_879] {strides = array<i32>} : memref<624xf32, #tpu.memory_space<vmem>>, vector<16xf32>,
    tpu.vector_store %arg19[%swap3A_879], %select_n3A_878 {strides = array<i32>} : memref<624xf32, #tpu.memory_space<vmem>>, vector<16xf32>,
    %get3A_881 = arith.constant 64 : index
    %get3A_882 = tpu.vector_load %arg18[%get3A_881] {strides = array<i32>} : memref<208xf32, #tpu.memory_space<vmem>>, vector<16xf32>,
    %gt3A_883 = arith.constant 0.000000e+00 : f32
    %gt3A_884 = vector.broadcast %gt3A_883 : f32 to vector<16xf32>
    %gt3A_885 = arith.cmpf ogt, %get3A_882, %gt3A_884 : vector<16xf32>
    %get3A_886 = arith.constant 64 : index
    %get3A_887 = tpu.vector_load %arg14[%get3A_886] {strides = array<i32>} : memref<208xf32, #tpu.memory_space<vmem>>, vector<16xf32>,
    %jit3A_888 = arith.constant 0.000000e+00 : f32
    %broadcast_in_dim3A_889 = vector.broadcast %jit3A_888 : f32 to vector<16xf32>
    %select_n3A_890 = arith.select %gt3A_885, %get3A_887, %broadcast_in_dim3A_889 : vector<16xi1>, vector<16xf32>
    %swap3A_891 = arith.constant 64 : index
    %swap3A_892 = tpu.vector_load %arg19[%swap3A_891] {strides = array<i32>} : memref<624xf32, #tpu.memory_space<vmem>>, vector<16xf32>,
    tpu.vector_store %arg19[%swap3A_891], %select_n3A_890 {strides = array<i32>} : memref<624xf32, #tpu.memory_space<vmem>>, vector<16xf32>,
    %get3A_893 = arith.constant 64 : index
    %get3A_894 = tpu.vector_load %arg15[%get3A_893] {strides = array<i32>} : memref<208xf32, #tpu.memory_space<vmem>>, vector<16xf32>,
    %jit3A_895 = arith.constant 0.000000e+00 : f32
    %broadcast_in_dim3A_896 = vector.broadcast %jit3A_895 : f32 to vector<16xf32>
    %select_n3A_897 = arith.select %gt3A_885, %get3A_894, %broadcast_in_dim3A_896 : vector<16xi1>, vector<16xf32>
    %swap3A_898 = arith.constant 272 : index
    %swap3A_899 = tpu.vector_load %arg19[%swap3A_898] {strides = array<i32>} : memref<624xf32, #tpu.memory_space<vmem>>, vector<16xf32>,
    tpu.vector_store %arg19[%swap3A_898], %select_n3A_897 {strides = array<i32>} : memref<624xf32, #tpu.memory_space<vmem>>, vector<16xf32>,
    %get3A_900 = arith.constant 64 : index
    %get3A_901 = tpu.vector_load %arg12[%get3A_900] {strides = array<i32>} : memref<208xf32, #tpu.memory_space<vmem>>, vector<16xf32>,
    %jit3A_902 = arith.constant 0.000000e+00 : f32
    %broadcast_in_dim3A_903 = vector.broadcast %jit3A_902 : f32 to vector<16xf32>
    %select_n3A_904 = arith.select %gt3A_885, %get3A_901, %broadcast_in_dim3A_903 : vector<16xi1>, vector<16xf32>
    %swap3A_905 = arith.constant 480 : index
    %swap3A_906 = tpu.vector_load %arg19[%swap3A_905] {strides = array<i32>} : memref<624xf32, #tpu.memory_space<vmem>>, vector<16xf32>,
    tpu.vector_store %arg19[%swap3A_905], %select_n3A_904 {strides = array<i32>} : memref<624xf32, #tpu.memory_space<vmem>>, vector<16xf32>,
    %get3A_907 = arith.constant 80 : index
    %get3A_908 = tpu.vector_load %arg18[%get3A_907] {strides = array<i32>} : memref<208xf32, #tpu.memory_space<vmem>>, vector<16xf32>,
    %gt3A_909 = arith.constant 0.000000e+00 : f32
    %gt3A_910 = vector.broadcast %gt3A_909 : f32 to vector<16xf32>
    %gt3A_911 = arith.cmpf ogt, %get3A_908, %gt3A_910 : vector<16xf32>
    %get3A_912 = arith.constant 80 : index
    %get3A_913 = tpu.vector_load %arg14[%get3A_912] {strides = array<i32>} : memref<208xf32, #tpu.memory_space<vmem>>, vector<16xf32>,
    %jit3A_914 = arith.constant 0.000000e+00 : f32
    %broadcast_in_dim3A_915 = vector.broadcast %jit3A_914 : f32 to vector<16xf32>
    %select_n3A_916 = arith.select %gt3A_911, %get3A_913, %broadcast_in_dim3A_915 : vector<16xi1>, vector<16xf32>
    %swap3A_917 = arith.constant 80 : index
    %swap3A_918 = tpu.vector_load %arg19[%swap3A_917] {strides = array<i32>} : memref<624xf32, #tpu.memory_space<vmem>>, vector<16xf32>,
    tpu.vector_store %arg19[%swap3A_917], %select_n3A_916 {strides = array<i32>} : memref<624xf32, #tpu.memory_space<vmem>>, vector<16xf32>,
    %get3A_919 = arith.constant 80 : index
    %get3A_920 = tpu.vector_load %arg15[%get3A_919] {strides = array<i32>} : memref<208xf32, #tpu.memory_space<vmem>>, vector<16xf32>,
    %jit3A_921 = arith.constant 0.000000e+00 : f32
    %broadcast_in_dim3A_922 = vector.broadcast %jit3A_921 : f32 to vector<16xf32>
    %select_n3A_923 = arith.select %gt3A_911, %get3A_920, %broadcast_in_dim3A_922 : vector<16xi1>, vector<16xf32>
    %swap3A_924 = arith.constant 288 : index
    %swap3A_925 = tpu.vector_load %arg19[%swap3A_924] {strides = array<i32>} : memref<624xf32, #tpu.memory_space<vmem>>, vector<16xf32>,
    tpu.vector_store %arg19[%swap3A_924], %select_n3A_923 {strides = array<i32>} : memref<624xf32, #tpu.memory_space<vmem>>, vector<16xf32>,
    %get3A_926 = arith.constant 80 : index
    %get3A_927 = tpu.vector_load %arg12[%get3A_926] {strides = array<i32>} : memref<208xf32, #tpu.memory_space<vmem>>, vector<16xf32>,
    %jit3A_928 = arith.constant 0.000000e+00 : f32
    %broadcast_in_dim3A_929 = vector.broadcast %jit3A_928 : f32 to vector<16xf32>
    %select_n3A_930 = arith.select %gt3A_911, %get3A_927, %broadcast_in_dim3A_929 : vector<16xi1>, vector<16xf32>
    %swap3A_931 = arith.constant 496 : index
    %swap3A_932 = tpu.vector_load %arg19[%swap3A_931] {strides = array<i32>} : memref<624xf32, #tpu.memory_space<vmem>>, vector<16xf32>,
    tpu.vector_store %arg19[%swap3A_931], %select_n3A_930 {strides = array<i32>} : memref<624xf32, #tpu.memory_space<vmem>>, vector<16xf32>,
    %get3A_933 = arith.constant 96 : index
    %get3A_934 = tpu.vector_load %arg18[%get3A_933] {strides = array<i32>} : memref<208xf32, #tpu.memory_space<vmem>>, vector<16xf32>,
    %gt3A_935 = arith.constant 0.000000e+00 : f32
    %gt3A_936 = vector.broadcast %gt3A_935 : f32 to vector<16xf32>
    %gt3A_937 = arith.cmpf ogt, %get3A_934, %gt3A_936 : vector<16xf32>
    %get3A_938 = arith.constant 96 : index
    %get3A_939 = tpu.vector_load %arg14[%get3A_938] {strides = array<i32>} : memref<208xf32, #tpu.memory_space<vmem>>, vector<16xf32>,
    %jit3A_940 = arith.constant 0.000000e+00 : f32
    %broadcast_in_dim3A_941 = vector.broadcast %jit3A_940 : f32 to vector<16xf32>
    %select_n3A_942 = arith.select %gt3A_937, %get3A_939, %broadcast_in_dim3A_941 : vector<16xi1>, vector<16xf32>
    %swap3A_943 = arith.constant 96 : index
    %swap3A_944 = tpu.vector_load %arg19[%swap3A_943] {strides = array<i32>} : memref<624xf32, #tpu.memory_space<vmem>>, vector<16xf32>,
    tpu.vector_store %arg19[%swap3A_943], %select_n3A_942 {strides = array<i32>} : memref<624xf32, #tpu.memory_space<vmem>>, vector<16xf32>,
    %get3A_945 = arith.constant 96 : index
    %get3A_946 = tpu.vector_load %arg15[%get3A_945] {strides = array<i32>} : memref<208xf32, #tpu.memory_space<vmem>>, vector<16xf32>,
    %jit3A_947 = arith.constant 0.000000e+00 : f32
    %broadcast_in_dim3A_948 = vector.broadcast %jit3A_947 : f32 to vector<16xf32>
    %select_n3A_949 = arith.select %gt3A_937, %get3A_946, %broadcast_in_dim3A_948 : vector<16xi1>, vector<16xf32>
    %swap3A_950 = arith.constant 304 : index
    %swap3A_951 = tpu.vector_load %arg19[%swap3A_950] {strides = array<i32>} : memref<624xf32, #tpu.memory_space<vmem>>, vector<16xf32>,
    tpu.vector_store %arg19[%swap3A_950], %select_n3A_949 {strides = array<i32>} : memref<624xf32, #tpu.memory_space<vmem>>, vector<16xf32>,
    %get3A_952 = arith.constant 96 : index
    %get3A_953 = tpu.vector_load %arg12[%get3A_952] {strides = array<i32>} : memref<208xf32, #tpu.memory_space<vmem>>, vector<16xf32>,
    %jit3A_954 = arith.constant 0.000000e+00 : f32
    %broadcast_in_dim3A_955 = vector.broadcast %jit3A_954 : f32 to vector<16xf32>
    %select_n3A_956 = arith.select %gt3A_937, %get3A_953, %broadcast_in_dim3A_955 : vector<16xi1>, vector<16xf32>
    %swap3A_957 = arith.constant 512 : index
    %swap3A_958 = tpu.vector_load %arg19[%swap3A_957] {strides = array<i32>} : memref<624xf32, #tpu.memory_space<vmem>>, vector<16xf32>,
    tpu.vector_store %arg19[%swap3A_957], %select_n3A_956 {strides = array<i32>} : memref<624xf32, #tpu.memory_space<vmem>>, vector<16xf32>,
    %get3A_959 = arith.constant 112 : index
    %get3A_960 = tpu.vector_load %arg18[%get3A_959] {strides = array<i32>} : memref<208xf32, #tpu.memory_space<vmem>>, vector<16xf32>,
    %gt3A_961 = arith.constant 0.000000e+00 : f32
    %gt3A_962 = vector.broadcast %gt3A_961 : f32 to vector<16xf32>
    %gt3A_963 = arith.cmpf ogt, %get3A_960, %gt3A_962 : vector<16xf32>
    %get3A_964 = arith.constant 112 : index
    %get3A_965 = tpu.vector_load %arg14[%get3A_964] {strides = array<i32>} : memref<208xf32, #tpu.memory_space<vmem>>, vector<16xf32>,
    %jit3A_966 = arith.constant 0.000000e+00 : f32
    %broadcast_in_dim3A_967 = vector.broadcast %jit3A_966 : f32 to vector<16xf32>
    %select_n3A_968 = arith.select %gt3A_963, %get3A_965, %broadcast_in_dim3A_967 : vector<16xi1>, vector<16xf32>
    %swap3A_969 = arith.constant 112 : index
    %swap3A_970 = tpu.vector_load %arg19[%swap3A_969] {strides = array<i32>} : memref<624xf32, #tpu.memory_space<vmem>>, vector<16xf32>,
    tpu.vector_store %arg19[%swap3A_969], %select_n3A_968 {strides = array<i32>} : memref<624xf32, #tpu.memory_space<vmem>>, vector<16xf32>,
    %get3A_971 = arith.constant 112 : index
    %get3A_972 = tpu.vector_load %arg15[%get3A_971] {strides = array<i32>} : memref<208xf32, #tpu.memory_space<vmem>>, vector<16xf32>,
    %jit3A_973 = arith.constant 0.000000e+00 : f32
    %broadcast_in_dim3A_974 = vector.broadcast %jit3A_973 : f32 to vector<16xf32>
    %select_n3A_975 = arith.select %gt3A_963, %get3A_972, %broadcast_in_dim3A_974 : vector<16xi1>, vector<16xf32>
    %swap3A_976 = arith.constant 320 : index
    %swap3A_977 = tpu.vector_load %arg19[%swap3A_976] {strides = array<i32>} : memref<624xf32, #tpu.memory_space<vmem>>, vector<16xf32>,
    tpu.vector_store %arg19[%swap3A_976], %select_n3A_975 {strides = array<i32>} : memref<624xf32, #tpu.memory_space<vmem>>, vector<16xf32>,
    %get3A_978 = arith.constant 112 : index
    %get3A_979 = tpu.vector_load %arg12[%get3A_978] {strides = array<i32>} : memref<208xf32, #tpu.memory_space<vmem>>, vector<16xf32>,
    %jit3A_980 = arith.constant 0.000000e+00 : f32
    %broadcast_in_dim3A_981 = vector.broadcast %jit3A_980 : f32 to vector<16xf32>
    %select_n3A_982 = arith.select %gt3A_963, %get3A_979, %broadcast_in_dim3A_981 : vector<16xi1>, vector<16xf32>
    %swap3A_983 = arith.constant 528 : index
    %swap3A_984 = tpu.vector_load %arg19[%swap3A_983] {strides = array<i32>} : memref<624xf32, #tpu.memory_space<vmem>>, vector<16xf32>,
    tpu.vector_store %arg19[%swap3A_983], %select_n3A_982 {strides = array<i32>} : memref<624xf32, #tpu.memory_space<vmem>>, vector<16xf32>,
    %get3A_985 = arith.constant 128 : index
    %get3A_986 = tpu.vector_load %arg18[%get3A_985] {strides = array<i32>} : memref<208xf32, #tpu.memory_space<vmem>>, vector<16xf32>,
    %gt3A_987 = arith.constant 0.000000e+00 : f32
    %gt3A_988 = vector.broadcast %gt3A_987 : f32 to vector<16xf32>
    %gt3A_989 = arith.cmpf ogt, %get3A_986, %gt3A_988 : vector<16xf32>
    %get3A_990 = arith.constant 128 : index
    %get3A_991 = tpu.vector_load %arg14[%get3A_990] {strides = array<i32>} : memref<208xf32, #tpu.memory_space<vmem>>, vector<16xf32>,
    %jit3A_992 = arith.constant 0.000000e+00 : f32
    %broadcast_in_dim3A_993 = vector.broadcast %jit3A_992 : f32 to vector<16xf32>
    %select_n3A_994 = arith.select %gt3A_989, %get3A_991, %broadcast_in_dim3A_993 : vector<16xi1>, vector<16xf32>
    %swap3A_995 = arith.constant 128 : index
    %swap3A_996 = tpu.vector_load %arg19[%swap3A_995] {strides = array<i32>} : memref<624xf32, #tpu.memory_space<vmem>>, vector<16xf32>,
    tpu.vector_store %arg19[%swap3A_995], %select_n3A_994 {strides = array<i32>} : memref<624xf32, #tpu.memory_space<vmem>>, vector<16xf32>,
    %get3A_997 = arith.constant 128 : index
    %get3A_998 = tpu.vector_load %arg15[%get3A_997] {strides = array<i32>} : memref<208xf32, #tpu.memory_space<vmem>>, vector<16xf32>,
    %jit3A_999 = arith.constant 0.000000e+00 : f32
    %broadcast_in_dim3A_1000 = vector.broadcast %jit3A_999 : f32 to vector<16xf32>
    %select_n3A_1001 = arith.select %gt3A_989, %get3A_998, %broadcast_in_dim3A_1000 : vector<16xi1>, vector<16xf32>
    %swap3A_1002 = arith.constant 336 : index
    %swap3A_1003 = tpu.vector_load %arg19[%swap3A_1002] {strides = array<i32>} : memref<624xf32, #tpu.memory_space<vmem>>, vector<16xf32>,
    tpu.vector_store %arg19[%swap3A_1002], %select_n3A_1001 {strides = array<i32>} : memref<624xf32, #tpu.memory_space<vmem>>, vector<16xf32>,
    %get3A_1004 = arith.constant 128 : index
    %get3A_1005 = tpu.vector_load %arg12[%get3A_1004] {strides = array<i32>} : memref<208xf32, #tpu.memory_space<vmem>>, vector<16xf32>,
    %jit3A_1006 = arith.constant 0.000000e+00 : f32
    %broadcast_in_dim3A_1007 = vector.broadcast %jit3A_1006 : f32 to vector<16xf32>
    %select_n3A_1008 = arith.select %gt3A_989, %get3A_1005, %broadcast_in_dim3A_1007 : vector<16xi1>, vector<16xf32>
    %swap3A_1009 = arith.constant 544 : index
    %swap3A_1010 = tpu.vector_load %arg19[%swap3A_1009] {strides = array<i32>} : memref<624xf32, #tpu.memory_space<vmem>>, vector<16xf32>,
    tpu.vector_store %arg19[%swap3A_1009], %select_n3A_1008 {strides = array<i32>} : memref<624xf32, #tpu.memory_space<vmem>>, vector<16xf32>,
    %get3A_1011 = arith.constant 144 : index
    %get3A_1012 = tpu.vector_load %arg18[%get3A_1011] {strides = array<i32>} : memref<208xf32, #tpu.memory_space<vmem>>, vector<16xf32>,
    %gt3A_1013 = arith.constant 0.000000e+00 : f32
    %gt3A_1014 = vector.broadcast %gt3A_1013 : f32 to vector<16xf32>
    %gt3A_1015 = arith.cmpf ogt, %get3A_1012, %gt3A_1014 : vector<16xf32>
    %get3A_1016 = arith.constant 144 : index
    %get3A_1017 = tpu.vector_load %arg14[%get3A_1016] {strides = array<i32>} : memref<208xf32, #tpu.memory_space<vmem>>, vector<16xf32>,
    %jit3A_1018 = arith.constant 0.000000e+00 : f32
    %broadcast_in_dim3A_1019 = vector.broadcast %jit3A_1018 : f32 to vector<16xf32>
    %select_n3A_1020 = arith.select %gt3A_1015, %get3A_1017, %broadcast_in_dim3A_1019 : vector<16xi1>, vector<16xf32>
    %swap3A_1021 = arith.constant 144 : index
    %swap3A_1022 = tpu.vector_load %arg19[%swap3A_1021] {strides = array<i32>} : memref<624xf32, #tpu.memory_space<vmem>>, vector<16xf32>,
    tpu.vector_store %arg19[%swap3A_1021], %select_n3A_1020 {strides = array<i32>} : memref<624xf32, #tpu.memory_space<vmem>>, vector<16xf32>,
    %get3A_1023 = arith.constant 144 : index
    %get3A_1024 = tpu.vector_load %arg15[%get3A_1023] {strides = array<i32>} : memref<208xf32, #tpu.memory_space<vmem>>, vector<16xf32>,
    %jit3A_1025 = arith.constant 0.000000e+00 : f32
    %broadcast_in_dim3A_1026 = vector.broadcast %jit3A_1025 : f32 to vector<16xf32>
    %select_n3A_1027 = arith.select %gt3A_1015, %get3A_1024, %broadcast_in_dim3A_1026 : vector<16xi1>, vector<16xf32>
    %swap3A_1028 = arith.constant 352 : index
    %swap3A_1029 = tpu.vector_load %arg19[%swap3A_1028] {strides = array<i32>} : memref<624xf32, #tpu.memory_space<vmem>>, vector<16xf32>,
    tpu.vector_store %arg19[%swap3A_1028], %select_n3A_1027 {strides = array<i32>} : memref<624xf32, #tpu.memory_space<vmem>>, vector<16xf32>,
    %get3A_1030 = arith.constant 144 : index
    %get3A_1031 = tpu.vector_load %arg12[%get3A_1030] {strides = array<i32>} : memref<208xf32, #tpu.memory_space<vmem>>, vector<16xf32>,
    %jit3A_1032 = arith.constant 0.000000e+00 : f32
    %broadcast_in_dim3A_1033 = vector.broadcast %jit3A_1032 : f32 to vector<16xf32>
    %select_n3A_1034 = arith.select %gt3A_1015, %get3A_1031, %broadcast_in_dim3A_1033 : vector<16xi1>, vector<16xf32>
    %swap3A_1035 = arith.constant 560 : index
    %swap3A_1036 = tpu.vector_load %arg19[%swap3A_1035] {strides = array<i32>} : memref<624xf32, #tpu.memory_space<vmem>>, vector<16xf32>,
    tpu.vector_store %arg19[%swap3A_1035], %select_n3A_1034 {strides = array<i32>} : memref<624xf32, #tpu.memory_space<vmem>>, vector<16xf32>,
    %get3A_1037 = arith.constant 160 : index
    %get3A_1038 = tpu.vector_load %arg18[%get3A_1037] {strides = array<i32>} : memref<208xf32, #tpu.memory_space<vmem>>, vector<16xf32>,
    %gt3A_1039 = arith.constant 0.000000e+00 : f32
    %gt3A_1040 = vector.broadcast %gt3A_1039 : f32 to vector<16xf32>
    %gt3A_1041 = arith.cmpf ogt, %get3A_1038, %gt3A_1040 : vector<16xf32>
    %get3A_1042 = arith.constant 160 : index
    %get3A_1043 = tpu.vector_load %arg14[%get3A_1042] {strides = array<i32>} : memref<208xf32, #tpu.memory_space<vmem>>, vector<16xf32>,
    %jit3A_1044 = arith.constant 0.000000e+00 : f32
    %broadcast_in_dim3A_1045 = vector.broadcast %jit3A_1044 : f32 to vector<16xf32>
    %select_n3A_1046 = arith.select %gt3A_1041, %get3A_1043, %broadcast_in_dim3A_1045 : vector<16xi1>, vector<16xf32>
    %swap3A_1047 = arith.constant 160 : index
    %swap3A_1048 = tpu.vector_load %arg19[%swap3A_1047] {strides = array<i32>} : memref<624xf32, #tpu.memory_space<vmem>>, vector<16xf32>,
    tpu.vector_store %arg19[%swap3A_1047], %select_n3A_1046 {strides = array<i32>} : memref<624xf32, #tpu.memory_space<vmem>>, vector<16xf32>,
    %get3A_1049 = arith.constant 160 : index
    %get3A_1050 = tpu.vector_load %arg15[%get3A_1049] {strides = array<i32>} : memref<208xf32, #tpu.memory_space<vmem>>, vector<16xf32>,
    %jit3A_1051 = arith.constant 0.000000e+00 : f32
    %broadcast_in_dim3A_1052 = vector.broadcast %jit3A_1051 : f32 to vector<16xf32>
    %select_n3A_1053 = arith.select %gt3A_1041, %get3A_1050, %broadcast_in_dim3A_1052 : vector<16xi1>, vector<16xf32>
    %swap3A_1054 = arith.constant 368 : index
    %swap3A_1055 = tpu.vector_load %arg19[%swap3A_1054] {strides = array<i32>} : memref<624xf32, #tpu.memory_space<vmem>>, vector<16xf32>,
    tpu.vector_store %arg19[%swap3A_1054], %select_n3A_1053 {strides = array<i32>} : memref<624xf32, #tpu.memory_space<vmem>>, vector<16xf32>,
    %get3A_1056 = arith.constant 160 : index
    %get3A_1057 = tpu.vector_load %arg12[%get3A_1056] {strides = array<i32>} : memref<208xf32, #tpu.memory_space<vmem>>, vector<16xf32>,
    %jit3A_1058 = arith.constant 0.000000e+00 : f32
    %broadcast_in_dim3A_1059 = vector.broadcast %jit3A_1058 : f32 to vector<16xf32>
    %select_n3A_1060 = arith.select %gt3A_1041, %get3A_1057, %broadcast_in_dim3A_1059 : vector<16xi1>, vector<16xf32>
    %swap3A_1061 = arith.constant 576 : index
    %swap3A_1062 = tpu.vector_load %arg19[%swap3A_1061] {strides = array<i32>} : memref<624xf32, #tpu.memory_space<vmem>>, vector<16xf32>,
    tpu.vector_store %arg19[%swap3A_1061], %select_n3A_1060 {strides = array<i32>} : memref<624xf32, #tpu.memory_space<vmem>>, vector<16xf32>,
    %get3A_1063 = arith.constant 176 : index
    %get3A_1064 = tpu.vector_load %arg18[%get3A_1063] {strides = array<i32>} : memref<208xf32, #tpu.memory_space<vmem>>, vector<16xf32>,
    %gt3A_1065 = arith.constant 0.000000e+00 : f32
    %gt3A_1066 = vector.broadcast %gt3A_1065 : f32 to vector<16xf32>
    %gt3A_1067 = arith.cmpf ogt, %get3A_1064, %gt3A_1066 : vector<16xf32>
    %get3A_1068 = arith.constant 176 : index
    %get3A_1069 = tpu.vector_load %arg14[%get3A_1068] {strides = array<i32>} : memref<208xf32, #tpu.memory_space<vmem>>, vector<16xf32>,
    %jit3A_1070 = arith.constant 0.000000e+00 : f32
    %broadcast_in_dim3A_1071 = vector.broadcast %jit3A_1070 : f32 to vector<16xf32>
    %select_n3A_1072 = arith.select %gt3A_1067, %get3A_1069, %broadcast_in_dim3A_1071 : vector<16xi1>, vector<16xf32>
    %swap3A_1073 = arith.constant 176 : index
    %swap3A_1074 = tpu.vector_load %arg19[%swap3A_1073] {strides = array<i32>} : memref<624xf32, #tpu.memory_space<vmem>>, vector<16xf32>,
    tpu.vector_store %arg19[%swap3A_1073], %select_n3A_1072 {strides = array<i32>} : memref<624xf32, #tpu.memory_space<vmem>>, vector<16xf32>,
    %get3A_1075 = arith.constant 176 : index
    %get3A_1076 = tpu.vector_load %arg15[%get3A_1075] {strides = array<i32>} : memref<208xf32, #tpu.memory_space<vmem>>, vector<16xf32>,
    %jit3A_1077 = arith.constant 0.000000e+00 : f32
    %broadcast_in_dim3A_1078 = vector.broadcast %jit3A_1077 : f32 to vector<16xf32>
    %select_n3A_1079 = arith.select %gt3A_1067, %get3A_1076, %broadcast_in_dim3A_1078 : vector<16xi1>, vector<16xf32>
    %swap3A_1080 = arith.constant 384 : index
    %swap3A_1081 = tpu.vector_load %arg19[%swap3A_1080] {strides = array<i32>} : memref<624xf32, #tpu.memory_space<vmem>>, vector<16xf32>,
    tpu.vector_store %arg19[%swap3A_1080], %select_n3A_1079 {strides = array<i32>} : memref<624xf32, #tpu.memory_space<vmem>>, vector<16xf32>,
    %get3A_1082 = arith.constant 176 : index
    %get3A_1083 = tpu.vector_load %arg12[%get3A_1082] {strides = array<i32>} : memref<208xf32, #tpu.memory_space<vmem>>, vector<16xf32>,
    %jit3A_1084 = arith.constant 0.000000e+00 : f32
    %broadcast_in_dim3A_1085 = vector.broadcast %jit3A_1084 : f32 to vector<16xf32>
    %select_n3A_1086 = arith.select %gt3A_1067, %get3A_1083, %broadcast_in_dim3A_1085 : vector<16xi1>, vector<16xf32>
    %swap3A_1087 = arith.constant 592 : index
    %swap3A_1088 = tpu.vector_load %arg19[%swap3A_1087] {strides = array<i32>} : memref<624xf32, #tpu.memory_space<vmem>>, vector<16xf32>,
    tpu.vector_store %arg19[%swap3A_1087], %select_n3A_1086 {strides = array<i32>} : memref<624xf32, #tpu.memory_space<vmem>>, vector<16xf32>,
    %get3A_1089 = arith.constant 192 : index
    %get3A_1090 = tpu.vector_load %arg18[%get3A_1089] {strides = array<i32>} : memref<208xf32, #tpu.memory_space<vmem>>, vector<16xf32>,
    %gt3A_1091 = arith.constant 0.000000e+00 : f32
    %gt3A_1092 = vector.broadcast %gt3A_1091 : f32 to vector<16xf32>
    %gt3A_1093 = arith.cmpf ogt, %get3A_1090, %gt3A_1092 : vector<16xf32>
    %get3A_1094 = arith.constant 192 : index
    %get3A_1095 = tpu.vector_load %arg14[%get3A_1094] {strides = array<i32>} : memref<208xf32, #tpu.memory_space<vmem>>, vector<16xf32>,
    %jit3A_1096 = arith.constant 0.000000e+00 : f32
    %broadcast_in_dim3A_1097 = vector.broadcast %jit3A_1096 : f32 to vector<16xf32>
    %select_n3A_1098 = arith.select %gt3A_1093, %get3A_1095, %broadcast_in_dim3A_1097 : vector<16xi1>, vector<16xf32>
    %swap3A_1099 = arith.constant 192 : index
    %swap3A_1100 = tpu.vector_load %arg19[%swap3A_1099] {strides = array<i32>} : memref<624xf32, #tpu.memory_space<vmem>>, vector<16xf32>,
    tpu.vector_store %arg19[%swap3A_1099], %select_n3A_1098 {strides = array<i32>} : memref<624xf32, #tpu.memory_space<vmem>>, vector<16xf32>,
    %get3A_1101 = arith.constant 192 : index
    %get3A_1102 = tpu.vector_load %arg15[%get3A_1101] {strides = array<i32>} : memref<208xf32, #tpu.memory_space<vmem>>, vector<16xf32>,
    %jit3A_1103 = arith.constant 0.000000e+00 : f32
    %broadcast_in_dim3A_1104 = vector.broadcast %jit3A_1103 : f32 to vector<16xf32>
    %select_n3A_1105 = arith.select %gt3A_1093, %get3A_1102, %broadcast_in_dim3A_1104 : vector<16xi1>, vector<16xf32>
    %swap3A_1106 = arith.constant 400 : index
    %swap3A_1107 = tpu.vector_load %arg19[%swap3A_1106] {strides = array<i32>} : memref<624xf32, #tpu.memory_space<vmem>>, vector<16xf32>,
    tpu.vector_store %arg19[%swap3A_1106], %select_n3A_1105 {strides = array<i32>} : memref<624xf32, #tpu.memory_space<vmem>>, vector<16xf32>,
    %get3A_1108 = arith.constant 192 : index
    %get3A_1109 = tpu.vector_load %arg12[%get3A_1108] {strides = array<i32>} : memref<208xf32, #tpu.memory_space<vmem>>, vector<16xf32>,
    %jit3A_1110 = arith.constant 0.000000e+00 : f32
    %broadcast_in_dim3A_1111 = vector.broadcast %jit3A_1110 : f32 to vector<16xf32>
    %select_n3A_1112 = arith.select %gt3A_1093, %get3A_1109, %broadcast_in_dim3A_1111 : vector<16xi1>, vector<16xf32>
    %swap3A_1113 = arith.constant 608 : index
    %swap3A_1114 = tpu.vector_load %arg19[%swap3A_1113] {strides = array<i32>} : memref<624xf32, #tpu.memory_space<vmem>>, vector<16xf32>,
    tpu.vector_store %arg19[%swap3A_1113], %select_n3A_1112 {strides = array<i32>} : memref<624xf32, #tpu.memory_space<vmem>>, vector<16xf32>,
    "tpu.region"() ({
      %run_scoped3A = tpu.sem_alloc : memref<!tpu.dma_semaphore, #tpu.memory_space<semaphore_mem>>
      %dma_start3A = arith.constant 0 : i32
      %dma_start3A_1115 = tpu.memref_slice %arg5[%add3A, %dma_start3A] : memref<32x624xf32, #tpu.memory_space<hbm>> -> memref<1x624xf32, #tpu.memory_space<hbm>>
      %dma_start3A_1116 = tpu.memref_squeeze %dma_start3A_1115 : memref<1x624xf32, #tpu.memory_space<hbm>> -> memref<624xf32, #tpu.memory_space<hbm>>
      %dma_start3A_1117 = arith.constant 0 : i32
      %dma_start3A_1118 = tpu.memref_slice %arg5[%add3A, %dma_start3A_1117] : memref<32x624xf32, #tpu.memory_space<hbm>> -> memref<1x624xf32, #tpu.memory_space<hbm>>
      %dma_start3A_1119 = tpu.memref_squeeze %dma_start3A_1118 : memref<1x624xf32, #tpu.memory_space<hbm>> -> memref<624xf32, #tpu.memory_space<hbm>>
      tpu.enqueue_dma source(%arg19 : memref<624xf32, #tpu.memory_space<vmem>>) target(%dma_start3A_1119 : memref<624xf32, #tpu.memory_space<hbm>>) target_semaphore(%run_scoped3A : memref<!tpu.dma_semaphore, #tpu.memory_space<semaphore_mem>>)
      %dma_wait3A = arith.constant 0 : i32
      %dma_wait3A_1120 = tpu.memref_slice %arg5[%add3A, %dma_wait3A] : memref<32x624xf32, #tpu.memory_space<hbm>> -> memref<1x624xf32, #tpu.memory_space<hbm>>
      %dma_wait3A_1121 = tpu.memref_squeeze %dma_wait3A_1120 : memref<1x624xf32, #tpu.memory_space<hbm>> -> memref<624xf32, #tpu.memory_space<hbm>>
      %dma_wait3A_1122 = arith.constant 0 : i32
      %dma_wait3A_1123 = tpu.memref_slice %arg5[%add3A, %dma_wait3A_1122] : memref<32x624xf32, #tpu.memory_space<hbm>> -> memref<1x624xf32, #tpu.memory_space<hbm>>
      %dma_wait3A_1124 = tpu.memref_squeeze %dma_wait3A_1123 : memref<1x624xf32, #tpu.memory_space<hbm>> -> memref<624xf32, #tpu.memory_space<hbm>>
      tpu.wait_dma2 semaphore(%run_scoped3A : memref<!tpu.dma_semaphore, #tpu.memory_space<semaphore_mem>>) src(%arg19 : memref<624xf32, #tpu.memory_space<vmem>>) dst(%dma_wait3A_1124 : memref<624xf32, #tpu.memory_space<hbm>>)
      tpu.yield
    }) : () -> ()
    return
  }
}

module attributes {stable_mosaic.version = 14 : i64} {
  func.func @_dense_body(%arg0: i32, %arg1: memref<1x3x20000xf32, #tpu.memory_space<vmem>>, %arg2: memref<1x2x20000xf32, #tpu.memory_space<vmem>>, %arg3: memref<2x20000xf32, #tpu.memory_space<vmem>>, %arg4: memref<1x2x20000xf32, #tpu.memory_space<vmem>>, %arg5: memref<1x1x20000xf32, #tpu.memory_space<vmem>>, %arg6: memref<1x1x20000xf32, #tpu.memory_space<vmem>>) attributes {dimension_semantics = [#tpu.dimension_semantics<arbitrary>], iteration_bounds = array<i64: 16>, scalar_prefetch = 0 : i64, scratch_operands = 0 : i64, tpu.core_type = #tpu.core_type<tc>, window_params = [{transform_indices = @transform_0, window_bounds = array<i64: 1, 3, 20000>}, {transform_indices = @transform_1, window_bounds = array<i64: 1, 2, 20000>}, {pipeline_mode = #tpu.pipeline_mode<synchronous>, transform_indices = @transform_2, window_bounds = array<i64: 2, 20000>}, {transform_indices = @transform_3, window_bounds = array<i64: 1, 2, 20000>}, {transform_indices = @transform_4, window_bounds = array<i64: 1, 1, 20000>}, {transform_indices = @transform_5, window_bounds = array<i64: 1, 1, 20000>}]} {
    %get3A = arith.constant 0 : index
    %get3A_0 = arith.constant 0 : index
    %get3A_1 = arith.constant 0 : index
    %get3A_2 = vector.load %arg1[%get3A, %get3A_0, %get3A_1] : memref<1x3x20000xf32, #tpu.memory_space<vmem>>, vector<1x1x20000xf32>
    %get3A_3 = vector.shape_cast %get3A_2 : vector<1x1x20000xf32> to vector<1x20000xf32>
    %get3A_4 = arith.constant 0 : index
    %get3A_5 = arith.constant 1 : index
    %get3A_6 = arith.constant 0 : index
    %get3A_7 = vector.load %arg1[%get3A_4, %get3A_5, %get3A_6] : memref<1x3x20000xf32, #tpu.memory_space<vmem>>, vector<1x1x20000xf32>
    %get3A_8 = vector.shape_cast %get3A_7 : vector<1x1x20000xf32> to vector<1x20000xf32>
    %get3A_9 = arith.constant 0 : index
    %get3A_10 = arith.constant 2 : index
    %get3A_11 = arith.constant 0 : index
    %get3A_12 = vector.load %arg1[%get3A_9, %get3A_10, %get3A_11] : memref<1x3x20000xf32, #tpu.memory_space<vmem>>, vector<1x1x20000xf32>
    %get3A_13 = vector.shape_cast %get3A_12 : vector<1x1x20000xf32> to vector<1x20000xf32>
    %max3A = arith.maximumf %get3A_8, %get3A_13 : vector<1x20000xf32>
    %max3A_14 = arith.maximumf %get3A_3, %max3A : vector<1x20000xf32>
    %sub3A = arith.subf %get3A_3, %max3A_14 : vector<1x20000xf32>
    %exp3A = math.exp %sub3A : vector<1x20000xf32>
    %sub3A_15 = arith.subf %get3A_8, %max3A_14 : vector<1x20000xf32>
    %exp3A_16 = math.exp %sub3A_15 : vector<1x20000xf32>
    %sub3A_17 = arith.subf %get3A_13, %max3A_14 : vector<1x20000xf32>
    %exp3A_18 = math.exp %sub3A_17 : vector<1x20000xf32>
    %add3A = arith.addf %exp3A, %exp3A_16 : vector<1x20000xf32>
    %add3A_19 = arith.addf %add3A, %exp3A_18 : vector<1x20000xf32>
    %div3A = arith.divf %exp3A_16, %add3A_19 : vector<1x20000xf32>
    %swap3A = arith.constant 0 : index
    %swap3A_20 = arith.constant 0 : index
    %swap3A_21 = arith.constant 0 : index
    %swap3A_22 = vector.load %arg4[%swap3A, %swap3A_20, %swap3A_21] : memref<1x2x20000xf32, #tpu.memory_space<vmem>>, vector<1x1x20000xf32>
    %swap3A_23 = vector.shape_cast %swap3A_22 : vector<1x1x20000xf32> to vector<1x20000xf32>
    %swap3A_24 = vector.shape_cast %div3A : vector<1x20000xf32> to vector<1x1x20000xf32>
    tpu.vector_store %arg4[%swap3A, %swap3A_20, %swap3A_21], %swap3A_24 {strides = array<i32>} : memref<1x2x20000xf32, #tpu.memory_space<vmem>>, vector<1x1x20000xf32>,
    %div3A_25 = arith.divf %exp3A_18, %add3A_19 : vector<1x20000xf32>
    %swap3A_26 = arith.constant 0 : index
    %swap3A_27 = arith.constant 1 : index
    %swap3A_28 = arith.constant 0 : index
    %swap3A_29 = vector.load %arg4[%swap3A_26, %swap3A_27, %swap3A_28] : memref<1x2x20000xf32, #tpu.memory_space<vmem>>, vector<1x1x20000xf32>
    %swap3A_30 = vector.shape_cast %swap3A_29 : vector<1x1x20000xf32> to vector<1x20000xf32>
    %swap3A_31 = vector.shape_cast %div3A_25 : vector<1x20000xf32> to vector<1x1x20000xf32>
    tpu.vector_store %arg4[%swap3A_26, %swap3A_27, %swap3A_28], %swap3A_31 {strides = array<i32>} : memref<1x2x20000xf32, #tpu.memory_space<vmem>>, vector<1x1x20000xf32>,
    %get3A_32 = arith.constant 0 : index
    %get3A_33 = arith.constant 0 : index
    %get3A_34 = arith.constant 0 : index
    %get3A_35 = vector.load %arg2[%get3A_32, %get3A_33, %get3A_34] : memref<1x2x20000xf32, #tpu.memory_space<vmem>>, vector<1x1x20000xf32>
    %get3A_36 = vector.shape_cast %get3A_35 : vector<1x1x20000xf32> to vector<1x20000xf32>
    %get3A_37 = arith.constant 0 : index
    %get3A_38 = arith.constant 1 : index
    %get3A_39 = arith.constant 0 : index
    %get3A_40 = vector.load %arg2[%get3A_37, %get3A_38, %get3A_39] : memref<1x2x20000xf32, #tpu.memory_space<vmem>>, vector<1x1x20000xf32>
    %get3A_41 = vector.shape_cast %get3A_40 : vector<1x1x20000xf32> to vector<1x20000xf32>
    %get3A_42 = arith.constant 0 : index
    %get3A_43 = arith.constant 0 : index
    %get3A_44 = vector.load %arg3[%get3A_42, %get3A_43] : memref<2x20000xf32, #tpu.memory_space<vmem>>, vector<1x20000xf32>
    %get3A_45 = arith.constant 1 : index
    %get3A_46 = arith.constant 0 : index
    %get3A_47 = vector.load %arg3[%get3A_45, %get3A_46] : memref<2x20000xf32, #tpu.memory_space<vmem>>, vector<1x20000xf32>
    %mul3A = arith.constant 1.000000e-01 : f32
    %mul3A_48 = vector.broadcast %mul3A : f32 to vector<1x20000xf32>
    %mul3A_49 = arith.mulf %mul3A_48, %get3A_36 : vector<1x20000xf32>
    %mul3A_50 = arith.mulf %mul3A_49, %get3A_47 : vector<1x20000xf32>
    %add3A_51 = arith.addf %get3A_44, %mul3A_50 : vector<1x20000xf32>
    %mul3A_52 = arith.constant 2.000000e-01 : f32
    %mul3A_53 = vector.broadcast %mul3A_52 : f32 to vector<1x20000xf32>
    %mul3A_54 = arith.mulf %mul3A_53, %get3A_41 : vector<1x20000xf32>
    %exp3A_55 = math.exp %mul3A_54 : vector<1x20000xf32>
    %mul3A_56 = arith.mulf %get3A_47, %exp3A_55 : vector<1x20000xf32>
    %div3A_57 = arith.constant 2.000000e+00 : f32
    %div3A_58 = vector.broadcast %div3A_57 : f32 to vector<1x20000xf32>
    %div3A_59 = arith.divf %mul3A_56, %div3A_58 : vector<1x20000xf32>
    %sub3A_60 = arith.subf %add3A_51, %div3A_59 : vector<1x20000xf32>
    %swap3A_61 = arith.constant 0 : index
    %swap3A_62 = arith.constant 0 : index
    %swap3A_63 = arith.constant 0 : index
    %swap3A_64 = vector.load %arg5[%swap3A_61, %swap3A_62, %swap3A_63] : memref<1x1x20000xf32, #tpu.memory_space<vmem>>, vector<1x1x20000xf32>
    %swap3A_65 = vector.shape_cast %swap3A_64 : vector<1x1x20000xf32> to vector<1x20000xf32>
    %swap3A_66 = vector.shape_cast %sub3A_60 : vector<1x20000xf32> to vector<1x1x20000xf32>
    tpu.vector_store %arg5[%swap3A_61, %swap3A_62, %swap3A_63], %swap3A_66 {strides = array<i32>} : memref<1x1x20000xf32, #tpu.memory_space<vmem>>, vector<1x1x20000xf32>,
    %add3A_67 = arith.addf %sub3A_60, %mul3A_56 : vector<1x20000xf32>
    %swap3A_68 = arith.constant 0 : index
    %swap3A_69 = arith.constant 0 : index
    %swap3A_70 = arith.constant 0 : index
    %swap3A_71 = vector.load %arg6[%swap3A_68, %swap3A_69, %swap3A_70] : memref<1x1x20000xf32, #tpu.memory_space<vmem>>, vector<1x1x20000xf32>
    %swap3A_72 = vector.shape_cast %swap3A_71 : vector<1x1x20000xf32> to vector<1x20000xf32>
    %swap3A_73 = vector.shape_cast %add3A_67 : vector<1x20000xf32> to vector<1x1x20000xf32>
    tpu.vector_store %arg6[%swap3A_68, %swap3A_69, %swap3A_70], %swap3A_73 {strides = array<i32>} : memref<1x1x20000xf32, #tpu.memory_space<vmem>>, vector<1x1x20000xf32>,
    return
  }
  func.func @transform_0(%arg0: i32) -> (i32, i32, i32) {
    %c0_i32 = arith.constant 0 : i32
    %c0_i32_0 = arith.constant 0 : i32
    %c0_i32_1 = arith.constant 0 : i32
    return %arg0, %c0_i32, %c0_i32_0 : i32, i32, i32
  }
  func.func @transform_1(%arg0: i32) -> (i32, i32, i32) {
    %c0_i32 = arith.constant 0 : i32
    %c0_i32_0 = arith.constant 0 : i32
    %c0_i32_1 = arith.constant 0 : i32
    return %arg0, %c0_i32, %c0_i32_0 : i32, i32, i32
  }
  func.func @transform_2(%arg0: i32) -> (i32, i32) {
    %c0_i32 = arith.constant 0 : i32
    %c0_i32_0 = arith.constant 0 : i32
    %c0_i32_1 = arith.constant 0 : i32
    return %c0_i32, %c0_i32_0 : i32, i32
  }
  func.func @transform_3(%arg0: i32) -> (i32, i32, i32) {
    %c0_i32 = arith.constant 0 : i32
    %c0_i32_0 = arith.constant 0 : i32
    %c0_i32_1 = arith.constant 0 : i32
    return %arg0, %c0_i32, %c0_i32_0 : i32, i32, i32
  }
  func.func @transform_4(%arg0: i32) -> (i32, i32, i32) {
    %c0_i32 = arith.constant 0 : i32
    %c0_i32_0 = arith.constant 0 : i32
    %c0_i32_1 = arith.constant 0 : i32
    return %arg0, %c0_i32, %c0_i32_0 : i32, i32, i32
  }
  func.func @transform_5(%arg0: i32) -> (i32, i32, i32) {
    %c0_i32 = arith.constant 0 : i32
    %c0_i32_0 = arith.constant 0 : i32
    %c0_i32_1 = arith.constant 0 : i32
    return %arg0, %c0_i32, %c0_i32_0 : i32, i32, i32
  }
}

</mosaic_0001>

<sc_bundles>
// kernel: kernel.4.cloned.1.call-start
scs
__scs_entry_jumppad:
0x0: {  	(pc) =	sbr.rel $0x88, $3  }
0x1: {  	(tag) =	ssettag $0x0;
	lr =	simm.s32 $0x1  }
0x2: {  	[smem:$0x3F9E] =	sst lr;
	_ =	strace $0xD0000000  }
0x3: {  	_ = 	snop  }
0x4: {  	_ = 	snop  }
0x5: {  	_ = 	snop  }
0x6: {  	_ = 	snop  }
0x7: {  	_ = 	snop  }
__scs_overlays_trampoline_lowered:
0x8: {  	[smem:$0x3FAD] =	sst s0  }
0x9: {  	[smem:$0x3FAE] =	sst s1  }
0xa: {  	[smem:$0x3FAF] =	sst s2  }
0xb: {  	[smem:$0x3FB0] =	sst s3  }
0xc: {  	[smem:$0x3FB1] =	sst s4  }
0xd: {  	[smem:$0x3FB2] =	sst s5  }
0xe: {  	[smem:$0x3FB3] =	sst s6  }
0xf: {  	[smem:$0x3FB4] =	sst s7  }
0x10: {  	[smem:$0x3FB5] =	sst s8  }
0x11: {  	[smem:$0x3FB6] =	sst s9;
	s0 =	simm.s32 @!p0 $0x0  }
0x12: {  	s1 =	sld [smem:$0x3F9C];
	s0 =	simm.s32 @p0 $0x1  }
0x13: {  	[smem:$0x3FB7] =	sst s0;
	s0 =	simm.s32 @!p1 $0x0  }
0x14: {  	s2 =	sld [smem:$0x3F9B];
	s0 =	simm.s32 @p1 $0x1  }
0x15: {  	[smem:$0x3FB8] =	sst s0;
	s0 =	simm.s32 @!p2 $0x0  }
0x16: {  	s3 =	sld [smem:$0x3FDB];
	s0 =	simm.s32 @p2 $0x1  }
0x17: {  	s4 =	simm.s32 $0x1BF5;
	[smem:$0x3FBA] =	sst s0  }
0x18: {  	s0 =	sld [smem:$0x3F9D];
	_ =	swait.ge [sflag:s4], $0x0  }
0x19: {  	s7 =	sld [smem:$0x3F9E]  }
0x1a: {  	s8 =	sadd.s32 $0xFFFFE003, lr  }
0x1b: {  	s9 =	sadd.s32 $0xFFFFFEF7, lr;
	s5 =	simm.s32 $0xFFFFFFFF;
	p2 =	slt.u32 s8, $0xFFFFF086  }
0x1c: {  	p1 =	slt.u32 s9, $0xF7A;
	s5 =	simm.s32 @!p2 $0x0  }
0x1d: {  	s5 =	simm.s32 @p1 $0x1;
	p0 =	seq.s32 s7, s2  }
0x1e: {  	s7 =	smul.u32 @!p0 $0xF7A, s2;
	p2 =	seq.s32 @!p0 s5, $0x0  }
0x1f: {  	s9 =	smul.u32 $0xF7A, s1;
	s8 =	simm.s32 @!p0 $0x1BF5;
	p2 =	por !p2, p0  }
0x20: {  	[sflag:s8] =	ssyncset.s32 @!p0 $0xFFFFF086;
	s6 =	sadd.s32 @!p0 s3, s7;
	s7 =	simm.s32 @!p0 $0x108  }
0x21: {  	s3 =	sadd.s32 s3, s9;
	s6 =	sadd.s32 @!p0 $0x88, s6;
	s7 =	simm.s32 @p2 $0x1082  }
0x22: {  	[simem:s7], [sflag:s8] =	dma.local @!p0 [hbm:s6], $0xF7A  }
0x23: {  	s9 =	sor.u32 $0xD0000000, s2;
	s6 =	simm.s32 $0x108;
	_ =	swait.ge @!p0 [sflag:s8], $0x0  }
0x24: {  	s3 =	sadd.s32 $0x88, s3;
	s6 =	simm.s32 @!p1 $0x1082;
	[sflag:s4] =	ssyncset.s32 $0xFFFFF086  }
0x25: {  	[simem:s6], [sflag:s4] =	dma.local [hbm:s3], $0xF7A  }
0x26: {  	[smem:$0x3F9E] =	sst s1;
	(tag) =	ssettag s2;
	_ =	strace s9  }
0x27: {  	s1 =	sld [smem:$0x3FAE]  }
0x28: {  	s2 =	sld [smem:$0x3FAF]  }
0x29: {  	s4 =	sld [smem:$0x3FB1]  }
0x2a: {  	p0 =	seq.s32 s5, $0x0;
	s5 =	sld [smem:$0x3FB2]  }
0x2b: {  	s6 =	sld [smem:$0x3FB3]  }
0x2c: {  	s7 =	sld [smem:$0x3FB4]  }
0x2d: {  	s3 =	simm.s32 $0x108;
	s8 =	sld [smem:$0x3FB5]  }
0x2e: {  	s3 =	simm.s32 @!p0 $0x1082;
	s9 =	sld [smem:$0x3FB6]  }
0x2f: {  	lr =	sadd.s32 s0, s3;
	s0 =	sld [smem:$0x3FAD]  }
0x30: {  	s3 =	sld [smem:$0x3FB0]  }
0x31: {  	[smem:$0x3FB9] =	sst s10  }
0x32: {  	s10 =	sld [smem:$0x3FB7];
	_ =	sdelay $0x3  }
0x33: {  	p0 =	seq.s32 s10, $0x1;
	s10 =	sld [smem:$0x3FB9];
	_ =	sdelay $0x3  }
0x34: {  	[smem:$0x3FB9] =	sst s10  }
0x35: {  	s10 =	sld [smem:$0x3FB8];
	_ =	sdelay $0x3  }
0x36: {  	p1 =	seq.s32 s10, $0x1;
	s10 =	sld [smem:$0x3FB9];
	_ =	sdelay $0x3  }
0x37: {  	[smem:$0x3FB9] =	sst s10  }
0x38: {  	s10 =	sld [smem:$0x3FBA]  }
0x39: {  	_ = 	snop;
	(pc) =	sbr.ind lr, $3  }
0x3a: {  	_ = 	snop  }
0x3b: {  	_ = 	snop  }
0x3c: {  	p2 =	seq.s32 s10, $0x1;
	s10 =	sld [smem:$0x3FB9]  }
0x3d: {  	_ =	shalt  }
0x3e: {  	_ =	shalt  }
0x3f: {  	_ =	shalt  }
0x40: {  	_ =	shalt  }
0x41: {  	_ =	shalt  }
0x42: {  	_ =	shalt  }
0x43: {  	_ =	shalt  }
0x44: {  	_ =	shalt  }
0x45: {  	_ =	shalt  }
0x46: {  	_ =	shalt  }
0x47: {  	_ =	shalt  }
0x48: {  	_ =	shalt  }
0x49: {  	_ =	shalt  }
0x4a: {  	_ =	shalt  }
0x4b: {  	_ =	shalt  }
0x4c: {  	_ =	shalt  }
0x4d: {  	_ =	shalt  }
0x4e: {  	_ =	shalt  }
0x4f: {  	_ =	shalt  }
0x50: {  	_ =	shalt  }
0x51: {  	_ =	shalt  }
0x52: {  	_ =	shalt  }
0x53: {  	_ =	shalt  }
0x54: {  	_ =	shalt  }
0x55: {  	_ =	shalt  }
0x56: {  	_ =	shalt  }
0x57: {  	_ =	shalt  }
0x58: {  	_ =	shalt  }
0x59: {  	_ =	shalt  }
0x5a: {  	_ =	shalt  }
0x5b: {  	_ =	shalt  }
0x5c: {  	_ =	shalt  }
0x5d: {  	_ =	shalt  }
0x5e: {  	_ =	shalt  }
0x5f: {  	_ =	shalt  }
0x60: {  	_ =	shalt  }
0x61: {  	_ =	shalt  }
0x62: {  	_ =	shalt  }
0x63: {  	_ =	shalt  }
0x64: {  	_ =	shalt  }
0x65: {  	_ =	shalt  }
0x66: {  	_ =	shalt  }
0x67: {  	_ =	shalt  }
0x68: {  	_ =	shalt  }
0x69: {  	_ =	shalt  }
0x6a: {  	_ =	shalt  }
0x6b: {  	_ =	shalt  }
0x6c: {  	_ =	shalt  }
0x6d: {  	_ =	shalt  }
0x6e: {  	_ =	shalt  }
0x6f: {  	_ =	shalt  }
0x70: {  	_ =	shalt  }
0x71: {  	_ =	shalt  }
0x72: {  	_ =	shalt  }
0x73: {  	_ =	shalt  }
0x74: {  	_ =	shalt  }
0x75: {  	_ =	shalt  }
0x76: {  	_ =	shalt  }
0x77: {  	_ =	shalt  }
0x78: {  	_ =	shalt  }
0x79: {  	_ =	shalt  }
0x7a: {  	_ =	shalt  }
0x7b: {  	_ =	shalt  }
0x7c: {  	_ =	shalt  }
0x7d: {  	_ =	shalt  }
0x7e: {  	_ =	shalt  }
0x7f: {  	_ =	shalt  }
0x80: {  	_ =	shalt  }
0x81: {  	_ =	shalt  }
0x82: {  	_ =	shalt  }
0x83: {  	_ =	shalt  }
0x84: {  	_ =	shalt  }
0x85: {  	_ =	shalt  }
0x86: {  	_ =	shalt  }
0x87: {  	_ =	shalt  }
.Lfunc_end0:
.L_simem_size_0:
called_computation_lowered:
.L_overlay_start_0:
0x88: {  	s2 =	sld [smem:$0x3FD9]  }
0x89: {  	s3 =	sld [smem:$0x3FFE];
	_ =	sdelay $0x1  }
0x8a: {  	s1 =	srdreg.scid  }
0x8b: {  	s0 =	sand.u32 $0x1, s1  }
0x8c: {  	s17 =	sshll.u32 s0, $0xA;
	s2 =	sadd.s32 s3, s2  }
0x8d: {  	s2 =	sadd.s32 s2, s17  }
0x8e: {  	[smem:$0x3FC5] =	sst s2  }
0x8f: {  	_ = 	snop  }
0x90: {  	s2 =	sld [smem:$0x3FD0];
	(tm) =	ssettm $0x1  }
0x91: {  	s18 =	sld [smem:$0x3FFB];
	_ =	sdelay $0x3  }
0x92: {  	_ =	strace s18  }
0x93: {  	s3 =	sld [smem:$0x3FFC];
	_ =	sdelay $0x3  }
0x94: {  	_ =	strace s3  }
0x95: {  	s3 =	sld [smem:$0x3FFD];
	_ =	sdelay $0x3  }
0x96: {  	_ =	strace s3  }
0x97: {  	_ =	strace $0x8FFFFFFF  }
0x98: {  	s19 =	sld [smem:$0x3FDB];
	_ =	sdelay $0x1  }
0x99: {  	s4 =	simm.s32 $_scs_section_size  }
0x9a: {  	s5 =	simm.s32 $_size__tile_overlayer_lowered;
	s6 =	simm.s32 $_tile_overlayer_lowered  }
0x9b: {  	s22 =	simm.s32 $0x1BFF;
	s21 =	sshll.u32 s6, $0x1;
	s3 =	sadd.s32 s4, s19  }
0x9c: {  	s7 =	simm.s32 $0x0;
	s20 =	sshll.u32 s5, $0x1;
	s5 =	sadd.s32 s21, s3  }
0x9d: {  	[timem:s7], [sflag:s22] =	dma.local [hbm:s5], s20  }
0x9e: {  	_ =	swait.ge [sflag:s22], s20  }
0x9f: {  	s4 =	ssub.s32 $0x0, s20;
	[sflag:s22] =	ssyncset.done $0x0  }
0xa0: {  	[sflag:s22] =	ssyncadd.s32 s4;
	_ =	sdelay $0x1  }
0xa1: {  	s23 =	simm.s32 $0x1B8B  }
0xa2: {  	_ =	swait.ge [sflag:s23], $0x1  }
0xa3: {  	[sflag:s23] =	ssyncset.done $0x0  }
0xa4: {  	s25 =	simm.s32 $0x1B8E;
	s24 =	sld [smem:$0x3FFE];
	[sflag:s23] =	ssyncadd.s32 $0xFFFFFFFF  }
0xa5: {  	s26 =	simm.s32 $execute0_lowered;
	[smem:$0x3FD2] =	sst s25  }
0xa6: {  	s5 =	sshll.u32 s26, $0x1;
	_ =	strace $0x80000046;
	[dreg:$0x1] =	wrdreg $0xFFFFFFFF  }
0xa7: {  	s28 =	simm.s32 $_size_execute0_lowered;
	s3 =	sadd.s32 s3, s5;
	[dreg:$0x0] =	wrdreg $0x0  }
0xa8: {  	s5 =	sshll.u32 s28, $0x1;
	[dreg:$0x2] =	wrdreg s3  }
0xa9: {  	[dreg:$0x3] =	wrdreg s5  }
0xaa: {  	[dreg:$0x4] =	wrdreg $0xC0  }
0xab: {  	_ =	task [dreg:s7], $0x5FFFF  }
0xac: {  	[dreg:$0x1] =	wrdreg $0xFFFFFFFF  }
0xad: {  	[dreg:$0x0] =	wrdreg $0x60  }
0xae: {  	[dreg:$0x2] =	wrdreg s24  }
0xaf: {  	[dreg:$0x3] =	wrdreg s2  }
0xb0: {  	[dreg:$0x4] =	wrdreg $0x9  }
0xb1: {  	_ =	task.clear_ibuf [dreg:s7], $0x5FFFF;
	_ =	strace $0x90000046  }
0xb2: {  	s29 =	simm.s32 $0x9;
	_ =	strace $0x80000048  }
0xb3: {  	_ =	swait.ge [sflag:s29], $0x1  }
0xb4: {  	[sflag:s29] =	ssyncadd.s32 $0xFFFFFFFF  }
0xb5: {  	_ =	strace $0x90000048  }
0xb6: {  	_ =	sfence  }
0xb7: {  	s30 =	sld [smem:$0x0];
	_ =	sdelay $0x2  }
0xb8: {  	s31 =	sshll.u32 s1, $0xD;
	s1 =	sshrl.u32 s1, $0x2  }
0xb9: {  	s3 =	sand.u32 $0x4000, s31;
	s1 =	sadd.s32 s1, s30  }
0xba: {  	s0 =	sor.u32 s3, s0;
	s1 =	sshll.u32 s1, $0x11  }
0xbb: {  	s0 =	sor.u32 s1, s0  }
0xbc: {  	s0 =	sadd.s32 $0x8F2B, s0  }
0xbd: {  	[sflag:s0] =	ssyncadd.remote.s32 $0x1  }
0xbe: {  	_ =	sfence.sel $0xFFFF  }
0xbf: {  	[dreg:$0x0] =	wrdreg $0xFFFFFFFF;
	(pc) =	sbr.abs _section_cstart, $3  }
0xc0: {  	[dreg:$0x1] =	wrdreg $0xFFFFFFFF  }
0xc1: {  	_ =	task.clear_ibuf [dreg:s7], $0x2FFFF;
	_ =	strace $0x9FFFFFFF  }
0xc2: {  	(tm) =	ssettm $0x7FFFFFFF  }
0xc3: {  	_ =	shalt  }
tec
execute0_lowered:
.L_overlay_start_1:
0x0: {  	(tag) =	ssettag $0x1  }
0x1: {  	s1 =	srdreg.scid;
	s4 =	rddreg [dreg:$0x0]  }
0x2: {  	s0 =	stileid.u32;
	s7 =	rddreg [dreg:$0x1];
	s6 =	simm.s32 $0x1  }
0x3: {  	s12 =	simm.s32 $0x9D00;
	s13 =	simm.s32 $0x18B80;
	s14 =	simm.s32 $0x18D80  }
0x4: {  	s15 =	simm.s32 $0x18E80;
	s16 =	simm.s32 $0xEB80;
	s17 =	simm.s32 $0x13B80  }
0x5: {  	s18 =	simm.s32 $0x19280;
	s19 =	simm.s32 $0x18F80;
	s20 =	simm.s32 $0x19080  }
0x6: {  	s21 =	simm.s32 $0x19380;
	s22 =	simm.s32 $0x19480;
	s23 =	simm.s32 $0x0  }
0x7: {  	s3 =	sand.u32 $0x1, s1;
	s30 =	sshll.u32 s0, $0x1;
	s5 =	sshrl.u32 s0, $0x2  }
0x8: {  	s2 =	sor.u32 s3, s30;
	p1 =	seq.s32 s3, $0x1;
	s9 =	smul.u32 $0x27400, s5  }
0x9: {  	s31 =	ssub.s32 $0x2, s3;
	s5 =	smul.u32 $0x1400, s5;
	p0 =	seq.s32 s2, $0x0  }
0xa: {  	s3 =	simm.s32 $0x1;
	s8 =	sshll.u32 s2, $0x7;
	p0 =	por !p0, !p1  }
0xb: {  	s2 =	simm.s32 $0x0;
	s11 =	sshrl.u32 s31, $0x1;
	p0 =	por !p0, !p0  }
0xc: {  	s8 =	sand.u32 $0x380, s8;
	[smem:$0x7FF] =	sst s2;
	s6 =	simm.s32 @!p0 $0x0  }
0xd: {  	s9 =	sor.u32 s9, s8;
	_ =	strace $0x80000047;
	s6 =	ssub.s32 s0, s6  }
0xe: {  	s8 =	sor.u32 s5, s8;
	s9 =	sshrl.u32 s9, $0x3;
	s10 =	sshrl.u32 s6, $0x3  }
0xf: {  	s8 =	sshrl.u32 s8, $0x3;
	s6 =	sshll.u32 s6, $0x7;
	s10 =	smul.u32 $0x27400, s10  }
.Ltmp0:
0x10: {  	v0 =	vlaneseq.u32;
	v3 =	vimm.f32 $-1.000000000e+00;
	s9 =	sadd.s32 s9, s4;
	s6 =	sand.u32 $0x380, s6;
	(pc) =	sbr.rel .LBB2_1-.Ltmp0, $4  }
0x11: {  	v4 =	vimm.s32 $0x0;
	v6 =	vimm.s32 $0x1;
	v9 =	vimm.f32 $0.0e+00;
	s7 =	sadd.s32 s7, s8;
	s6 =	sor.u32 s6, s10;
	s10 =	ssub.s32 s31, s11  }
0x12: {  	v13 =	vimm.f32 $1.000000000e+00;
	v1 =	vor.u32 $0x4E00, v0;
	v2 =	vor.u32 $0x4E10, v0;
	s11 =	simm.s32 $0x4E80;
	s6 =	sshrl.u32 s6, $0x3;
	s8 =	smax.u32 s10, $0x1  }
0x13: {  	v5 =	vmul.u32 $0x20, v0;
	v7 =	vor.u32 $0x80000000, v0;
	v8 =	vor.u32 $0x80000010, v0;
	s10 =	simm.s32 $0x400;
	s6 =	sadd.s32 s6, s4;
	s4 =	sadd.s32 $0xC00, s9  }
0x14: {  	v10 =	vor.u32 $0x10, v0;
	v11 =	vor.u32 $0x20, v0;
	v12 =	vor.u32 $0x30, v0;
	s9 =	simm.s32 $0x80;
	s5 =	sadd.s32 $0x1E400, s6;
	s6 =	sadd.s32 $0x14600, s6  }
.LBB2_29:
0x15: {  	v14 =	vld [tilespmem:$0x19380]  }
0x16: {  	v15 =	vld [tilespmem:$0x18F80]  }
0x17: {  	v16 =	vld [tilespmem:$0x19080]  }
0x18: {  	v17 =	vld [tilespmem:$0x18D80]  }
0x19: {  	v18 =	vld [tilespmem:$0x19390]  }
0x1a: {  	v19 =	vld [tilespmem:$0x18F90]  }
0x1b: {  	v20 =	vld [tilespmem:$0x19090]  }
0x1c: {  	v21 =	vld [tilespmem:$0x18D90]  }
0x1d: {  	v22 =	vld [tilespmem:$0x193A0]  }
0x1e: {  	v23 =	vld [tilespmem:$0x18FA0]  }
0x1f: {  	v24 =	vld [tilespmem:$0x190A0]  }
0x20: {  	v25 =	vld [tilespmem:$0x18DA0]  }
0x21: {  	v26 =	vld [tilespmem:$0x193B0]  }
0x22: {  	v27 =	vld [tilespmem:$0x18FB0]  }
0x23: {  	v28 =	vld [tilespmem:$0x190B0]  }
0x24: {  	v29 =	vld [tilespmem:$0x18DB0]  }
0x25: {  	v30 =	vld [tilespmem:$0x193C0]  }
0x26: {  	v31 =	vld [tilespmem:$0x190C0];
	vm0 =	vgt.f32 v14, $0.0e+00  }
0x27: {  	v14 =	vld [tilespmem:$0x18FC0];
	v15 =	vnsel vm0, $0x0, v15  }
0x28: {  	v34 =	vld [tilespmem:$0x18DC0];
	[tilespmem:$0x19480] =	vst v15;
	v15 =	vnsel vm0, $0x0, v16  }
0x29: {  	v35 =	vld [tilespmem:$0x193D0];
	vm4 =	vgt.f32 v18, $0.0e+00;
	[tilespmem:$0x19550] =	vst v15;
	v15 =	vnsel vm0, $0x0, v17  }
0x2a: {  	v36 =	vld [tilespmem:$0x18FD0];
	[tilespmem:$0x19620] =	vst v15;
	v15 =	vnsel vm4, $0x0, v19  }
0x2b: {  	v37 =	vld [tilespmem:$0x190D0];
	vm7 =	vgt.f32 v30, $0.0e+00;
	[tilespmem:$0x19490] =	vst v15;
	v15 =	vnsel vm4, $0x0, v20  }
0x2c: {  	v38 =	vld [tilespmem:$0x18DD0];
	v14 =	vnsel vm7, $0x0, v14;
	[tilespmem:$0x19560] =	vst v15  }
0x2d: {  	v39 =	vld [tilespmem:$0x193E0];
	v15 =	vnsel vm4, $0x0, v21;
	[tilespmem:$0x194C0] =	vst v14  }
0x2e: {  	v40 =	vld [tilespmem:$0x18FE0];
	vm5 =	vgt.f32 v22, $0.0e+00;
	v14 =	vnsel vm7, $0x0, v31;
	[tilespmem:$0x19630] =	vst v15  }
0x2f: {  	v41 =	vld [tilespmem:$0x190E0];
	v15 =	vnsel vm5, $0x0, v23;
	[tilespmem:$0x19590] =	vst v14  }
0x30: {  	v42 =	vld [tilespmem:$0x18DE0];
	v14 =	vnsel vm7, $0x0, v34;
	[tilespmem:$0x194A0] =	vst v15  }
0x31: {  	v43 =	vld [tilespmem:$0x193F0];
	vm8 =	vgt.f32 v35, $0.0e+00;
	v15 =	vnsel vm5, $0x0, v24;
	[tilespmem:$0x19660] =	vst v14  }
0x32: {  	v44 =	vld [tilespmem:$0x18FF0];
	v14 =	vnsel vm8, $0x0, v36;
	[tilespmem:$0x19570] =	vst v15  }
0x33: {  	v45 =	vld [tilespmem:$0x18DF0];
	v15 =	vnsel vm5, $0x0, v25;
	[tilespmem:$0x194D0] =	vst v14  }
0x34: {  	v46 =	vld [tilespmem:$0x19400];
	vm6 =	vgt.f32 v26, $0.0e+00;
	v14 =	vnsel vm8, $0x0, v37;
	[tilespmem:$0x19640] =	vst v15  }
0x35: {  	v47 =	vld [tilespmem:$0x19000];
	v15 =	vnsel vm6, $0x0, v27;
	[tilespmem:$0x195A0] =	vst v14  }
0x36: {  	v48 =	vld [tilespmem:$0x19100];
	[tilespmem:$0x194B0] =	vst v15;
	v15 =	vnsel vm6, $0x0, v28  }
0x37: {  	v49 =	vld [tilespmem:$0x18E00];
	[tilespmem:$0x19580] =	vst v15;
	v15 =	vnsel vm6, $0x0, v29  }
0x38: {  	vm9 =	vgt.f32 v39, $0.0e+00;
	v14 =	vnsel vm8, $0x0, v38;
	[tilespmem:$0x19650] =	vst v15;
	v15 =	vld [tilespmem:$0x190F0]  }
0x39: {  	v50 =	vld [tilespmem:$0x19410];
	[tilespmem:$0x19670] =	vst v14;
	v14 =	vnsel vm9, $0x0, v40  }
0x3a: {  	v51 =	vld [tilespmem:$0x19010];
	[tilespmem:$0x194E0] =	vst v14;
	v14 =	vnsel vm9, $0x0, v41  }
0x3b: {  	v52 =	vld [tilespmem:$0x19110];
	vm10 =	vgt.f32 v43, $0.0e+00;
	[tilespmem:$0x195B0] =	vst v14;
	v14 =	vnsel vm9, $0x0, v42  }
0x3c: {  	v53 =	vld [tilespmem:$0x18E10];
	[tilespmem:$0x19680] =	vst v14;
	v14 =	vnsel vm10, $0x0, v44  }
0x3d: {  	v54 =	vld [tilespmem:$0x19020];
	[tilespmem:$0x194F0] =	vst v14;
	v14 =	vnsel vm10, $0x0, v15  }
0x3e: {  	v55 =	vld [tilespmem:$0x19120];
	vm11 =	vgt.f32 v46, $0.0e+00;
	[tilespmem:$0x195C0] =	vst v14;
	v14 =	vnsel vm10, $0x0, v45  }
0x3f: {  	v15 =	vld [tilespmem:$0x19420];
	[tilespmem:$0x19690] =	vst v14;
	v14 =	vnsel vm11, $0x0, v47  }
0x40: {  	v56 =	vld [tilespmem:$0x18E20];
	[tilespmem:$0x19500] =	vst v14;
	v14 =	vnsel vm11, $0x0, v48  }
0x41: {  	v57 =	vld [tilespmem:$0x19430];
	vm12 =	vgt.f32 v50, $0.0e+00;
	[tilespmem:$0x195D0] =	vst v14;
	v14 =	vnsel vm11, $0x0, v49  }
0x42: {  	v58 =	vld [tilespmem:$0x19030];
	[tilespmem:$0x196A0] =	vst v14;
	v14 =	vnsel vm12, $0x0, v51  }
0x43: {  	v59 =	vld [tilespmem:$0x19130];
	[tilespmem:$0x19510] =	vst v14;
	v14 =	vnsel vm12, $0x0, v52  }
0x44: {  	v60 =	vld [tilespmem:$0x19440];
	vm13 =	vgt.f32 v15, $0.0e+00;
	[tilespmem:$0x195E0] =	vst v14;
	v14 =	vnsel vm12, $0x0, v53  }
0x45: {  	v15 =	vld [tilespmem:$0x18E30];
	[tilespmem:$0x196B0] =	vst v14;
	v14 =	vnsel vm13, $0x0, v54  }
0x46: {  	v61 =	vld [tilespmem:$0x19040];
	[tilespmem:$0x19520] =	vst v14;
	v14 =	vnsel vm13, $0x0, v55  }
0x47: {  	v62 =	vld [tilespmem:$0x19140];
	vm14 =	vgt.f32 v57, $0.0e+00;
	[tilespmem:$0x195F0] =	vst v14;
	v14 =	vnsel vm13, $0x0, v56  }
0x48: {  	v63 =	vld [tilespmem:$0x18E40];
	[tilespmem:$0x196C0] =	vst v14;
	v14 =	vnsel vm14, $0x0, v58  }
0x49: {  	[tilespmem:$0x19530] =	vst v14;
	v14 =	vnsel vm14, $0x0, v59  }
0x4a: {  	vm15 =	vgt.f32 v60, $0.0e+00;
	[tilespmem:$0x19600] =	vst v14;
	v14 =	vnsel vm14, $0x0, v15  }
0x4b: {  	[tilespmem:$0x196D0] =	vst v14;
	v14 =	vnsel vm15, $0x0, v61  }
0x4c: {  	s23 =	sadd.s32 $0x1, s23;
	[tilespmem:$0x19540] =	vst v14;
	v14 =	vnsel vm15, $0x0, v62  }
0x4d: {  	p0 =	sne.s32 s23, s8;
	[tilespmem:$0x19610] =	vst v14;
	v14 =	vnsel vm15, $0x0, v63  }
.Ltmp1:
0x4e: {  	[tilespmem:$0x196E0] =	vst v14;
	(pc) =	sbr.rel @!p0 .LBB2_30-.Ltmp1, $4  }
0x4f: {  	[hbm4b:s7+s9] =	stream.strided.scatter [tilespmem:s22], [sflag:$0x1], $0x280, s10, s9, $0x38;
	[tilespmem:$0x19700] =	vst v63  }
0x50: {  	_ =	swait.ge [sflag:s3], $0x280  }
0x51: {  	[sflag:s3] =	ssyncset.done $0x0  }
0x52: {  	[sflag:s3] =	ssyncadd.s32 $0xFFFFFD80  }
.LBB2_1:
0x53: {  	[tilespmem:s2], [sflag:$0x1] =	stream.strided.gather [hbm4b:s4+s9], $0x4E80, s10, s9, $0x38;
	[tilespmem:$0x19700] =	vst v63  }
0x54: {  	_ =	swait.ge [sflag:s3], $0x4E80  }
0x55: {  	[sflag:s3] =	ssyncset.done $0x0  }
0x56: {  	[sflag:s3] =	ssyncadd.s32 $0xFFFFB180  }
0x57: {  	[tilespmem:s11], [sflag:$0x1] =	stream.strided.gather [hbm4b:s5+s9], $0x4E80, s10, s9, $0x38;
	[tilespmem:$0x19700] =	vst v63  }
0x58: {  	_ =	swait.ge [sflag:s3], $0x4E80  }
0x59: {  	[sflag:s3] =	ssyncset.done $0x0  }
0x5a: {  	[sflag:s3] =	ssyncadd.s32 $0xFFFFB180  }
0x5b: {  	[tilespmem:s12], [sflag:$0x1] =	stream.strided.gather [hbm4b:s6+s9], $0x4E80, s10, s9, $0x38;
	[tilespmem:$0x19700] =	vst v63  }
0x5c: {  	_ =	swait.ge [sflag:s3], $0x4E80  }
0x5d: {  	[sflag:s3] =	ssyncset.done $0x0  }
0x5e: {  	s24 =	simm.s32 $0x20;
	[sflag:s3] =	ssyncadd.s32 $0xFFFFB180  }
0x5f: {  	v14 =	vld [tilespmem:s24+$0xFFFFFFE0];
	_ =	sdelay $0x4  }
0x60: {  	s25 =	simm.s32 $0x0;
	vm0 =	vgt.f32 v14, $6.999999880e-01  }
0x61: {  	[tilespmem:s2+$0xEB80] =	vst.msk vm0, v14;
	v14 =	vor.u32 s25, v0;
	v15 =	vmpcnt.ones.xlane vm0  }
0x62: {  	[tilespmem:s2+$0x13B80] =	vst.msk vm0, v14  }
0x63: {  	v14 =	vld [tilespmem:s24+$0xFFFFFFF0];
	(v2sf) =	vpush v15, $0x0;
	_ =	sdelay $0x4  }
0x64: {  	vm13 =	vgt.f32 v14, $6.999999880e-01  }
0x65: {  	v15 =	vmpcnt.ones.xlane vm13;
	_ =	sdelay $0x1  }
0x66: {  	(v2sf) =	vpush v15, $0x0;
	_ =	sdelay $0x6  }
0x67: {  	s26 =	spop (v2sf)  }
0x68: {  	s25 =	sadd.s32 $0x0, s26;
	s26 =	simm.s32 $0x10  }
0x69: {  	[tilespmem:s25+$0xEB80] =	vst.msk vm13, v14;
	v14 =	vor.u32 s26, v0  }
0x6a: {  	[tilespmem:s25+$0x13B80] =	vst.msk vm13, v14  }
0x6b: {  	v14 =	vld [tilespmem:s24+$0x0];
	_ =	sdelay $0x3  }
0x6c: {  	s31 =	spop (v2sf)  }
0x6d: {  	s1 =	simm.s32 $0x20;
	s25 =	sadd.s32 s25, s31;
	vm14 =	vgt.f32 v14, $6.999999880e-01  }
0x6e: {  	[tilespmem:s25+$0xEB80] =	vst.msk vm14, v14;
	v14 =	vor.u32 s1, v0  }
0x6f: {  	v15 =	vmpcnt.ones.xlane vm14;
	[tilespmem:s25+$0x13B80] =	vst.msk vm14, v14  }
0x70: {  	v14 =	vld [tilespmem:s24+$0x10]  }
0x71: {  	(v2sf) =	vpush v15, $0x0;
	_ =	sdelay $0x3  }
0x72: {  	vm15 =	vgt.f32 v14, $6.999999880e-01  }
0x73: {  	v15 =	vmpcnt.ones.xlane vm15;
	_ =	sdelay $0x1  }
0x74: {  	(v2sf) =	vpush v15, $0x0;
	_ =	sdelay $0x7  }
0x75: {  	s26 =	spop (v2sf)  }
0x76: {  	s31 =	simm.s32 $0x30;
	s29 =	sadd.s32 s25, s26  }
0x77: {  	[tilespmem:s29+$0xEB80] =	vst.msk vm15, v14;
	v14 =	vor.u32 s31, v0  }
0x78: {  	s25 =	simm.s32 $0x60;
	[tilespmem:s29+$0x13B80] =	vst.msk vm15, v14  }
0x79: {  	v14 =	vld [tilespmem:s25+$0xFFFFFFE0];
	_ =	sdelay $0x2  }
0x7a: {  	s30 =	simm.s32 $0xB0;
	s24 =	simm.s32 $0x70;
	s28 =	spop (v2sf)  }
.LBB2_2:
0x7b: {  	s31 =	sadd.s32 $0xFFFFFFD0, s24  }
0x7c: {  	vm0 =	vgt.f32 v14, $6.999999880e-01;
	s29 =	sadd.s32 s29, s28;
	s28 =	smov.u32 s30;
	s26 =	sadd.s32 $0x40, s30  }
0x7d: {  	p0 =	sne.s32 s30, $0x4DF0;
	[tilespmem:s29+$0xEB80] =	vst.msk vm0, v14;
	v14 =	vor.u32 s31, v0;
	v15 =	vmpcnt.ones.xlane vm0  }
0x7e: {  	[tilespmem:s29+$0x13B80] =	vst.msk vm0, v14  }
0x7f: {  	v14 =	vld [tilespmem:s25+$0xFFFFFFF0];
	(v2sf) =	vpush v15, $0x0;
	_ =	sdelay $0x4  }
0x80: {  	vm0 =	vgt.f32 v14, $6.999999880e-01  }
0x81: {  	v15 =	vmpcnt.ones.xlane vm0;
	_ =	sdelay $0x1  }
0x82: {  	(v2sf) =	vpush v15, $0x0;
	_ =	sdelay $0x6  }
0x83: {  	s30 =	spop (v2sf)  }
0x84: {  	s29 =	sadd.s32 s29, s30;
	s30 =	sadd.s32 $0xFFFFFFE0, s24  }
0x85: {  	[tilespmem:s29+$0xEB80] =	vst.msk vm0, v14;
	v14 =	vor.u32 s30, v0  }
0x86: {  	[tilespmem:s29+$0x13B80] =	vst.msk vm0, v14  }
0x87: {  	v14 =	vld [tilespmem:s25+$0x0];
	_ =	sdelay $0x3  }
0x88: {  	s30 =	spop (v2sf)  }
0x89: {  	s29 =	sadd.s32 s29, s30;
	s30 =	sadd.s32 $0xFFFFFFF0, s24;
	vm0 =	vgt.f32 v14, $6.999999880e-01  }
0x8a: {  	[tilespmem:s29+$0xEB80] =	vst.msk vm0, v14;
	v14 =	vor.u32 s30, v0;
	v15 =	vmpcnt.ones.xlane vm0  }
0x8b: {  	[tilespmem:s29+$0x13B80] =	vst.msk vm0, v14  }
0x8c: {  	v14 =	vld [tilespmem:s25+$0x10];
	(v2sf) =	vpush v15, $0x0;
	_ =	sdelay $0x4  }
0x8d: {  	vm0 =	vgt.f32 v14, $6.999999880e-01  }
0x8e: {  	v15 =	vmpcnt.ones.xlane vm0;
	_ =	sdelay $0x1  }
0x8f: {  	(v2sf) =	vpush v15, $0x0;
	_ =	sdelay $0x6  }
0x90: {  	s30 =	spop (v2sf)  }
0x91: {  	s29 =	sadd.s32 s29, s30  }
0x92: {  	[tilespmem:s29+$0xEB80] =	vst.msk vm0, v14;
	v14 =	vor.u32 s24, v0;
	s24 =	smov.u32 s28  }
0x93: {  	s25 =	sadd.s32 $0x40, s25;
	[tilespmem:s29+$0x13B80] =	vst.msk vm0, v14  }
.Ltmp2:
0x94: {  	v14 =	vld [tilespmem:s25+$0xFFFFFFE0];
	(pc) =	sbr.rel @p0 .LBB2_2-.Ltmp2, $2  }
0x95: {  	_ =	sdelay $0x2  }
0x96: {  	s30 =	smov.u32 s26;
	s28 =	spop (v2sf)  }
0x97: {  	s26 =	sadd.s32 $0xFFFFFFD0, s24;
	vm0 =	vgt.f32 v14, $6.999999880e-01;
	s28 =	sadd.s32 s29, s28  }
0x98: {  	[tilespmem:s28+$0xEB80] =	vst.msk vm0, v14;
	v14 =	vor.u32 s26, v0;
	v15 =	vmpcnt.ones.xlane vm0  }
0x99: {  	[tilespmem:s28+$0x13B80] =	vst.msk vm0, v14  }
0x9a: {  	v14 =	vld [tilespmem:s25+$0xFFFFFFF0];
	(v2sf) =	vpush v15, $0x0;
	_ =	sdelay $0x4  }
0x9b: {  	vm11 =	vgt.f32 v14, $6.999999880e-01  }
0x9c: {  	v15 =	vmpcnt.ones.xlane vm11;
	_ =	sdelay $0x1  }
0x9d: {  	(v2sf) =	vpush v15, $0x0;
	_ =	sdelay $0x6  }
0x9e: {  	s31 =	spop (v2sf)  }
0x9f: {  	s1 =	sadd.s32 $0xFFFFFFE0, s24;
	s26 =	sadd.s32 s28, s31  }
0xa0: {  	[tilespmem:s26+$0xEB80] =	vst.msk vm11, v14;
	v14 =	vor.u32 s1, v0  }
0xa1: {  	[tilespmem:s26+$0x13B80] =	vst.msk vm11, v14  }
0xa2: {  	v14 =	vld [tilespmem:s25+$0x0];
	_ =	sdelay $0x3  }
0xa3: {  	s29 =	spop (v2sf)  }
0xa4: {  	s30 =	sadd.s32 $0xFFFFFFF0, s24;
	s26 =	sadd.s32 s26, s29;
	vm12 =	vgt.f32 v14, $6.999999880e-01  }
0xa5: {  	[tilespmem:s26+$0xEB80] =	vst.msk vm12, v14;
	v14 =	vor.u32 s30, v0;
	v15 =	vmpcnt.ones.xlane vm12  }
0xa6: {  	[tilespmem:s26+$0x13B80] =	vst.msk vm12, v14  }
0xa7: {  	v14 =	vld [tilespmem:s25+$0x10];
	(v2sf) =	vpush v15, $0x0;
	_ =	sdelay $0x4  }
0xa8: {  	vm13 =	vgt.f32 v14, $6.999999880e-01  }
0xa9: {  	v15 =	vmpcnt.ones.xlane vm13;
	_ =	sdelay $0x1  }
0xaa: {  	(v2sf) =	vpush v15, $0x0;
	_ =	sdelay $0x6  }
0xab: {  	s31 =	spop (v2sf)  }
0xac: {  	s25 =	sadd.s32 s26, s31  }
0xad: {  	[tilespmem:s25+$0xEB80] =	vst.msk vm13, v14;
	v14 =	vor.u32 s24, v0  }
0xae: {  	[tilespmem:s25+$0x13B80] =	vst.msk vm13, v14  }
0xaf: {  	v14 =	vld [tilespmem:$0x4E00];
	_ =	sdelay $0x3  }
0xb0: {  	s1 =	spop (v2sf)  }
0xb1: {  	s24 =	sadd.s32 s25, s1;
	vm14 =	vgt.f32 v14, $6.999999880e-01  }
0xb2: {  	[tilespmem:s24+$0xEB80] =	vst.msk vm14, v14  }
0xb3: {  	[tilespmem:s24+$0x13B80] =	vst.msk vm14, v1  }
0xb4: {  	v14 =	vld [tilespmem:$0x4E10];
	_ =	sdelay $0x3  }
0xb5: {  	v15 =	vmpcnt.ones.xlane vm14  }
0xb6: {  	vm15 =	vgt.f32 v14, $6.999999880e-01  }
0xb7: {  	(v2sf) =	vpush v15, $0x0;
	v15 =	vmpcnt.ones.xlane vm15;
	_ =	sdelay $0x1  }
0xb8: {  	(v2sf) =	vpush v15, $0x0;
	_ =	sdelay $0xc  }
0xb9: {  	s26 =	spop (v2sf)  }
0xba: {  	s24 =	sadd.s32 s24, s26  }
0xbb: {  	[tilespmem:s24+$0xEB80] =	vst.msk vm15, v14;
	s28 =	spop (v2sf)  }
0xbc: {  	[tilespmem:s24+$0x13B80] =	vst.msk vm15, v2;
	s24 =	sadd.s32 s24, s28  }
0xbd: {  	[tilespmem:s24+$0xEB80] =	vst v3  }
0xbe: {  	[tilespmem:s24+$0x13B80] =	vst v4  }
0xbf: {  	[tilespmem:$0x18B80] =	vst v4  }
0xc0: {  	[tilespmem:$0x18B90] =	vst v4  }
0xc1: {  	[tilespmem:$0x18BA0] =	vst v4  }
0xc2: {  	[tilespmem:$0x18BB0] =	vst v4  }
0xc3: {  	[tilespmem:$0x18BC0] =	vst v4  }
0xc4: {  	[tilespmem:$0x18BD0] =	vst v4  }
0xc5: {  	[tilespmem:$0x18BE0] =	vst v4  }
0xc6: {  	[tilespmem:$0x18BF0] =	vst v4  }
0xc7: {  	[tilespmem:$0x18C00] =	vst v4  }
0xc8: {  	[tilespmem:$0x18C10] =	vst v4  }
0xc9: {  	[tilespmem:$0x18C20] =	vst v4  }
0xca: {  	[tilespmem:$0x18C30] =	vst v4  }
0xcb: {  	[tilespmem:$0x18C40] =	vst v4  }
0xcc: {  	[tilespmem:$0x18C50] =	vst v4  }
0xcd: {  	[tilespmem:$0x18C60] =	vst v4  }
0xce: {  	[tilespmem:$0x18C70] =	vst v4  }
0xcf: {  	[tilespmem:$0x18C80] =	vst v4  }
0xd0: {  	[tilespmem:$0x18C90] =	vst v4  }
0xd1: {  	[tilespmem:$0x18CA0] =	vst v4  }
0xd2: {  	s25 =	sadd.s32 $0xF, s24;
	[tilespmem:$0x18CB0] =	vst v4  }
0xd3: {  	[tilespmem:$0x18CC0] =	vst v4;
	s29 =	sand.u32 $0xF, s25  }
0xd4: {  	[tilespmem:$0x18CD0] =	vst v4;
	s30 =	sshra.s32 s25, $0x1F;
	p0 =	slt.s32 s25, $0x1;
	p1 =	sne.s32 s29, $0x0  }
0xd5: {  	[tilespmem:$0x18CE0] =	vst v4;
	s31 =	sshrl.u32 s30, $0x1C;
	p0 =	por !p0, !p1  }
0xd6: {  	s26 =	simm.s32 $0x1;
	[tilespmem:$0x18CF0] =	vst v4;
	s25 =	sadd.s32 s31, s25;
	p0 =	por !p0, !p0  }
0xd7: {  	[tilespmem:$0x18D00] =	vst v4;
	s25 =	sshra.s32 s25, $0x4;
	s26 =	simm.s32 @!p0 $0x0  }
0xd8: {  	[tilespmem:$0x18D10] =	vst v4;
	s25 =	ssub.s32 s25, s26  }
0xd9: {  	[tilespmem:$0x18D20] =	vst v4;
	p0 =	slt.s32 s25, $0x1  }
.Ltmp3:
0xda: {  	[tilespmem:$0x18D30] =	vst v4;
	(pc) =	sbr.rel @p0 .LBB2_4-.Ltmp3, $4  }
0xdb: {  	[tilespmem:$0x18D40] =	vst v4  }
0xdc: {  	[tilespmem:$0x18D50] =	vst v4  }
0xdd: {  	[tilespmem:$0x18D60] =	vst v4  }
0xde: {  	[tilespmem:$0x18D70] =	vst v4;
	s26 =	simm.s32 $0xEB80  }
0xdf: {  	p0 =	sne.s32 s25, $0x1  }
.Ltmp4:
0xe0: {  	_ = 	snop;
	(pc) =	sbr.rel @!p0 .LBB2_7-.Ltmp4, $2  }
0xe1: {  	_ =	sdelay $0x2  }
0xe2: {  	v14 =	vld [tilespmem:s26+$0x0];
	s28 =	sadd.s32 $0xFFFFFFFF, s25  }
.LBB2_6:
0xe3: {  	p0 =	sne.s32 s28, $0x1;
	_ =	sdelay $0x3  }
0xe4: {  	v15 =	vadd.f32 $-6.999999880e-01, v14;
	_ =	sdelay $0x1  }
0xe5: {  	v15 =	vmul.f32 $1.066666640e+02, v15;
	_ =	sdelay $0x1  }
0xe6: {  	v15 =	vmax.f32 v15, $0.0e+00  }
0xe7: {  	v15 =	vmin.f32 v15, $3.100000000e+01  }
0xe8: {  	v15 =	vtrunc.f32 v15  }
0xe9: {  	v15 =	vcvt.f32.s32 v15  }
0xea: {  	vm0 =	vgt.f32 v14, $6.999999880e-01  }
0xeb: {  	v14 =	vadd.s32 v5, v15;
	_ =	sdelay $0x1  }
.Ltmp5:
0xec: {  	(pc) =	sbr.rel @p0 .LBB2_6-.Ltmp5, $3  }
0xed: {  	_ =	sdelay $0x1  }
0xee: {  	s26 =	sadd.s32 $0x10, s26;
	[tilespmem:v14+s13+$0x0] =	vst.idx.add.s32.msk vm0, v6  }
0xef: {  	s28 =	sadd.s32 $0xFFFFFFFF, s28;
	v14 =	vld [tilespmem:s26+$0x0]  }
.LBB2_7:
0xf0: {  	_ =	sdelay $0x3  }
0xf1: {  	v15 =	vadd.f32 $-6.999999880e-01, v14;
	_ =	sdelay $0x1  }
0xf2: {  	v15 =	vmul.f32 $1.066666640e+02, v15;
	_ =	sdelay $0x1  }
0xf3: {  	v15 =	vmax.f32 v15, $0.0e+00  }
0xf4: {  	v15 =	vmin.f32 v15, $3.100000000e+01  }
0xf5: {  	v15 =	vtrunc.f32 v15  }
0xf6: {  	v15 =	vcvt.f32.s32 v15  }
0xf7: {  	vm0 =	vgt.f32 v14, $6.999999880e-01  }
0xf8: {  	v14 =	vadd.s32 v5, v15;
	_ =	sdelay $0x4  }
0xf9: {  	[tilespmem:v14+s13+$0x0] =	vst.idx.add.s32.msk vm0, v6  }
0xfa: {  	v14 =	vld [tilespmem:$0x18BA0]  }
0xfb: {  	v15 =	vld [tilespmem:$0x18B80]  }
0xfc: {  	v16 =	vld [tilespmem:$0x18BC0]  }
0xfd: {  	v17 =	vld [tilespmem:$0x18BE0]  }
0xfe: {  	v18 =	vld [tilespmem:$0x18C00]  }
0xff: {  	v19 =	vld [tilespmem:$0x18C20]  }
0x100: {  	v20 =	vld [tilespmem:$0x18C40]  }
0x101: {  	v21 =	vld [tilespmem:$0x18C60]  }
0x102: {  	v22 =	vld [tilespmem:$0x18C80]  }
0x103: {  	v23 =	vld [tilespmem:$0x18CA0]  }
0x104: {  	v24 =	vld [tilespmem:$0x18CC0]  }
0x105: {  	v50 =	vld [tilespmem:$0x18D40];
	v14 =	vadd.s32 v15, v14  }
0x106: {  	v51 =	vld [tilespmem:$0x18D60];
	v14 =	vadd.s32 v16, v14  }
0x107: {  	v52 =	vld [tilespmem:$0x18BB0];
	v14 =	vadd.s32 v17, v14  }
0x108: {  	v53 =	vld [tilespmem:$0x18B90];
	v14 =	vadd.s32 v18, v14  }
0x109: {  	v54 =	vld [tilespmem:$0x18BD0];
	v14 =	vadd.s32 v19, v14  }
0x10a: {  	v15 =	vld [tilespmem:$0x18CE0];
	v14 =	vadd.s32 v20, v14  }
0x10b: {  	v16 =	vld [tilespmem:$0x18D00];
	v14 =	vadd.s32 v21, v14  }
0x10c: {  	v17 =	vld [tilespmem:$0x18D20];
	v14 =	vadd.s32 v22, v14  }
0x10d: {  	v55 =	vld [tilespmem:$0x18BF0];
	v14 =	vadd.s32 v23, v14  }
0x10e: {  	v56 =	vld [tilespmem:$0x18C10];
	v14 =	vadd.s32 v24, v14  }
0x10f: {  	v14 =	vadd.s32 v15, v14;
	v15 =	vld [tilespmem:$0x18C30]  }
0x110: {  	v57 =	vld [tilespmem:$0x18C50];
	v14 =	vadd.s32 v16, v14;
	v16 =	vadd.s32 v53, v52  }
0x111: {  	v14 =	vadd.s32 v17, v14;
	v16 =	vadd.s32 v54, v16;
	v17 =	vld [tilespmem:$0x18C70]  }
0x112: {  	v58 =	vld [tilespmem:$0x18C90];
	v14 =	vadd.s32 v50, v14;
	v16 =	vadd.s32 v55, v16  }
0x113: {  	v59 =	vld [tilespmem:$0x18CB0];
	v14 =	vadd.s32 v51, v14;
	v16 =	vadd.s32 v56, v16  }
0x114: {  	(xrf0) =	vadd.scan.msk.s32 $0xffff, v14;
	v15 =	vadd.s32 v15, v16;
	v16 =	vld [tilespmem:$0x18CD0]  }
0x115: {  	v60 =	vld [tilespmem:$0x18CF0];
	v15 =	vadd.s32 v57, v15  }
0x116: {  	v15 =	vadd.s32 v17, v15;
	v17 =	vld [tilespmem:$0x18D10]  }
0x117: {  	v61 =	vld [tilespmem:$0x18D30];
	v15 =	vadd.s32 v58, v15  }
0x118: {  	v62 =	vld [tilespmem:$0x18D50];
	v15 =	vadd.s32 v59, v15  }
0x119: {  	v15 =	vadd.s32 v16, v15;
	v16 =	vld [tilespmem:$0x18D70]  }
0x11a: {  	v15 =	vadd.s32 v60, v15;
	v63, _, _ =	vpop (xrf0)  }
0x11b: {  	s26 =	sadd.s32 $0xFFFFFF38, s24;
	v15 =	vadd.s32 v17, v15;
	v14 =	vsub.s32 v63, v14  }
0x11c: {  	vm14 =	vgt.s32 v14, s26;
	v14 =	vadd.s32 v61, v15  }
0x11d: {  	v14 =	vadd.s32 v62, v14;
	v15 =	vsel vm14, $0x7FFFFFFF, v7  }
0x11e: {  	(xrf0) =	vmax.scan.msk.u32 $0xffff, v15;
	v14 =	vadd.s32 v16, v14  }
0x11f: {  	(xrf0) =	vadd.scan.msk.s32 $0xffff, v14;
	_ =	sdelay $0x4  }
0x120: {  	v15, _, _ =	vpop (xrf0)  }
0x121: {  	v17 =	vbroadcast v63, $0xF;
	v16, _, _ =	vpop (xrf0)  }
0x122: {  	v14 =	vsub.s32 v16, v14  }
0x123: {  	v14 =	vadd.s32 v17, v14  }
0x124: {  	vm15 =	vgt.s32 v14, s26  }
0x125: {  	v14 =	vsel vm15, $0x7FFFFFFF, v8  }
0x126: {  	(xrf0) =	vmax.scan.msk.u32 $0xffff, v14;
	_ =	sdelay $0x5  }
0x127: {  	(v2sf) =	vpush v15, $0xF;
	v14, _, _ =	vpop (xrf0)  }
0x128: {  	(v2sf) =	vpush v14, $0xF;
	_ =	sdelay $0xd  }
0x129: {  	s31 =	spop (v2sf)  }
0x12a: {  	s28 =	spop (v2sf)  }
0x12b: {  	s26 =	sxor.u32 $0x80000000, s31;
	s28 =	sxor.u32 $0x80000000, s28  }
0x12c: {  	p0 =	sgt.s32 s26, s28  }
0x12d: {  	s28 =	smov.u32 @p0 s26  }
0x12e: {  	s26 =	scvt.s32.f32 s28;
	_ =	sdelay $0x1  }
0x12f: {  	s26 =	sadd.f32 $-5.000000000e-01, s26;
	_ =	sdelay $0x1  }
0x130: {  	p1 =	sne.s32 s25, $0x1;
	s26 =	smul.f32 $9.375000370e-03, s26  }
.Ltmp6:
0x131: {  	_ = 	snop;
	(pc) =	sbr.rel @!p1 .LBB2_8-.Ltmp6, $4  }
0x132: {  	s29 =	sadd.f32 $6.999999880e-01, s26  }
0x133: {  	p0 =	sgt.s32 s28, $0xFFFFFFFF  }
0x134: {  	s30 =	simm.s32 $0xEB80;
	s25 =	sadd.s32 $0xFFFFFFFF, s25;
	s29 =	simm.s32 @!p0 $0x0  }
0x135: {  	v15 =	vld [tilespmem:s30+$0x0];
	s28 =	simm.s32 $0x13B80;
	s26 =	simm.s32 $0x0;
	p0 =	por $0x0, $0x0;
	v14 =	vmov s29  }
0x136: {  	_ =	sdelay $0x3  }
0x137: {  	vm0 =	vgt.f32 v15, v14  }
0x138: {  	v17 =	vmpcnt.ones.xlane vm0;
	_ =	sdelay $0x1  }
0x139: {  	(v2sf) =	vpush v17, $0x0;
	_ =	sdelay $0x1  }
0x13a: {  	v16 =	vld [tilespmem:s28+$0x0]  }
0x13b: {  	p1 =	sne.s32 s25, $0x1  }
.Ltmp7:
0x13c: {  	_ = 	snop;
	(pc) =	sbr.rel @!p1 .LBB2_10-.Ltmp7, $4  }
0x13d: {  	_ = 	snop  }
0x13e: {  	[tilespmem:s26+$0xEB80] =	vst.msk vm0, v15  }
0x13f: {  	s30 =	simm.s32 $0xEB90;
	s31 =	sadd.s32 $0xFFFFFFFF, s25;
	[tilespmem:s26+$0x13B80] =	vst.msk vm0, v16  }
0x140: {  	p0 =	por $0x1, $0x1;
	s25 =	simm.s32 $0x13B80;
	s29 =	simm.s32 $0x0;
	v15 =	vld [tilespmem:s30+$0x0]  }
.LBB2_11:
0x141: {  	p1 =	sne.s32 s31, $0x1;
	_ =	sdelay $0x2  }
0x142: {  	s25 =	sadd.s32 $0x10, s25  }
0x143: {  	v16 =	vld [tilespmem:s25+$0x0];
	vm0 =	vgt.f32 v15, v14  }
0x144: {  	v17 =	vmpcnt.ones.xlane vm0  }
0x145: {  	s1 =	spop (v2sf)  }
0x146: {  	(v2sf) =	vpush v17, $0x0;
	s29 =	sadd.s32 s29, s1  }
0x147: {  	[tilespmem:s29+$0xEB80] =	vst.msk vm0, v15  }
0x148: {  	[tilespmem:s29+$0x13B80] =	vst.msk vm0, v16;
	_ =	sdelay $0x1  }
.Ltmp8:
0x149: {  	(pc) =	sbr.rel @p1 .LBB2_11-.Ltmp8, $3  }
0x14a: {  	_ =	sdelay $0x1  }
0x14b: {  	s30 =	sadd.s32 $0x10, s30  }
0x14c: {  	s31 =	sadd.s32 $0xFFFFFFFF, s31;
	v15 =	vld [tilespmem:s30+$0x0]  }
.LBB2_12:
0x14d: {  	_ =	sdelay $0x3  }
0x14e: {  	vm0 =	vgt.f32 v15, v14  }
0x14f: {  	v14 =	vmpcnt.ones.xlane vm0;
	_ =	sdelay $0x1  }
0x150: {  	(v2sf) =	vpush v14, $0x0;
	_ =	sdelay $0x8  }
0x151: {  	s1 =	sadd.s32 @p0 $0x10, s25  }
0x152: {  	s28 =	smov.u32 @p0 s1  }
0x153: {  	v14 =	vld [tilespmem:s28+$0x0]  }
.Ltmp9:
0x154: {  	s1 =	spop @p0 (v2sf);
	(pc) =	sbr.rel .LBB2_13-.Ltmp9, $4  }
0x155: {  	s1 =	sadd.s32 @p0 s29, s1  }
0x156: {  	s26 =	smov.u32 @p0 s1  }
0x157: {  	[tilespmem:s26+$0xEB80] =	vst.msk vm0, v15;
	s31 =	spop (v2sf)  }
0x158: {  	[tilespmem:s26+$0x13B80] =	vst.msk vm0, v14;
	s25 =	sadd.s32 s26, s31  }
.LBB2_4:
0x159: {  	s25 =	simm.s32 $0x0  }
.LBB2_13:
0x15a: {  	[tilespmem:s25+$0xEB80] =	vst v3  }
0x15b: {  	[tilespmem:s25+$0xEB90] =	vst v3  }
0x15c: {  	[tilespmem:s25+$0xEBA0] =	vst v3  }
0x15d: {  	[tilespmem:s25+$0xEBB0] =	vst v3  }
0x15e: {  	[tilespmem:s25+$0x13B80] =	vst v4  }
0x15f: {  	[tilespmem:$0x18D80] =	vst v3  }
0x160: {  	[tilespmem:$0x18E80] =	vst v4  }
0x161: {  	[tilespmem:$0x19380] =	vst v9  }
0x162: {  	[tilespmem:$0x18D90] =	vst v3  }
0x163: {  	[tilespmem:$0x18E90] =	vst v4  }
0x164: {  	[tilespmem:$0x19390] =	vst v9  }
0x165: {  	[tilespmem:$0x18DA0] =	vst v3  }
0x166: {  	[tilespmem:$0x18EA0] =	vst v4  }
0x167: {  	[tilespmem:$0x193A0] =	vst v9  }
0x168: {  	[tilespmem:$0x18DB0] =	vst v3  }
0x169: {  	[tilespmem:$0x18EB0] =	vst v4  }
0x16a: {  	[tilespmem:$0x193B0] =	vst v9  }
0x16b: {  	[tilespmem:$0x18DC0] =	vst v3  }
0x16c: {  	[tilespmem:$0x18EC0] =	vst v4  }
0x16d: {  	[tilespmem:$0x193C0] =	vst v9  }
0x16e: {  	[tilespmem:$0x18DD0] =	vst v3  }
0x16f: {  	[tilespmem:$0x18ED0] =	vst v4  }
0x170: {  	[tilespmem:$0x193D0] =	vst v9  }
0x171: {  	[tilespmem:$0x18DE0] =	vst v3  }
0x172: {  	[tilespmem:$0x18EE0] =	vst v4  }
0x173: {  	[tilespmem:$0x193E0] =	vst v9  }
0x174: {  	[tilespmem:$0x18DF0] =	vst v3  }
0x175: {  	[tilespmem:$0x18EF0] =	vst v4  }
0x176: {  	[tilespmem:$0x193F0] =	vst v9  }
0x177: {  	[tilespmem:$0x18E00] =	vst v3  }
0x178: {  	[tilespmem:$0x18F00] =	vst v4  }
0x179: {  	[tilespmem:$0x19400] =	vst v9  }
0x17a: {  	[tilespmem:$0x18E10] =	vst v3  }
0x17b: {  	[tilespmem:$0x18F10] =	vst v4  }
0x17c: {  	[tilespmem:$0x19410] =	vst v9  }
0x17d: {  	[tilespmem:$0x18E20] =	vst v3  }
0x17e: {  	[tilespmem:$0x18F20] =	vst v4  }
0x17f: {  	[tilespmem:$0x19420] =	vst v9  }
0x180: {  	p0 =	slt.s32 s24, $0x1;
	[tilespmem:$0x18E30] =	vst v3  }
.Ltmp10:
0x181: {  	[tilespmem:$0x18F30] =	vst v4;
	(pc) =	sbr.rel @p0 .LBB2_25-.Ltmp10, $4  }
0x182: {  	[tilespmem:$0x19430] =	vst v9  }
0x183: {  	[tilespmem:$0x18E40] =	vst v3  }
0x184: {  	[tilespmem:$0x18F40] =	vst v4  }
0x185: {  	[tilespmem:$0x19440] =	vst v9  }
0x186: {  	s1 =	sadd.s32 $0x3F, s25  }
0x187: {  	s25 =	sand.u32 $0x3F, s1  }
0x188: {  	s31 =	sshra.s32 s1, $0x1F;
	p1 =	slt.s32 s1, $0x1;
	p0 =	sne.s32 s25, $0x0  }
.Ltmp11:
0x189: {  	s25 =	sshrl.u32 s31, $0x1A;
	p0 =	por !p1, !p0;
	(pc) =	sbr.rel .LBB2_15-.Ltmp11, $4  }
0x18a: {  	s1 =	sadd.s32 s25, s1;
	s25 =	simm.s32 $0x1;
	p0 =	por !p0, !p0  }
0x18b: {  	s1 =	sshra.s32 s1, $0x6;
	s25 =	simm.s32 @!p0 $0x0  }
0x18c: {  	s25 =	ssub.s32 s1, s25  }
0x18d: {  	s24 =	smin.u32 s24, $0xC8;
	s26 =	simm.s32 $0x0;
	p0 =	slt.s32 s25, $0x1  }
.LBB2_16:
0x18e: {  	v15 =	vimm.s32 $0xC0000000  }
.LBB2_24:
0x18f: {  	(xrf0) =	vmax.scan.msk.f32 $0xffff, v14;
	_ =	sdelay $0x5  }
0x190: {  	v16, _, _ =	vpop (xrf0)  }
0x191: {  	v16 =	vbroadcast v16, $0xF;
	_ =	sdelay $0x1  }
0x192: {  	vm0 =	veq.f32 v14, v16  }
0x193: {  	v14 =	vnsel vm0, $0xC0000000, v15  }
0x194: {  	(xrf0) =	vmin.scan.msk.u32 $0xffff, v14;
	_ =	sdelay $0x5  }
0x195: {  	v14, _, _ =	vpop (xrf0)  }
0x196: {  	(v2sf) =	vpush v14, $0xF;
	_ =	sdelay $0xe  }
0x197: {  	v14 =	vmov s26;
	s1 =	spop (v2sf)  }
0x198: {  	s26 =	sadd.s32 $0x1, s26;
	s1 =	sxor.u32 $0x80000000, s1  }
0x199: {  	p1 =	sne.s32 s26, s24;
	v15 =	vmov s1  }
.Ltmp12:
0x19a: {  	_ = 	snop;
	(pc) =	sbr.rel @!p1 .LBB2_25-.Ltmp12, $4  }
0x19b: {  	_ = 	snop  }
0x19c: {  	[tilespmem:v14+s14+$0x0] =	vst.idx.msk $0x1, v16  }
0x19d: {  	[tilespmem:v14+s15+$0x0] =	vst.idx.msk $0x1, v15  }
0x19e: {  	[tilespmem:v15+s16+$0x0] =	vst.idx.msk $0x1, v3  }
.LBB2_15:
.Ltmp13:
0x19f: {  	(pc) =	sbr.rel @p0 .LBB2_16-.Ltmp13, $2  }
0x1a0: {  	_ =	sdelay $0x2  }
0x1a1: {  	v14 =	vimm.f32 $-2.000000000e+00  }
0x1a2: {  	p2 =	sne.s32 s25, $0x1  }
.Ltmp14:
0x1a3: {  	s1 =	simm.s32 $0xEBA0;
	(pc) =	sbr.rel @!p2 .LBB2_18-.Ltmp14, $4  }
0x1a4: {  	v24 =	vld [tilespmem:s1+$0xFFFFFFE0]  }
0x1a5: {  	v18 =	vld [tilespmem:s1+$0xFFFFFFF0]  }
0x1a6: {  	v19 =	vld [tilespmem:s1+$0x0]  }
0x1a7: {  	v15 =	vimm.s32 $0x40000000;
	s29 =	sadd.s32 $0xFFFFFFFF, s25;
	s28 =	simm.s32 $0xEBE0;
	p1 =	por $0x0, $0x0;
	v20 =	vld [tilespmem:s1+$0x10]  }
0x1a8: {  	_ =	sdelay $0x2  }
0x1a9: {  	v21 =	vld [tilespmem:s28+$0xFFFFFFE0];
	p2 =	sne.s32 s29, $0x1;
	vm0 =	vgt.f32 v18, v24  }
.Ltmp15:
0x1aa: {  	v16 =	vsel vm0, v18, v24;
	v18 =	vld [tilespmem:s28+$0xFFFFFFF0];
	vm1 =	vgt.f32 v20, v19;
	(pc) =	sbr.rel @!p2 .LBB2_20-.Ltmp15, $4  }
0x1ab: {  	v17 =	vsel vm1, v20, v19;
	v19 =	vld [tilespmem:s28+$0x0]  }
0x1ac: {  	v20 =	vld [tilespmem:s28+$0x10];
	vm2 =	vgt.f32 v17, v16  }
0x1ad: {  	s29 =	sadd.s32 $0xFFFFFFFF, s29;
	v23 =	vsel vm0, v10, v0;
	v63 =	vsel vm1, v12, v11;
	v22 =	vsel vm2, v17, v16  }
0x1ae: {  	s30 =	simm.s32 $0xEC20;
	p1 =	por $0x1, $0x1;
	s28 =	simm.s32 $0x0;
	v23 =	vsel vm2, v63, v23;
	v16 =	vimm.f32 $-2.000000000e+00;
	v17 =	vimm.s32 $0x40000000  }
.LBB2_21:
0x1af: {  	v24 =	vld [tilespmem:s30+$0xFFFFFFE0];
	v23 =	vor.u32 s28, v23;
	vm0 =	vgt.f32 v22, v16;
	v25 =	vmov v18;
	p2 =	sne.s32 s29, $0x1  }
.Ltmp16:
0x1b0: {  	v18 =	vld [tilespmem:s30+$0xFFFFFFF0];
	v16 =	vsel vm0, v22, v16;
	v17 =	vsel vm0, v23, v17;
	v22 =	vmov v19;
	(pc) =	sbr.rel @p2 .LBB2_21-.Ltmp16, $4  }
0x1b1: {  	vm0 =	vgt.f32 v25, v21;
	v19 =	vld [tilespmem:s30+$0x0];
	vm1 =	vgt.f32 v20, v22  }
0x1b2: {  	s29 =	sadd.s32 $0xFFFFFFFF, s29;
	v26 =	vsel vm0, v25, v21;
	v23 =	vsel vm0, v10, v0;
	v22 =	vsel vm1, v20, v22;
	v20 =	vld [tilespmem:s30+$0x10]  }
0x1b3: {  	v25 =	vsel vm1, v12, v11;
	vm0 =	vgt.f32 v22, v26  }
0x1b4: {  	s28 =	sadd.s32 $0x40, s28;
	s30 =	sadd.s32 $0x40, s30;
	v22 =	vsel vm0, v22, v26;
	v23 =	vsel vm0, v25, v23;
	v21 =	vmov v24  }
0x1b5: {  	v24 =	vmov v21  }
.LBB2_23:
0x1b6: {  	v21 =	vor.u32 @p1 s28, v23;
	vm0 =	vgt.f32 @p1 v22, v16  }
0x1b7: {  	vm1 =	vgt.f32 v18, v24;
	v16 =	vsel @p1 vm0, v22, v16;
	vm2 =	vgt.f32 v20, v19  }
0x1b8: {  	v17 =	vsel @p1 vm0, v21, v17;
	v18 =	vsel vm1, v18, v24;
	v19 =	vsel vm2, v20, v19  }
.Ltmp17:
0x1b9: {  	s1 =	sadd.s32 @p1 $0x40, s28;
	s28 =	simm.s32 $0x0;
	v61 =	vsel vm1, v10, v0;
	v62 =	vsel vm2, v12, v11;
	vm14 =	vgt.f32 v19, v18;
	(pc) =	sbr.rel .LBB2_24-.Ltmp17, $4  }
0x1ba: {  	s28 =	smov.u32 @p1 s1;
	v14 =	vpsel p1, v16, v14;
	v18 =	vsel vm14, v19, v18;
	v63 =	vsel vm14, v62, v61  }
0x1bb: {  	v15 =	vpsel p1, v17, v15;
	v16 =	vor.u32 s28, v63;
	vm15 =	vgt.f32 v18, v14  }
0x1bc: {  	v15 =	vsel vm15, v16, v15  }
0x1bd: {  	v14 =	vsel vm15, v18, v14;
	v15 =	vxor.u32 $0x80000000, v15  }
.LBB2_18:
.Ltmp18:
0x1be: {  	(pc) =	sbr.rel .LBB2_23-.Ltmp18, $2  }
0x1bf: {  	_ =	sdelay $0x2  }
0x1c0: {  	s28 =	simm.s32 $0x0;
	v16 =	vimm.f32 $-2.000000000e+00;
	v17 =	vimm.s32 $0x40000000  }
.LBB2_20:
.Ltmp19:
0x1c1: {  	(pc) =	sbr.rel .LBB2_23-.Ltmp19, $2  }
0x1c2: {  	_ =	sdelay $0x2  }
0x1c3: {  	s28 =	simm.s32 $0x0;
	v16 =	vimm.f32 $-2.000000000e+00;
	v17 =	vimm.s32 $0x40000000;
	v24 =	vmov v21  }
.LBB2_25:
0x1c4: {  	v14 =	vld [tilespmem:$0x18E80];
	_ =	sdelay $0x7  }
0x1c5: {  	v14 =	vld.idx.msk [tilespmem:v14+s17+$0x0], $0xffff;
	_ =	sdelay $0x5  }
0x1c6: {  	v16 =	vld [tilespmem:$0x18D80]  }
0x1c7: {  	v17 =	vld [tilespmem:$0x18E90]  }
0x1c8: {  	v15 =	vld.idx.msk [tilespmem:v14+s11+$0x0], $0xffff  }
0x1c9: {  	v14 =	vld.idx.msk [tilespmem:v14+s12+$0x0], $0xffff;
	_ =	sdelay $0x3  }
0x1ca: {  	vm0 =	vgt.f32 v16, $6.999999880e-01;
	[tilespmem:$0x18F80] =	vst v15  }
0x1cb: {  	v15 =	vsub.f32 v14, v15;
	[tilespmem:$0x19080] =	vst v14;
	v14 =	vsel vm0, $0x0, v13  }
0x1cc: {  	[tilespmem:$0x19280] =	vst v14  }
0x1cd: {  	[tilespmem:$0x19180] =	vst v15  }
0x1ce: {  	v14 =	vld.idx.msk [tilespmem:v17+s17+$0x0], $0xffff;
	_ =	sdelay $0x5  }
0x1cf: {  	v41 =	vld [tilespmem:$0x18D90]  }
0x1d0: {  	v42 =	vld [tilespmem:$0x18EA0]  }
0x1d1: {  	v15 =	vld.idx.msk [tilespmem:v14+s11+$0x0], $0xffff  }
0x1d2: {  	v14 =	vld.idx.msk [tilespmem:v14+s12+$0x0], $0xffff;
	_ =	sdelay $0x3  }
0x1d3: {  	vm4 =	vgt.f32 v41, $6.999999880e-01;
	[tilespmem:$0x18F90] =	vst v15  }
0x1d4: {  	v15 =	vsub.f32 v14, v15;
	[tilespmem:$0x19090] =	vst v14;
	v14 =	vsel vm4, $0x0, v13  }
0x1d5: {  	[tilespmem:$0x19290] =	vst v14  }
0x1d6: {  	[tilespmem:$0x19190] =	vst v15  }
0x1d7: {  	v14 =	vld.idx.msk [tilespmem:v42+s17+$0x0], $0xffff;
	_ =	sdelay $0x5  }
0x1d8: {  	v43 =	vld [tilespmem:$0x18DA0]  }
0x1d9: {  	v44 =	vld [tilespmem:$0x18EB0]  }
0x1da: {  	v15 =	vld.idx.msk [tilespmem:v14+s11+$0x0], $0xffff  }
0x1db: {  	v14 =	vld.idx.msk [tilespmem:v14+s12+$0x0], $0xffff;
	_ =	sdelay $0x3  }
0x1dc: {  	vm5 =	vgt.f32 v43, $6.999999880e-01;
	[tilespmem:$0x18FA0] =	vst v15  }
0x1dd: {  	v15 =	vsub.f32 v14, v15;
	[tilespmem:$0x190A0] =	vst v14;
	v14 =	vsel vm5, $0x0, v13  }
0x1de: {  	[tilespmem:$0x192A0] =	vst v14  }
0x1df: {  	[tilespmem:$0x191A0] =	vst v15  }
0x1e0: {  	v14 =	vld.idx.msk [tilespmem:v44+s17+$0x0], $0xffff;
	_ =	sdelay $0x5  }
0x1e1: {  	v45 =	vld [tilespmem:$0x18DB0]  }
0x1e2: {  	v46 =	vld [tilespmem:$0x18EC0]  }
0x1e3: {  	v15 =	vld.idx.msk [tilespmem:v14+s11+$0x0], $0xffff  }
0x1e4: {  	v14 =	vld.idx.msk [tilespmem:v14+s12+$0x0], $0xffff;
	_ =	sdelay $0x3  }
0x1e5: {  	vm6 =	vgt.f32 v45, $6.999999880e-01;
	[tilespmem:$0x18FB0] =	vst v15  }
0x1e6: {  	v15 =	vsub.f32 v14, v15;
	[tilespmem:$0x190B0] =	vst v14;
	v14 =	vsel vm6, $0x0, v13  }
0x1e7: {  	[tilespmem:$0x192B0] =	vst v14  }
0x1e8: {  	[tilespmem:$0x191B0] =	vst v15  }
0x1e9: {  	v14 =	vld.idx.msk [tilespmem:v46+s17+$0x0], $0xffff;
	_ =	sdelay $0x5  }
0x1ea: {  	v47 =	vld [tilespmem:$0x18DC0]  }
0x1eb: {  	v48 =	vld [tilespmem:$0x18ED0]  }
0x1ec: {  	v15 =	vld.idx.msk [tilespmem:v14+s11+$0x0], $0xffff  }
0x1ed: {  	v14 =	vld.idx.msk [tilespmem:v14+s12+$0x0], $0xffff;
	_ =	sdelay $0x3  }
0x1ee: {  	vm7 =	vgt.f32 v47, $6.999999880e-01;
	[tilespmem:$0x18FC0] =	vst v15  }
0x1ef: {  	v15 =	vsub.f32 v14, v15;
	[tilespmem:$0x190C0] =	vst v14;
	v14 =	vsel vm7, $0x0, v13  }
0x1f0: {  	[tilespmem:$0x192C0] =	vst v14  }
0x1f1: {  	[tilespmem:$0x191C0] =	vst v15  }
0x1f2: {  	v14 =	vld.idx.msk [tilespmem:v48+s17+$0x0], $0xffff;
	_ =	sdelay $0x5  }
0x1f3: {  	v49 =	vld [tilespmem:$0x18DD0]  }
0x1f4: {  	v50 =	vld [tilespmem:$0x18EE0]  }
0x1f5: {  	v15 =	vld.idx.msk [tilespmem:v14+s11+$0x0], $0xffff  }
0x1f6: {  	v14 =	vld.idx.msk [tilespmem:v14+s12+$0x0], $0xffff;
	_ =	sdelay $0x3  }
0x1f7: {  	vm8 =	vgt.f32 v49, $6.999999880e-01;
	[tilespmem:$0x18FD0] =	vst v15  }
0x1f8: {  	v15 =	vsub.f32 v14, v15;
	[tilespmem:$0x190D0] =	vst v14;
	v14 =	vsel vm8, $0x0, v13  }
0x1f9: {  	[tilespmem:$0x192D0] =	vst v14  }
0x1fa: {  	[tilespmem:$0x191D0] =	vst v15  }
0x1fb: {  	v14 =	vld.idx.msk [tilespmem:v50+s17+$0x0], $0xffff;
	_ =	sdelay $0x5  }
0x1fc: {  	v51 =	vld [tilespmem:$0x18DE0]  }
0x1fd: {  	v52 =	vld [tilespmem:$0x18EF0]  }
0x1fe: {  	v15 =	vld.idx.msk [tilespmem:v14+s11+$0x0], $0xffff  }
0x1ff: {  	v14 =	vld.idx.msk [tilespmem:v14+s12+$0x0], $0xffff;
	_ =	sdelay $0x3  }
0x200: {  	vm9 =	vgt.f32 v51, $6.999999880e-01;
	[tilespmem:$0x18FE0] =	vst v15  }
0x201: {  	v15 =	vsub.f32 v14, v15;
	[tilespmem:$0x190E0] =	vst v14;
	v14 =	vsel vm9, $0x0, v13  }
0x202: {  	[tilespmem:$0x192E0] =	vst v14  }
0x203: {  	[tilespmem:$0x191E0] =	vst v15  }
0x204: {  	v14 =	vld.idx.msk [tilespmem:v52+s17+$0x0], $0xffff;
	_ =	sdelay $0x5  }
0x205: {  	v53 =	vld [tilespmem:$0x18DF0]  }
0x206: {  	v54 =	vld [tilespmem:$0x18F00]  }
0x207: {  	v15 =	vld.idx.msk [tilespmem:v14+s11+$0x0], $0xffff  }
0x208: {  	v14 =	vld.idx.msk [tilespmem:v14+s12+$0x0], $0xffff;
	_ =	sdelay $0x3  }
0x209: {  	vm10 =	vgt.f32 v53, $6.999999880e-01;
	[tilespmem:$0x18FF0] =	vst v15  }
0x20a: {  	v15 =	vsub.f32 v14, v15;
	[tilespmem:$0x190F0] =	vst v14;
	v14 =	vsel vm10, $0x0, v13  }
0x20b: {  	[tilespmem:$0x192F0] =	vst v14  }
0x20c: {  	[tilespmem:$0x191F0] =	vst v15  }
0x20d: {  	v14 =	vld.idx.msk [tilespmem:v54+s17+$0x0], $0xffff;
	_ =	sdelay $0x5  }
0x20e: {  	v55 =	vld [tilespmem:$0x18E00]  }
0x20f: {  	v56 =	vld [tilespmem:$0x18F10]  }
0x210: {  	v15 =	vld.idx.msk [tilespmem:v14+s11+$0x0], $0xffff  }
0x211: {  	v14 =	vld.idx.msk [tilespmem:v14+s12+$0x0], $0xffff;
	_ =	sdelay $0x3  }
0x212: {  	vm11 =	vgt.f32 v55, $6.999999880e-01;
	[tilespmem:$0x19000] =	vst v15  }
0x213: {  	v15 =	vsub.f32 v14, v15;
	[tilespmem:$0x19100] =	vst v14;
	v14 =	vsel vm11, $0x0, v13  }
0x214: {  	[tilespmem:$0x19300] =	vst v14  }
0x215: {  	[tilespmem:$0x19200] =	vst v15  }
0x216: {  	v14 =	vld.idx.msk [tilespmem:v56+s17+$0x0], $0xffff;
	_ =	sdelay $0x5  }
0x217: {  	v57 =	vld [tilespmem:$0x18E10]  }
0x218: {  	v58 =	vld [tilespmem:$0x18F20]  }
0x219: {  	v15 =	vld.idx.msk [tilespmem:v14+s11+$0x0], $0xffff  }
0x21a: {  	v14 =	vld.idx.msk [tilespmem:v14+s12+$0x0], $0xffff;
	_ =	sdelay $0x3  }
0x21b: {  	vm12 =	vgt.f32 v57, $6.999999880e-01;
	[tilespmem:$0x19010] =	vst v15  }
0x21c: {  	v15 =	vsub.f32 v14, v15;
	[tilespmem:$0x19110] =	vst v14;
	v14 =	vsel vm12, $0x0, v13  }
0x21d: {  	[tilespmem:$0x19310] =	vst v14  }
0x21e: {  	[tilespmem:$0x19210] =	vst v15  }
0x21f: {  	v14 =	vld.idx.msk [tilespmem:v58+s17+$0x0], $0xffff;
	_ =	sdelay $0x5  }
0x220: {  	v59 =	vld [tilespmem:$0x18E20]  }
0x221: {  	v60 =	vld [tilespmem:$0x18F30]  }
0x222: {  	v15 =	vld.idx.msk [tilespmem:v14+s11+$0x0], $0xffff  }
0x223: {  	v14 =	vld.idx.msk [tilespmem:v14+s12+$0x0], $0xffff;
	_ =	sdelay $0x3  }
0x224: {  	vm13 =	vgt.f32 v59, $6.999999880e-01;
	[tilespmem:$0x19020] =	vst v15  }
0x225: {  	v15 =	vsub.f32 v14, v15;
	[tilespmem:$0x19120] =	vst v14;
	v14 =	vsel vm13, $0x0, v13  }
0x226: {  	[tilespmem:$0x19320] =	vst v14  }
0x227: {  	[tilespmem:$0x19220] =	vst v15  }
0x228: {  	v14 =	vld.idx.msk [tilespmem:v60+s17+$0x0], $0xffff;
	_ =	sdelay $0x5  }
0x229: {  	v61 =	vld [tilespmem:$0x18E30]  }
0x22a: {  	v62 =	vld [tilespmem:$0x18F40]  }
0x22b: {  	v15 =	vld.idx.msk [tilespmem:v14+s11+$0x0], $0xffff  }
0x22c: {  	v14 =	vld.idx.msk [tilespmem:v14+s12+$0x0], $0xffff;
	_ =	sdelay $0x3  }
0x22d: {  	vm14 =	vgt.f32 v61, $6.999999880e-01;
	[tilespmem:$0x19030] =	vst v15  }
0x22e: {  	v15 =	vsub.f32 v14, v15;
	[tilespmem:$0x19130] =	vst v14;
	v14 =	vsel vm14, $0x0, v13  }
0x22f: {  	[tilespmem:$0x19330] =	vst v14  }
0x230: {  	[tilespmem:$0x19230] =	vst v15  }
0x231: {  	v14 =	vld.idx.msk [tilespmem:v62+s17+$0x0], $0xffff;
	_ =	sdelay $0x6  }
0x232: {  	v63 =	vld [tilespmem:$0x18E40]  }
0x233: {  	v15 =	vld.idx.msk [tilespmem:v14+s11+$0x0], $0xffff  }
0x234: {  	v14 =	vld.idx.msk [tilespmem:v14+s12+$0x0], $0xffff;
	_ =	sdelay $0x2  }
.Ltmp20:
0x235: {  	_ = 	snop;
	(pc) =	sbr.rel .LBB2_26-.Ltmp20, $4  }
0x236: {  	vm15 =	vgt.f32 v63, $6.999999880e-01;
	[tilespmem:$0x19040] =	vst v15  }
0x237: {  	v15 =	vsub.f32 v14, v15;
	[tilespmem:$0x19140] =	vst v14;
	v14 =	vsel vm15, $0x0, v13  }
0x238: {  	[tilespmem:$0x19340] =	vst v14  }
0x239: {  	s24 =	simm.s32 $0x0;
	[tilespmem:$0x19240] =	vst v15  }
.LBB2_28:
0x23a: {  	s24 =	sadd.s32 $0x1, s24  }
0x23b: {  	p0 =	sne.s32 s24, $0xC8  }
.Ltmp21:
0x23c: {  	_ = 	snop;
	(pc) =	sbr.rel @!p0 .LBB2_29-.Ltmp21, $1  }
0x23d: {  	_ =	sdelay $0x3  }
.LBB2_26:
0x23e: {  	v14 =	vmov s24;
	_ =	sdelay $0x4  }
0x23f: {  	v15 =	vld.idx.msk [tilespmem:v14+s18+$0x0], $0xffff;
	_ =	sdelay $0x4  }
0x240: {  	(v2sf) =	vpush v15, $0x0;
	_ =	sdelay $0xe  }
0x241: {  	s1 =	spop (v2sf)  }
0x242: {  	p0 =	sne.f32 s1, $0.0e+00  }
.Ltmp22:
0x243: {  	_ = 	snop;
	(pc) =	sbr.rel @p0 .LBB2_28-.Ltmp22, $1  }
0x244: {  	_ =	sdelay $0x3  }
0x245: {  	_ =	sdelay $0x3  }
0x246: {  	v17 =	vld.idx.msk [tilespmem:v14+s19+$0x0], $0xffff  }
0x247: {  	v16 =	vld.idx.msk [tilespmem:v14+s20+$0x0], $0xffff;
	[tilespmem:v14+s21+$0x0] =	vst.idx.msk $0x1, v13  }
0x248: {  	v18 =	vld [tilespmem:$0x18F80]  }
0x249: {  	v19 =	vld [tilespmem:$0x19080]  }
0x24a: {  	v20 =	vld [tilespmem:$0x19180]  }
0x24b: {  	v21 =	vld [tilespmem:$0x18F90]  }
0x24c: {  	v22 =	vld [tilespmem:$0x19090]  }
0x24d: {  	v37 =	vld [tilespmem:$0x19190]  }
0x24e: {  	v23 =	vld [tilespmem:$0x18FA0]  }
0x24f: {  	v24 =	vld [tilespmem:$0x190A0]  }
0x250: {  	v38 =	vld [tilespmem:$0x191A0]  }
0x251: {  	v25 =	vld [tilespmem:$0x18FB0]  }
0x252: {  	v27 =	vld [tilespmem:$0x190C0]  }
0x253: {  	vm1 =	vne.s32 v14, v0;
	vm12 =	vne.s32 v14, v10;
	v48 =	vld [tilespmem:$0x18FE0]  }
0x254: {  	vm2 =	vne.s32 v14, v11;
	vm7 =	vne.s32 v14, v12;
	v40 =	vld [tilespmem:$0x190B0];
	v15 =	vsub.f32 v16, v17  }
0x255: {  	v26 =	vld [tilespmem:$0x191B0];
	v18 =	vmax.f32 v18, v17;
	v19 =	vmin.f32 v19, v16;
	v21 =	vmax.f32 v21, v17  }
0x256: {  	v41 =	vld [tilespmem:$0x18FC0];
	v22 =	vmin.f32 v22, v16;
	v23 =	vmax.f32 v23, v17;
	v24 =	vmin.f32 v24, v16  }
0x257: {  	v43 =	vld [tilespmem:$0x191C0];
	v25 =	vmax.f32 v25, v17;
	v27 =	vmin.f32 v27, v16;
	v18 =	vsub.f32 v19, v18  }
0x258: {  	v46 =	vld [tilespmem:$0x18FD0];
	v55 =	vmax.f32 v48, v17;
	v20 =	vadd.f32 v20, v15;
	v21 =	vsub.f32 v22, v21  }
0x259: {  	v28 =	vld [tilespmem:$0x190D0];
	v19 =	vadd.f32 v37, v15;
	v23 =	vsub.f32 v24, v23;
	v18 =	vmax.f32 v18, $0.0e+00  }
0x25a: {  	v29 =	vld [tilespmem:$0x190E0];
	v22 =	vadd.f32 v38, v15;
	v39 =	vmax.f32 v21, $0.0e+00;
	v20 =	vsub.f32 v20, v18  }
0x25b: {  	v50 =	vld [tilespmem:$0x191D0];
	v24 =	vmax.f32 v41, v17;
	v42 =	vmax.f32 v23, $0.0e+00;
	v19 =	vsub.f32 v19, v39  }
0x25c: {  	v30 =	vld [tilespmem:$0x191E0];
	v21 =	vmin.f32 v40, v16;
	v22 =	vsub.f32 v22, v42;
	v20 =	vmax.f32 v20, $9.999999960e-13  }
0x25d: {  	v63 =	vld [tilespmem:$0x19010];
	v21 =	vsub.f32 v21, v25;
	v19 =	vmax.f32 v19, $9.999999960e-13;
	(erf) = vrcp.f32 v20  }
0x25e: {  	v54 =	vld [tilespmem:$0x18FF0];
	v26 =	vadd.f32 v26, v15;
	v45 =	vsub.f32 v27, v24;
	(erf) = vrcp.f32 v19  }
0x25f: {  	v61 =	vld [tilespmem:$0x19000];
	v23 =	vadd.f32 v43, v15;
	v22 =	vmax.f32 v22, $9.999999960e-13;
	v21 =	vmax.f32 v21, $0.0e+00  }
0x260: {  	v48 =	vld [tilespmem:$0x19120];
	v26 =	vsub.f32 v26, v21;
	(erf) = vrcp.f32 v22;
	v22 =	vmax.f32 v45, $0.0e+00  }
0x261: {  	v52 =	vmax.f32 v46, v17;
	v53 =	vmin.f32 v28, v16;
	v40 =	vld [tilespmem:$0x19210];
	v23 =	vsub.f32 v23, v22  }
0x262: {  	v57 =	vld [tilespmem:$0x190F0];
	v56 =	vmin.f32 v29, v16;
	v46 =	vmax.f32 v63, v17;
	v26 =	vmax.f32 v26, $9.999999960e-13  }
0x263: {  	v33 =	vld [tilespmem:$0x19110];
	v38 =	vmax.f32 v54, v17;
	(erf) = vrcp.f32 v26;
	v23 =	vmax.f32 v23, $9.999999960e-13  }
0x264: {  	v54 =	vor.u32 $0x40, v0;
	v45 =	vld [tilespmem:$0x19020];
	(erf) = vrcp.f32 v23;
	v23 =	vsub.f32 v56, v55  }
0x265: {  	v60 =	vadd.f32 v30, v15;
	vm3 =	vne.s32 v14, v54;
	v43 =	vmax.f32 v61, v17  }
0x266: {  	v59 =	vld [tilespmem:$0x191F0];
	v61 =	vmin.f32 v48, v16;
	v28 =	vadd.f32 v40, v15;
	v23 =	vmax.f32 v23, $0.0e+00;
	v47 =	vpop (erf)  }
0x267: {  	v40 =	vor.u32 $0x60, v0;
	v26 =	vadd.f32 v50, v15;
	v62 =	vsub.f32 v60, v23;
	v49 =	vpop (erf)  }
0x268: {  	v18 =	vmul.f32 v47, v18;
	v47 =	vmin.f32 v33, v16;
	v20 =	vmul.f32 v49, v39  }
0x269: {  	v44 =	vld [tilespmem:$0x19280];
	v60 =	vmax.f32 v45, v17;
	v39 =	vmin.f32 v57, v16;
	v27 =	vsub.f32 v47, v46  }
0x26a: {  	v31 =	vld [tilespmem:$0x19100];
	v58 =	vpop (erf);
	v47 =	vor.u32 $0x80, v0;
	vm11 =	vgt.f32 v20, $5.000000000e-01;
	v20 =	vsub.f32 v53, v52  }
0x26b: {  	v50 =	vld [tilespmem:$0x19030];
	vm0 =	vgt.f32 v18, $5.000000000e-01;
	v19 =	vmul.f32 v58, v42;
	v42 =	vadd.f32 v59, v15  }
0x26c: {  	v35 =	vld [tilespmem:$0x19040];
	v32 =	vpop (erf);
	vm4 =	vne.s32 v14, v47;
	vm0 =	vmand vm1, vm0;
	v20 =	vmax.f32 v20, $0.0e+00  }
0x26d: {  	v51 =	vld [tilespmem:$0x19290];
	v21 =	vmul.f32 v32, v21;
	v52 =	vmax.f32 v27, $0.0e+00;
	v26 =	vsub.f32 v26, v20  }
0x26e: {  	v36 =	vld [tilespmem:$0x19200];
	v18 =	vsel vm0, $0x3F800000, v44;
	vm0 =	vmand vm12, vm11;
	vm13 =	vgt.f32 v19, $5.000000000e-01  }
0x26f: {  	v19 =	vmax.f32 v62, $9.999999960e-13;
	v44 =	vmin.f32 v31, v16;
	v26 =	vmax.f32 v26, $9.999999960e-13  }
0x270: {  	v28 =	vsub.f32 v28, v52;
	v62 =	vmax.f32 v50, v17;
	(erf) = vrcp.f32 v26  }
0x271: {  	v34 =	vld [tilespmem:$0x192A0];
	v17 =	vmax.f32 v35, v17;
	v37 =	vpop (erf);
	(erf) = vrcp.f32 v19;
	v19 =	vsub.f32 v39, v38  }
0x272: {  	v49 =	vld [tilespmem:$0x19220];
	vm12 =	vne.s32 v14, v40;
	v25 =	vsel vm0, $0x3F800000, v51;
	v24 =	vsub.f32 v44, v43  }
0x273: {  	v56 =	vld [tilespmem:$0x19140];
	vm14 =	vmand vm2, vm13;
	v26 =	vadd.f32 v36, v15;
	v19 =	vmax.f32 v19, $0.0e+00  }
0x274: {  	v53 =	vld [tilespmem:$0x19130];
	v41 =	vmul.f32 v37, v22;
	v24 =	vmax.f32 v24, $0.0e+00;
	v22 =	vsub.f32 v42, v19  }
0x275: {  	v59 =	vld [tilespmem:$0x19230];
	vm15 =	vgt.f32 v21, $5.000000000e-01;
	v43 =	vor.u32 $0x70, v0;
	v51 =	vsub.f32 v26, v24  }
0x276: {  	v33 =	vld [tilespmem:$0x192B0];
	v58 =	vmax.f32 v28, $9.999999960e-13;
	v35 =	vsel vm14, $0x3F800000, v34;
	v22 =	vmax.f32 v22, $9.999999960e-13  }
0x277: {  	v63 =	vld [tilespmem:$0x19240];
	v29 =	vadd.f32 v49, v15;
	v21 =	vmax.f32 v51, $9.999999960e-13;
	(erf) = vrcp.f32 v22  }
0x278: {  	vm0 =	vmand vm7, vm15;
	v37 =	vor.u32 $0x50, v0;
	(erf) = vrcp.f32 v21  }
0x279: {  	vm14 =	vne.s32 v14, v43;
	v27 =	vmin.f32 v53, v16;
	v21 =	vsub.f32 v61, v60  }
0x27a: {  	v28 =	vadd.f32 v59, v15;
	v16 =	vmin.f32 v56, v16;
	v27 =	vsub.f32 v27, v62  }
0x27b: {  	v30 =	vsel vm0, $0x3F800000, v33;
	v16 =	vsub.f32 v16, v17;
	v21 =	vmax.f32 v21, $0.0e+00  }
0x27c: {  	v15 =	vadd.f32 v63, v15;
	v27 =	vmax.f32 v27, $0.0e+00;
	v29 =	vsub.f32 v29, v21  }
0x27d: {  	v16 =	vmax.f32 v16, $0.0e+00;
	v28 =	vsub.f32 v28, v27;
	(erf) = vrcp.f32 v58  }
0x27e: {  	vm10 =	vne.s32 v14, v37;
	v36 =	vld [tilespmem:$0x192C0];
	v15 =	vsub.f32 v15, v16;
	v55 =	vpop (erf);
	v29 =	vmax.f32 v29, $9.999999960e-13  }
0x27f: {  	vm6 =	vgt.f32 v41, $5.000000000e-01;
	v28 =	vmax.f32 v28, $9.999999960e-13;
	v57 =	vpop (erf);
	(erf) = vrcp.f32 v29  }
0x280: {  	v53 =	vor.u32 $0x90, v0;
	v38 =	vld [tilespmem:$0x192D0];
	v15 =	vmax.f32 v15, $9.999999960e-13;
	(erf) = vrcp.f32 v28;
	v39 =	vpop (erf)  }
0x281: {  	vm8 =	vmand vm3, vm6;
	v20 =	vmul.f32 v55, v20;
	v42 =	vpop (erf);
	(erf) = vrcp.f32 v15  }
0x282: {  	v41 =	vld [tilespmem:$0x192E0];
	vm7 =	vne.s32 v14, v53;
	v63 =	vor.u32 $0xC0, v0;
	v23 =	vmul.f32 v57, v23  }
0x283: {  	v17 =	vsel vm8, $0x3F800000, v36;
	v61 =	vor.u32 $0xB0, v0;
	vm9 =	vgt.f32 v20, $5.000000000e-01  }
0x284: {  	v45 =	vld [tilespmem:$0x19300];
	[tilespmem:$0x19280] =	vst v18;
	v57 =	vor.u32 $0xA0, v0;
	vm11 =	vgt.f32 v23, $5.000000000e-01;
	vm0 =	vmand vm10, vm9  }
0x285: {  	[tilespmem:$0x19290] =	vst v25;
	vm10 =	vne.s32 v14, v57;
	v44 =	vsel vm0, $0x3F800000, v38;
	v19 =	vmul.f32 v39, v19;
	v15 =	vld [tilespmem:$0x192F0]  }
0x286: {  	[tilespmem:$0x192A0] =	vst v35;
	vm2 =	vmand vm12, vm11;
	vm12 =	vne.s32 v14, v61;
	v20 =	vmul.f32 v42, v24;
	v46 =	vpop (erf)  }
0x287: {  	v49 =	vld [tilespmem:$0x19310];
	[tilespmem:$0x192B0] =	vst v30;
	v50 =	vsel vm2, $0x3F800000, v41;
	vm13 =	vgt.f32 v19, $5.000000000e-01;
	v48 =	vmul.f32 v46, v52  }
0x288: {  	v54 =	vld [tilespmem:$0x19320];
	[tilespmem:$0x192C0] =	vst v17;
	vm15 =	vgt.f32 v20, $5.000000000e-01;
	vm0 =	vmand vm14, vm13;
	vm13 =	vne.s32 v14, v63;
	v51 =	vpop (erf)  }
0x289: {  	v58 =	vld [tilespmem:$0x19330];
	[tilespmem:$0x192D0] =	vst v44;
	vm5 =	vmand vm4, vm15;
	vm6 =	vgt.f32 v48, $5.000000000e-01;
	v52 =	vpop (erf);
	v21 =	vmul.f32 v51, v21  }
0x28a: {  	v60 =	vld [tilespmem:$0x19340];
	[tilespmem:$0x192E0] =	vst v50;
	v15 =	vsel vm0, $0x3F800000, v15;
	v56 =	vsel vm5, $0x3F800000, v45;
	v55 =	vmul.f32 v52, v27;
	v59 =	vpop (erf)  }
0x28b: {  	vm8 =	vmand vm7, vm6;
	[tilespmem:$0x192F0] =	vst v15;
	vm9 =	vgt.f32 v21, $5.000000000e-01;
	v15 =	vmul.f32 v59, v16  }
.Ltmp23:
0x28c: {  	v20 =	vsel vm8, $0x3F800000, v49;
	[tilespmem:$0x19300] =	vst v56;
	vm11 =	vgt.f32 v55, $5.000000000e-01;
	vm0 =	vmand vm10, vm9;
	(pc) =	sbr.rel .LBB2_28-.Ltmp23, $4  }
0x28d: {  	[tilespmem:$0x19310] =	vst v20;
	v62 =	vsel vm0, $0x3F800000, v54;
	vm0 =	vmand vm12, vm11;
	vm14 =	vgt.f32 v15, $5.000000000e-01  }
0x28e: {  	v14 =	vsel vm0, $0x3F800000, v58;
	[tilespmem:$0x19320] =	vst v62;
	vm15 =	vmand vm13, vm14  }
0x28f: {  	[tilespmem:$0x19330] =	vst v14;
	v14 =	vsel vm15, $0x3F800000, v60  }
0x290: {  	[tilespmem:$0x19340] =	vst v14  }
.LBB2_8:
.Ltmp24:
0x291: {  	(pc) =	sbr.rel .LBB2_12-.Ltmp24, $2  }
0x292: {  	_ =	sdelay $0x2  }
0x293: {  	s25 =	simm.s32 $0x13B80;
	s29 =	simm.s32 $0x0  }
.LBB2_10:
.Ltmp25:
0x294: {  	(pc) =	sbr.rel .LBB2_12-.Ltmp25, $2  }
0x295: {  	_ =	sdelay $0x2  }
0x296: {  	s25 =	simm.s32 $0x13B80;
	s29 =	simm.s32 $0x0  }
.LBB2_30:
0x297: {  	_ =	sfence.sel $0x180000  }
0x298: {  	[bflag:$0x0] =	sbarrier.arrive $0xFFFF  }
0x299: {  	_ =	strace $0x90000047  }
0x29a: {  	[bflag:$0x2] =	sbarrier.arrive $0xFFFF  }
0x29b: {  	p0 =	sne.s32 s0, $0x0;
	s0 =	rddreg [dreg:$0x2]  }
0x29c: {  	s0 =	sadd.s32 @!p0 $0x100000, s0  }
0x29d: {  	[sflag:s0] =	ssyncadd.tile.s32 @!p0 $0x1;
	_ =	shalt  }
.Lfunc_end2:
_tile_overlayer_lowered:
.L_overlay_start_2:
0x29e: {  	(tag) =	ssettag $0x2  }
0x29f: {  	s0 =	rddreg [dreg:$0x0];
	s2 =	stileid.u32  }
0x2a0: {  	s1 =	rddreg [dreg:$0x1];
	p0 =	sne.s32 s2, $0x0  }
0x2a1: {  	s3 =	rddreg [dreg:$0x2];
	[bflag:$0x3] =	sbarrier.arrive $0xFFFF;
	s2 =	simm.s32 @!p0 $0x1C01  }
0x2a2: {  	[timem:s3], [sflag:s2] =	dma.local @!p0 [hbm:s0], s1  }
0x2a3: {  	s0 =	simm.s32 @!p0 $0x1  }
0x2a4: {  	_ =	swait.ge @!p0 [sflag:s0], s1  }
0x2a5: {  	s1 =	ssub.s32 @!p0 $0x0, s1;
	[sflag:s0] =	ssyncset.done @!p0 $0x0  }
0x2a6: {  	[sflag:s0] =	ssyncadd.s32 @!p0 s1  }
0x2a7: {  	[bflag:$0x3] =	sbarrier.arrive $0xFFFF  }
0x2a8: {  	_ =	shalt  }

</sc_bundles>
